<compile_context>
chip_gen: v7x
topology: tpu7x:2x2x1
jax: 0.10.2.dev20260603
libtpu: 0.0.44.dev20260713+nightly
codegen_flags: <defaults>
</compile_context>

<pallas_src>
import functools

import jax
import jax.numpy as jnp
from jax import lax
from jax.experimental import pallas as pl
from jax.experimental.pallas import tpu as pltpu
from jax.experimental.pallas import tpu_sc as plsc

N = 10000
E = 320000
D = 128
NCLS = 16

_NUM_CORES = 2
_NUM_SUBCORES = 16
_NW = _NUM_CORES * _NUM_SUBCORES
_EPT = E // _NW
_CHUNK = 80
_NBUF = 3
_GA = 2
_LAG = _NBUF - _GA
_SLABCH = 25
_SLABPAD = 32
_NSG = _EPT // (_SLABCH * _CHUNK)
_ZSLAB = 200
_NSLAB = N // _ZSLAB


@functools.cache
def _sc_gather_scatter_kernel():
    mesh = plsc.VectorSubcoreMesh(core_axis_name="c", subcore_axis_name="s")

    @functools.partial(
        pl.kernel,
        mesh=mesh,
        out_type=jax.ShapeDtypeStruct((_NUM_CORES, N, D), jnp.float32),
        scratch_types=[
            pltpu.VMEM((2 * _SLABPAD, _CHUNK), jnp.int32),
            pltpu.VMEM((2 * _SLABPAD, _CHUNK), jnp.int32),
            pltpu.VMEM((_NBUF * _CHUNK, D), jnp.float32),
            pltpu.VMEM_SHARED((N, D), jnp.float32),
            pltpu.SemaphoreType.DMA,
            pltpu.SemaphoreType.DMA,
            pltpu.SemaphoreType.DMA,
        ],
    )
    def body(hw_hbm, src_hbm, dst_hbm, out_hbm, src_v, dst_v, rows_v, acc,
             gsem, ssem, isem):
        c = lax.axis_index("c")
        s = lax.axis_index("s")
        wid = c * _NUM_SUBCORES + s

        def zero_rows(t, carry):
            rows_v[t // (D // 16), pl.ds((t % (D // 16)) * 16, 16)] = (
                jnp.zeros((16,), jnp.float32))
            return carry

        lax.fori_loop(0, _ZSLAB * (D // 16), zero_rows, 0)

        nz = (_NSLAB + _NUM_SUBCORES - 1) // _NUM_SUBCORES
        for k in range(nz):
            j = s + k * _NUM_SUBCORES

            @pl.when(j < _NSLAB)
            def _():
                pltpu.async_copy(rows_v.at[pl.ds(0, _ZSLAB)],
                                 acc.at[pl.ds(j * _ZSLAB, _ZSLAB)], isem)

        for k in range(nz):
            j = s + k * _NUM_SUBCORES

            @pl.when(j < _NSLAB)
            def _():
                pltpu.make_async_copy(rows_v.at[pl.ds(0, _ZSLAB)],
                                      acc.at[pl.ds(0, _ZSLAB)], isem).wait()

        plsc.subcore_barrier()

        ebase = wid * _NSG
        nch = _SLABCH * _NSG

        def _irow(j):
            sg = j // _SLABCH
            return lax.rem(sg, 2) * _SLABPAD + (j - sg * _SLABCH)

        def _fire_gather(j):
            pltpu.async_copy(
                hw_hbm.at[src_v.at[_irow(j)]],
                rows_v.at[pl.ds(lax.rem(j, _NBUF) * _CHUNK, _CHUNK)], gsem)

        def _fire_scatter(j):
            pltpu.async_copy(
                rows_v.at[pl.ds(lax.rem(j, _NBUF) * _CHUNK, _CHUNK)],
                acc.at[dst_v.at[_irow(j)]], ssem, add=True)

        def _drain(sem, n):
            for _ in range(n):
                pltpu.make_async_copy(
                    hw_hbm.at[src_v.at[0]], rows_v.at[pl.ds(0, _CHUNK)],
                    sem).wait()

        pltpu.async_copy(src_hbm.at[ebase], src_v.at[pl.ds(0, _SLABPAD)],
                         isem).wait()
        pltpu.async_copy(dst_hbm.at[ebase], dst_v.at[pl.ds(0, _SLABPAD)],
                         isem).wait()
        pltpu.async_copy(src_hbm.at[ebase + 1],
                         src_v.at[pl.ds(_SLABPAD, _SLABPAD)], isem)
        pltpu.async_copy(dst_hbm.at[ebase + 1],
                         dst_v.at[pl.ds(_SLABPAD, _SLABPAD)], isem)
        for j0 in range(_GA):
            _fire_gather(j0)

        def step(j, carry):
            @pl.when((lax.rem(j + _GA, _SLABCH) == 0)
                     & (j + _GA > 0) & (j + _GA < nch))
            def _():
                sgn = (j + _GA) // _SLABCH
                base = lax.rem(sgn, 2) * _SLABPAD
                pltpu.make_async_copy(
                    src_hbm.at[ebase], src_v.at[pl.ds(base, _SLABPAD)],
                    isem).wait()
                pltpu.make_async_copy(
                    dst_hbm.at[ebase], dst_v.at[pl.ds(base, _SLABPAD)],
                    isem).wait()

            @pl.when((lax.rem(j, _SLABCH) == 2) & (j > _SLABCH)
                     & (j < (_NSG - 1) * _SLABCH))
            def _():
                sgp = j // _SLABCH + 1
                base = lax.rem(sgp, 2) * _SLABPAD
                pltpu.async_copy(src_hbm.at[ebase + sgp],
                                 src_v.at[pl.ds(base, _SLABPAD)], isem)
                pltpu.async_copy(dst_hbm.at[ebase + sgp],
                                 dst_v.at[pl.ds(base, _SLABPAD)], isem)

            @pl.when(j < nch)
            def _():
                _drain(gsem, 1)
                _fire_scatter(j)

            @pl.when((j >= _LAG) & (j < nch + _LAG))
            def _():
                _drain(ssem, 1)

            @pl.when(j + _GA < nch)
            def _():
                _fire_gather(j + _GA)

            return carry

        lax.fori_loop(0, nch + 2, step, 0)
        plsc.subcore_barrier()

        ndump = 0
        for k in range((_NSLAB + _NUM_SUBCORES - 1) // _NUM_SUBCORES):
            j = s + k * _NUM_SUBCORES

            @pl.when(j < _NSLAB)
            def _():
                pltpu.async_copy(acc.at[pl.ds(j * _ZSLAB, _ZSLAB)],
                                 out_hbm.at[c, pl.ds(j * _ZSLAB, _ZSLAB)],
                                 isem)

            ndump += 1

        for k in range(ndump):
            j = s + k * _NUM_SUBCORES

            @pl.when(j < _NSLAB)
            def _():
                pltpu.make_async_copy(
                    acc.at[pl.ds(0, _ZSLAB)],
                    out_hbm.at[c, pl.ds(0, _ZSLAB)], isem).wait()

    return body


def _sc_gather_scatter(hw, src3, dst3):
    return _sc_gather_scatter_kernel()(hw, src3, dst3)


_BR = 2000


def _tc_prep(feats, norm, w0l, t1l, w0g, t1g):
    def body(f_ref, n_ref, wl_ref, tl_ref, wg_ref, tg_ref, hw_ref, x_ref):
        wl = jnp.dot(wl_ref[...], tl_ref[...], preferred_element_type=jnp.float32)
        wg = jnp.dot(wg_ref[...], tg_ref[...], preferred_element_type=jnp.float32)
        f = f_ref[...]
        hw_ref[...] = jnp.dot(f, wl, preferred_element_type=jnp.float32) * n_ref[...]
        x_ref[...] = jnp.dot(f, wg, preferred_element_type=jnp.float32)

    dd = pl.BlockSpec((D, D), lambda i: (0, 0))
    return pl.pallas_call(
        body,
        grid=(N // _BR,),
        in_specs=[
            pl.BlockSpec((_BR, D), lambda i: (i, 0)),
            pl.BlockSpec((_BR, 1), lambda i: (i, 0)),
            dd, dd, dd, dd,
        ],
        out_specs=[pl.BlockSpec((_BR, D), lambda i: (i, 0))] * 2,
        out_shape=[jax.ShapeDtypeStruct((N, D), jnp.float32)] * 2,
        compiler_params=pltpu.CompilerParams(dimension_semantics=("parallel",)),
    )(feats, norm, w0l, t1l, w0g, t1g)


_BP = 400


def _tc_ppmi1(ppmi, x1, w1g, t2g, bias):
    def body(p_ref, x_ref, wg2_ref, tg2_ref, b_ref, x2_ref):
        wg2 = jnp.dot(wg2_ref[...], tg2_ref[...],
                      preferred_element_type=jnp.float32)
        y1 = (jnp.dot(p_ref[...], x_ref[...], preferred_element_type=jnp.float32)
              + b_ref[...])
        x2_ref[...] = jnp.dot(y1, wg2, preferred_element_type=jnp.float32)

    dd = pl.BlockSpec((D, D), lambda i: (0, 0))
    return pl.pallas_call(
        body,
        grid=(N // _BP,),
        in_specs=[
            pl.BlockSpec((_BP, N), lambda i: (i, 0)),
            pl.BlockSpec((N, D), lambda i: (0, 0)),
            dd, dd,
            pl.BlockSpec((1, D), lambda i: (0, 0)),
        ],
        out_specs=pl.BlockSpec((_BP, D), lambda i: (i, 0)),
        out_shape=jax.ShapeDtypeStruct((N, D), jnp.float32),
        compiler_params=pltpu.CompilerParams(
            dimension_semantics=("arbitrary",)),
    )(ppmi, x1, w1g, t2g, bias)


def _tc_ppmi2(ppmi, x, bias):
    def body(p_ref, x_ref, b_ref, o_ref):
        o_ref[...] = (jnp.dot(p_ref[...], x_ref[...],
                              preferred_element_type=jnp.float32)
                      + b_ref[...])

    return pl.pallas_call(
        body,
        grid=(N // _BP,),
        in_specs=[
            pl.BlockSpec((_BP, N), lambda i: (i, 0)),
            pl.BlockSpec((N, D), lambda i: (0, 0)),
            pl.BlockSpec((1, D), lambda i: (0, 0)),
        ],
        out_specs=pl.BlockSpec((_BP, D), lambda i: (i, 0)),
        out_shape=jax.ShapeDtypeStruct((N, D), jnp.float32),
        compiler_params=pltpu.CompilerParams(
            dimension_semantics=("arbitrary",)),
    )(ppmi, x, bias)


def _tc_mid(agg, norm, b0l, w1l, t2l, xdep):
    def body(a_ref, n_ref, b_ref, wl_ref, tl_ref, xd_ref, hw_ref):
        wl = jnp.dot(wl_ref[...], tl_ref[...], preferred_element_type=jnp.float32)
        nrm = n_ref[...]
        h1 = (a_ref[0] + a_ref[1]) * nrm + b_ref[...]
        hw_ref[...] = jnp.dot(h1, wl, preferred_element_type=jnp.float32) * nrm

    dd = pl.BlockSpec((D, D), lambda i: (0, 0))
    return pl.pallas_call(
        body,
        grid=(N // _BR,),
        in_specs=[
            pl.BlockSpec((_NUM_CORES, _BR, D), lambda i: (0, i, 0)),
            pl.BlockSpec((_BR, 1), lambda i: (i, 0)),
            pl.BlockSpec((1, D), lambda i: (0, 0)),
            dd, dd,
            pl.BlockSpec((8, D), lambda i: (0, 0)),
        ],
        out_specs=pl.BlockSpec((_BR, D), lambda i: (i, 0)),
        out_shape=jax.ShapeDtypeStruct((N, D), jnp.float32),
        compiler_params=pltpu.CompilerParams(dimension_semantics=("parallel",)),
    )(agg, norm, b0l, w1l, t2l, xdep)


def _tc_fuse(agg, norm, b1l, y2, wal, wag, wc, bc):
    def body(a_ref, n_ref, b_ref, y_ref, wal_ref, wag_ref, wc_ref, bc_ref,
             o_ref):
        hl = (a_ref[0] + a_ref[1]) * n_ref[...] + b_ref[...]
        hg = y_ref[...]
        logits = (jnp.dot(hl, wal_ref[...], preferred_element_type=jnp.float32)
                  + jnp.dot(hg, wag_ref[...], preferred_element_type=jnp.float32))
        m = jnp.max(logits, axis=1, keepdims=True)
        e = jnp.exp(logits - m)
        a = e / jnp.sum(e, axis=1, keepdims=True)
        z = a[:, 0:1] * hl + a[:, 1:2] * hg
        o_ref[...] = (jnp.dot(z, wc_ref[...], preferred_element_type=jnp.float32)
                      + bc_ref[...])

    return pl.pallas_call(
        body,
        grid=(N // _BR,),
        in_specs=[
            pl.BlockSpec((_NUM_CORES, _BR, D), lambda i: (0, i, 0)),
            pl.BlockSpec((_BR, 1), lambda i: (i, 0)),
            pl.BlockSpec((1, D), lambda i: (0, 0)),
            pl.BlockSpec((_BR, D), lambda i: (i, 0)),
            pl.BlockSpec((D, 2), lambda i: (0, 0)),
            pl.BlockSpec((D, 2), lambda i: (0, 0)),
            pl.BlockSpec((D, NCLS), lambda i: (0, 0)),
            pl.BlockSpec((1, NCLS), lambda i: (0, 0)),
        ],
        out_specs=pl.BlockSpec((_BR, NCLS), lambda i: (i, 0)),
        out_shape=jax.ShapeDtypeStruct((N, NCLS), jnp.float32),
        compiler_params=pltpu.CompilerParams(dimension_semantics=("parallel",)),
    )(agg, norm, b1l, y2, wal, wag, wc, bc)


def kernel(feats, edge_index, norm, tao_1_L, tao_2_L, tao_1_G, tao_2_G, PPMI,
           w0L, b0L, w1L, b1L, w0G, b0G, w1G, b1G, W_a, W_c, b_c):
    pad = ((0, 0), (0, _SLABPAD - _SLABCH), (0, 0))
    src3 = jnp.pad(edge_index[0].reshape(_NW * _NSG, _SLABCH, _CHUNK), pad)
    dst3 = jnp.pad(edge_index[1].reshape(_NW * _NSG, _SLABCH, _CHUNK), pad)

    hw1p, x1 = _tc_prep(feats, norm, w0L, tao_1_L, w0G, tao_1_G)
    agg1 = _sc_gather_scatter(hw1p, src3, dst3)
    x2 = _tc_ppmi1(PPMI, x1, w1G, tao_2_G, b0G.reshape(1, D))
    hw2p = _tc_mid(agg1, norm, b0L.reshape(1, D), w1L, tao_2_L, x2)
    agg2 = _sc_gather_scatter(hw2p, src3, dst3)
    y2 = _tc_ppmi2(PPMI, x2, b1G.reshape(1, D))
    return _tc_fuse(agg2, norm, b1L.reshape(1, D), y2,
                    W_a[:D], W_a[D:], W_c, b_c.reshape(1, NCLS))

# --- scband reference (transcript-rebuilt; emitter-appended) ---
"""Pipeline reference for scband-meta-learner-2267742732442 (READ-ONLY COPY).

The authoritative reference and input builder live on the scoring server;
editing this copy changes nothing except your own understanding.
"""

import jax, jax.numpy as jnp
import numpy as np

N = 10000
E = 320000
D = 128
NC = 16


def _uniform(key, shape, stdv):
    return jax.random.uniform(key, shape, minval=-stdv, maxval=stdv, dtype=jnp.float32)


def setup_inputs(seed: int = 0) -> dict:
    key = jax.random.key(seed)
    ks = jax.random.split(key, 24)
    feats = jax.random.normal(ks[0], (N, D), dtype=jnp.float32)
    edge_index = jax.random.randint(ks[1], (2, E), 0, N, dtype=jnp.int32)
    norm = jax.random.uniform(ks[2], (N, 1), dtype=jnp.float32)
    PPMI = jax.random.uniform(ks[3], (N, N), dtype=jnp.float32) * 0.001
    s = 1.0 / np.sqrt(D)
    tao_1_L = _uniform(ks[4], (D, D), s)
    tao_2_L = _uniform(ks[5], (D, D), s)
    tao_1_G = _uniform(ks[6], (D, D), s)
    tao_2_G = _uniform(ks[7], (D, D), s)
    # learned params, init like reset_parameters: w stdv=1/sqrt(out), b stdv=1/sqrt(in)
    w0L = _uniform(ks[8], (D, D), 1.0 / np.sqrt(D)); b0L = _uniform(ks[9], (D,), 1.0 / np.sqrt(D))
    w1L = _uniform(ks[10], (D, D), 1.0 / np.sqrt(D)); b1L = _uniform(ks[11], (D,), 1.0 / np.sqrt(D))
    w0G = _uniform(ks[12], (D, D), 1.0 / np.sqrt(D)); b0G = _uniform(ks[13], (D,), 1.0 / np.sqrt(D))
    w1G = _uniform(ks[14], (D, D), 1.0 / np.sqrt(D)); b1G = _uniform(ks[15], (D,), 1.0 / np.sqrt(D))
    W_a = _uniform(ks[16], (2 * D, 2), 1.0 / np.sqrt(2.0))
    W_c = _uniform(ks[17], (D, NC), 1.0 / np.sqrt(NC))
    b_c = _uniform(ks[18], (NC,), 1.0 / np.sqrt(D))
    return {
        'feats': feats, 'edge_index': edge_index, 'norm': norm,
        'tao_1_L': tao_1_L, 'tao_2_L': tao_2_L, 'tao_1_G': tao_1_G, 'tao_2_G': tao_2_G,
        'PPMI': PPMI,
        'w0L': w0L, 'b0L': b0L, 'w1L': w1L, 'b1L': b1L,
        'w0G': w0G, 'b0G': b0G, 'w1G': w1G, 'b1G': b1G,
        'W_a': W_a, 'W_c': W_c, 'b_c': b_c,
    }


def reference(feats, edge_index, norm, tao_1_L, tao_2_L, tao_1_G, tao_2_G, PPMI,
              w0L, b0L, w1L, b1L, w0G, b0G, w1G, b1G, W_a, W_c, b_c):
    src = edge_index[0]
    dst = edge_index[1]

    def gcn_layer(h, w, b):
        # g.ndata['h'] = h @ w; msg = h_src * norm_src; reduce = sum(msg) * norm_dst; + b
        hw = h @ w
        msg = hw[src] * norm[src]
        agg = jax.ops.segment_sum(msg, dst, num_segments=N)
        return agg * norm + b

    # Local branch (DGL message passing); activation entries are None -> identity
    h = feats
    h = gcn_layer(h, w0L @ tao_1_L, b0L)
    h = gcn_layer(h, w1L @ tao_2_L, b1L)
    H_L = h

    # Global branch (dense PPMI propagation)
    h = feats
    h = PPMI @ (h @ (w0G @ tao_1_G)) + b0G
    h = PPMI @ (h @ (w1G @ tao_2_G)) + b1G
    H_G = h

    # Attention fusion
    attn_in = jnp.concatenate([H_L, H_G], axis=1)
    attn = jax.nn.softmax(attn_in @ W_a, axis=1)
    Z = attn[:, 0:1] * H_L + attn[:, 1:2] * H_G
    Y = Z @ W_c + b_c
    return Y

if __name__ == "__main__":
    import jax
    _d = setup_inputs()
    print(jax.jit(kernel)(*tuple(_d.values())))

</pallas_src>

<mosaic_0001>
#map = affine_map<(d0, d1) -> (0, 0)>
#map1 = affine_map<(d0, d1) -> (0, 0, 0)>
module attributes {stable_mosaic.version = 14 : i64} {
  func.func @body(%arg0: i32, %arg1: i32, %arg2: memref<10000x128xf32, #tpu.memory_space<hbm>>, %arg3: memref<160x32x80xi32, #tpu.memory_space<hbm>>, %arg4: memref<160x32x80xi32, #tpu.memory_space<hbm>>, %arg5: memref<2x10000x128xf32, #tpu.memory_space<hbm>>, %arg6: memref<64x80xi32, #tpu.memory_space<vmem>>, %arg7: memref<64x80xi32, #tpu.memory_space<vmem>>, %arg8: memref<240x128xf32, #tpu.memory_space<vmem>>, %arg9: memref<10000x128xf32, #tpu.memory_space<vmem_shared>>, %arg10: memref<!tpu.dma_semaphore, #tpu.memory_space<semaphore_mem>>, %arg11: memref<!tpu.dma_semaphore, #tpu.memory_space<semaphore_mem>>, %arg12: memref<!tpu.dma_semaphore, #tpu.memory_space<semaphore_mem>>) attributes {dimension_semantics = [#tpu.dimension_semantics<core_parallel>, #tpu.dimension_semantics<subcore_parallel>], iteration_bounds = array<i64: 2, 16>, scalar_prefetch = 0 : i64, scratch_operands = 7 : i64, tpu.core_type = #tpu.core_type<sc_vector_subcore>, window_params = [{transform_indices = #map}, {transform_indices = #map1}, {transform_indices = #map1}, {transform_indices = #map1}]} {
    %mul3A = arith.constant 16 : i32
    %mul3A_0 = arith.muli %arg0, %mul3A : i32
    %add3A = arith.addi %mul3A_0, %arg1 : i32
    %scan3A = arith.constant 0 : i32
    %scan3A_1 = arith.constant 0 : i32
    %scan3A_2 = arith.constant 1600 : i32
    %scan3A_3 = arith.addi %scan3A_1, %scan3A_2 : i32
    %scan3A_4 = arith.constant 1 : i32
    scf.for %scan3A_249 = %scan3A_1 to %scan3A_3 step %scan3A_4  : i32 {
      %broadcast_in_dim3A = arith.constant 0.000000e+00 : f32
      %broadcast_in_dim3A_250 = vector.broadcast %broadcast_in_dim3A : f32 to vector<16xf32>
      %jit3A = arith.constant 8 : i32
      %div3A = arith.divsi %scan3A_249, %jit3A : i32
      %sign3A = arith.constant 0 : i32
      %sign3A_251 = arith.cmpi sgt, %scan3A_249, %sign3A : i32
      %sign3A_252 = arith.extui %sign3A_251 : i1 to i32
      %sign3A_253 = arith.constant 0 : i32
      %sign3A_254 = arith.cmpi slt, %scan3A_249, %sign3A_253 : i32
      %sign3A_255 = arith.extui %sign3A_254 : i1 to i32
      %sign3A_256 = arith.subi %sign3A_252, %sign3A_255 : i32
      %sign3A_257 = arith.constant 0 : i32
      %sign3A_258 = arith.cmpi sgt, %jit3A, %sign3A_257 : i32
      %sign3A_259 = arith.extui %sign3A_258 : i1 to i32
      %sign3A_260 = arith.constant 0 : i32
      %sign3A_261 = arith.cmpi slt, %jit3A, %sign3A_260 : i32
      %sign3A_262 = arith.extui %sign3A_261 : i1 to i32
      %sign3A_263 = arith.subi %sign3A_259, %sign3A_262 : i32
      %ne3A = arith.cmpi ne, %sign3A_256, %sign3A_263 : i32
      %rem3A_264 = arith.remsi %scan3A_249, %jit3A : i32
      %ne3A_265 = arith.constant 0 : i32
      %ne3A_266 = arith.cmpi ne, %rem3A_264, %ne3A_265 : i32
      %and3A = arith.andi %ne3A, %ne3A_266 : i1
      %sub3A = arith.constant 1 : i32
      %sub3A_267 = arith.subi %div3A, %sub3A : i32
      %select_n3A = arith.select %and3A, %sub3A_267, %div3A : i32
      %jit3A_268 = arith.constant 8 : i32
      %eq3A = arith.constant 0 : i32
      %eq3A_269 = arith.cmpi eq, %jit3A_268, %eq3A : i32
      %jit3A_270 = arith.constant 1 : i32
      %select_n3A_271 = arith.select %eq3A_269, %jit3A_270, %jit3A_268 : i32
      %rem3A_272 = arith.remsi %scan3A_249, %select_n3A_271 : i32
      %ne3A_273 = arith.constant 0 : i32
      %ne3A_274 = arith.cmpi ne, %rem3A_272, %ne3A_273 : i32
      %lt3A_275 = arith.constant 0 : i32
      %lt3A_276 = arith.cmpi slt, %rem3A_272, %lt3A_275 : i32
      %lt3A_277 = arith.constant 0 : i32
      %lt3A_278 = arith.cmpi slt, %select_n3A_271, %lt3A_277 : i32
      %ne3A_279 = arith.xori %lt3A_276, %lt3A_278 : i1
      %and3A_280 = arith.andi %ne3A_279, %ne3A_274 : i1
      %add3A_281 = arith.addi %rem3A_272, %select_n3A_271 : i32
      %select_n3A_282 = arith.select %and3A_280, %add3A_281, %rem3A_272 : i32
      %mul3A_283 = arith.constant 16 : i32
      %mul3A_284 = arith.muli %select_n3A_282, %mul3A_283 : i32
      %swap3A = arith.index_cast %select_n3A : i32 to index
      %swap3A_285 = arith.index_cast %mul3A_284 : i32 to index
      %swap3A_286 = tpu.vector_load %arg8[%swap3A, %swap3A_285] {strides = array<i32>} : memref<240x128xf32, #tpu.memory_space<vmem>>, vector<1x16xf32>,
      %swap3A_287 = vector.shape_cast %swap3A_286 : vector<1x16xf32> to vector<16xf32>
      %swap3A_288 = vector.shape_cast %broadcast_in_dim3A_250 : vector<16xf32> to vector<1x16xf32>
      tpu.vector_store %arg8[%swap3A, %swap3A_285], %swap3A_288 {strides = array<i32>} : memref<240x128xf32, #tpu.memory_space<vmem>>, vector<1x16xf32>,
    }
    %scan3A_5 = arith.constant 1600 : i32
    %add3A_6 = arith.constant 0 : i32
    %add3A_7 = arith.addi %arg1, %add3A_6 : i32
    %lt3A = arith.constant 50 : i32
    %lt3A_8 = arith.cmpi slt, %add3A_7, %lt3A : i32
    %convert_element_type3A = arith.extui %lt3A_8 : i1 to i32
    %cond3A = arith.constant 0 : i32
    %cond3A_9 = arith.cmpi ne, %convert_element_type3A, %cond3A : i32
    scf.if %cond3A_9 {
      %mul3A_249 = arith.constant 200 : i32
      %mul3A_250 = arith.muli %add3A_7, %mul3A_249 : i32
      %dma_start3A_251 = arith.constant 0 : i32
      %dma_start3A_252 = arith.constant 0 : i32
      %dma_start3A_253 = tpu.memref_slice %arg8[%dma_start3A_251, %dma_start3A_252] : memref<240x128xf32, #tpu.memory_space<vmem>> -> memref<200x128xf32, #tpu.memory_space<vmem>>
      %dma_start3A_254 = arith.constant 0 : i32
      %dma_start3A_255 = tpu.memref_slice %arg9[%mul3A_250, %dma_start3A_254] : memref<10000x128xf32, #tpu.memory_space<vmem_shared>> -> memref<200x128xf32, #tpu.memory_space<vmem_shared>>
      %dma_start3A_256 = arith.constant 0 : i32
      %dma_start3A_257 = tpu.memref_slice %arg9[%mul3A_250, %dma_start3A_256] : memref<10000x128xf32, #tpu.memory_space<vmem_shared>> -> memref<200x128xf32, #tpu.memory_space<vmem_shared>>
      %dma_start3A_258 = arith.constant 0 : i32
      %dma_start3A_259 = arith.constant 0 : i32
      %dma_start3A_260 = tpu.memref_slice %arg8[%dma_start3A_258, %dma_start3A_259] : memref<240x128xf32, #tpu.memory_space<vmem>> -> memref<200x128xf32, #tpu.memory_space<vmem>>
      tpu.enqueue_dma source(%dma_start3A_260 : memref<200x128xf32, #tpu.memory_space<vmem>>) target(%dma_start3A_257 : memref<200x128xf32, #tpu.memory_space<vmem_shared>>) target_semaphore(%arg12 : memref<!tpu.dma_semaphore, #tpu.memory_space<semaphore_mem>>)
    } else {
    }
    %add3A_10 = arith.constant 16 : i32
    %add3A_11 = arith.addi %arg1, %add3A_10 : i32
    %lt3A_12 = arith.constant 50 : i32
    %lt3A_13 = arith.cmpi slt, %add3A_11, %lt3A_12 : i32
    %convert_element_type3A_14 = arith.extui %lt3A_13 : i1 to i32
    %cond3A_15 = arith.constant 0 : i32
    %cond3A_16 = arith.cmpi ne, %convert_element_type3A_14, %cond3A_15 : i32
    scf.if %cond3A_16 {
      %mul3A_249 = arith.constant 200 : i32
      %mul3A_250 = arith.muli %add3A_11, %mul3A_249 : i32
      %dma_start3A_251 = arith.constant 0 : i32
      %dma_start3A_252 = arith.constant 0 : i32
      %dma_start3A_253 = tpu.memref_slice %arg8[%dma_start3A_251, %dma_start3A_252] : memref<240x128xf32, #tpu.memory_space<vmem>> -> memref<200x128xf32, #tpu.memory_space<vmem>>
      %dma_start3A_254 = arith.constant 0 : i32
      %dma_start3A_255 = tpu.memref_slice %arg9[%mul3A_250, %dma_start3A_254] : memref<10000x128xf32, #tpu.memory_space<vmem_shared>> -> memref<200x128xf32, #tpu.memory_space<vmem_shared>>
      %dma_start3A_256 = arith.constant 0 : i32
      %dma_start3A_257 = tpu.memref_slice %arg9[%mul3A_250, %dma_start3A_256] : memref<10000x128xf32, #tpu.memory_space<vmem_shared>> -> memref<200x128xf32, #tpu.memory_space<vmem_shared>>
      %dma_start3A_258 = arith.constant 0 : i32
      %dma_start3A_259 = arith.constant 0 : i32
      %dma_start3A_260 = tpu.memref_slice %arg8[%dma_start3A_258, %dma_start3A_259] : memref<240x128xf32, #tpu.memory_space<vmem>> -> memref<200x128xf32, #tpu.memory_space<vmem>>
      tpu.enqueue_dma source(%dma_start3A_260 : memref<200x128xf32, #tpu.memory_space<vmem>>) target(%dma_start3A_257 : memref<200x128xf32, #tpu.memory_space<vmem_shared>>) target_semaphore(%arg12 : memref<!tpu.dma_semaphore, #tpu.memory_space<semaphore_mem>>)
    } else {
    }
    %add3A_17 = arith.constant 32 : i32
    %add3A_18 = arith.addi %arg1, %add3A_17 : i32
    %lt3A_19 = arith.constant 50 : i32
    %lt3A_20 = arith.cmpi slt, %add3A_18, %lt3A_19 : i32
    %convert_element_type3A_21 = arith.extui %lt3A_20 : i1 to i32
    %cond3A_22 = arith.constant 0 : i32
    %cond3A_23 = arith.cmpi ne, %convert_element_type3A_21, %cond3A_22 : i32
    scf.if %cond3A_23 {
      %mul3A_249 = arith.constant 200 : i32
      %mul3A_250 = arith.muli %add3A_18, %mul3A_249 : i32
      %dma_start3A_251 = arith.constant 0 : i32
      %dma_start3A_252 = arith.constant 0 : i32
      %dma_start3A_253 = tpu.memref_slice %arg8[%dma_start3A_251, %dma_start3A_252] : memref<240x128xf32, #tpu.memory_space<vmem>> -> memref<200x128xf32, #tpu.memory_space<vmem>>
      %dma_start3A_254 = arith.constant 0 : i32
      %dma_start3A_255 = tpu.memref_slice %arg9[%mul3A_250, %dma_start3A_254] : memref<10000x128xf32, #tpu.memory_space<vmem_shared>> -> memref<200x128xf32, #tpu.memory_space<vmem_shared>>
      %dma_start3A_256 = arith.constant 0 : i32
      %dma_start3A_257 = tpu.memref_slice %arg9[%mul3A_250, %dma_start3A_256] : memref<10000x128xf32, #tpu.memory_space<vmem_shared>> -> memref<200x128xf32, #tpu.memory_space<vmem_shared>>
      %dma_start3A_258 = arith.constant 0 : i32
      %dma_start3A_259 = arith.constant 0 : i32
      %dma_start3A_260 = tpu.memref_slice %arg8[%dma_start3A_258, %dma_start3A_259] : memref<240x128xf32, #tpu.memory_space<vmem>> -> memref<200x128xf32, #tpu.memory_space<vmem>>
      tpu.enqueue_dma source(%dma_start3A_260 : memref<200x128xf32, #tpu.memory_space<vmem>>) target(%dma_start3A_257 : memref<200x128xf32, #tpu.memory_space<vmem_shared>>) target_semaphore(%arg12 : memref<!tpu.dma_semaphore, #tpu.memory_space<semaphore_mem>>)
    } else {
    }
    %add3A_24 = arith.constant 48 : i32
    %add3A_25 = arith.addi %arg1, %add3A_24 : i32
    %lt3A_26 = arith.constant 50 : i32
    %lt3A_27 = arith.cmpi slt, %add3A_25, %lt3A_26 : i32
    %convert_element_type3A_28 = arith.extui %lt3A_27 : i1 to i32
    %cond3A_29 = arith.constant 0 : i32
    %cond3A_30 = arith.cmpi ne, %convert_element_type3A_28, %cond3A_29 : i32
    scf.if %cond3A_30 {
      %mul3A_249 = arith.constant 200 : i32
      %mul3A_250 = arith.muli %add3A_25, %mul3A_249 : i32
      %dma_start3A_251 = arith.constant 0 : i32
      %dma_start3A_252 = arith.constant 0 : i32
      %dma_start3A_253 = tpu.memref_slice %arg8[%dma_start3A_251, %dma_start3A_252] : memref<240x128xf32, #tpu.memory_space<vmem>> -> memref<200x128xf32, #tpu.memory_space<vmem>>
      %dma_start3A_254 = arith.constant 0 : i32
      %dma_start3A_255 = tpu.memref_slice %arg9[%mul3A_250, %dma_start3A_254] : memref<10000x128xf32, #tpu.memory_space<vmem_shared>> -> memref<200x128xf32, #tpu.memory_space<vmem_shared>>
      %dma_start3A_256 = arith.constant 0 : i32
      %dma_start3A_257 = tpu.memref_slice %arg9[%mul3A_250, %dma_start3A_256] : memref<10000x128xf32, #tpu.memory_space<vmem_shared>> -> memref<200x128xf32, #tpu.memory_space<vmem_shared>>
      %dma_start3A_258 = arith.constant 0 : i32
      %dma_start3A_259 = arith.constant 0 : i32
      %dma_start3A_260 = tpu.memref_slice %arg8[%dma_start3A_258, %dma_start3A_259] : memref<240x128xf32, #tpu.memory_space<vmem>> -> memref<200x128xf32, #tpu.memory_space<vmem>>
      tpu.enqueue_dma source(%dma_start3A_260 : memref<200x128xf32, #tpu.memory_space<vmem>>) target(%dma_start3A_257 : memref<200x128xf32, #tpu.memory_space<vmem_shared>>) target_semaphore(%arg12 : memref<!tpu.dma_semaphore, #tpu.memory_space<semaphore_mem>>)
    } else {
    }
    %add3A_31 = arith.constant 0 : i32
    %add3A_32 = arith.addi %arg1, %add3A_31 : i32
    %lt3A_33 = arith.constant 50 : i32
    %lt3A_34 = arith.cmpi slt, %add3A_32, %lt3A_33 : i32
    %convert_element_type3A_35 = arith.extui %lt3A_34 : i1 to i32
    %cond3A_36 = arith.constant 0 : i32
    %cond3A_37 = arith.cmpi ne, %convert_element_type3A_35, %cond3A_36 : i32
    scf.if %cond3A_37 {
      %dma_wait3A_249 = arith.constant 0 : i32
      %dma_wait3A_250 = arith.constant 0 : i32
      %dma_wait3A_251 = tpu.memref_slice %arg8[%dma_wait3A_249, %dma_wait3A_250] : memref<240x128xf32, #tpu.memory_space<vmem>> -> memref<200x128xf32, #tpu.memory_space<vmem>>
      %dma_wait3A_252 = arith.constant 0 : i32
      %dma_wait3A_253 = arith.constant 0 : i32
      %dma_wait3A_254 = tpu.memref_slice %arg9[%dma_wait3A_252, %dma_wait3A_253] : memref<10000x128xf32, #tpu.memory_space<vmem_shared>> -> memref<200x128xf32, #tpu.memory_space<vmem_shared>>
      %dma_wait3A_255 = arith.constant 0 : i32
      %dma_wait3A_256 = arith.constant 0 : i32
      %dma_wait3A_257 = tpu.memref_slice %arg9[%dma_wait3A_255, %dma_wait3A_256] : memref<10000x128xf32, #tpu.memory_space<vmem_shared>> -> memref<200x128xf32, #tpu.memory_space<vmem_shared>>
      %dma_wait3A_258 = arith.constant 0 : i32
      %dma_wait3A_259 = arith.constant 0 : i32
      %dma_wait3A_260 = tpu.memref_slice %arg8[%dma_wait3A_258, %dma_wait3A_259] : memref<240x128xf32, #tpu.memory_space<vmem>> -> memref<200x128xf32, #tpu.memory_space<vmem>>
      tpu.wait_dma2 semaphore(%arg12 : memref<!tpu.dma_semaphore, #tpu.memory_space<semaphore_mem>>) src(%dma_wait3A_260 : memref<200x128xf32, #tpu.memory_space<vmem>>) dst(%dma_wait3A_257 : memref<200x128xf32, #tpu.memory_space<vmem_shared>>)
    } else {
    }
    %add3A_38 = arith.constant 16 : i32
    %add3A_39 = arith.addi %arg1, %add3A_38 : i32
    %lt3A_40 = arith.constant 50 : i32
    %lt3A_41 = arith.cmpi slt, %add3A_39, %lt3A_40 : i32
    %convert_element_type3A_42 = arith.extui %lt3A_41 : i1 to i32
    %cond3A_43 = arith.constant 0 : i32
    %cond3A_44 = arith.cmpi ne, %convert_element_type3A_42, %cond3A_43 : i32
    scf.if %cond3A_44 {
      %dma_wait3A_249 = arith.constant 0 : i32
      %dma_wait3A_250 = arith.constant 0 : i32
      %dma_wait3A_251 = tpu.memref_slice %arg8[%dma_wait3A_249, %dma_wait3A_250] : memref<240x128xf32, #tpu.memory_space<vmem>> -> memref<200x128xf32, #tpu.memory_space<vmem>>
      %dma_wait3A_252 = arith.constant 0 : i32
      %dma_wait3A_253 = arith.constant 0 : i32
      %dma_wait3A_254 = tpu.memref_slice %arg9[%dma_wait3A_252, %dma_wait3A_253] : memref<10000x128xf32, #tpu.memory_space<vmem_shared>> -> memref<200x128xf32, #tpu.memory_space<vmem_shared>>
      %dma_wait3A_255 = arith.constant 0 : i32
      %dma_wait3A_256 = arith.constant 0 : i32
      %dma_wait3A_257 = tpu.memref_slice %arg9[%dma_wait3A_255, %dma_wait3A_256] : memref<10000x128xf32, #tpu.memory_space<vmem_shared>> -> memref<200x128xf32, #tpu.memory_space<vmem_shared>>
      %dma_wait3A_258 = arith.constant 0 : i32
      %dma_wait3A_259 = arith.constant 0 : i32
      %dma_wait3A_260 = tpu.memref_slice %arg8[%dma_wait3A_258, %dma_wait3A_259] : memref<240x128xf32, #tpu.memory_space<vmem>> -> memref<200x128xf32, #tpu.memory_space<vmem>>
      tpu.wait_dma2 semaphore(%arg12 : memref<!tpu.dma_semaphore, #tpu.memory_space<semaphore_mem>>) src(%dma_wait3A_260 : memref<200x128xf32, #tpu.memory_space<vmem>>) dst(%dma_wait3A_257 : memref<200x128xf32, #tpu.memory_space<vmem_shared>>)
    } else {
    }
    %add3A_45 = arith.constant 32 : i32
    %add3A_46 = arith.addi %arg1, %add3A_45 : i32
    %lt3A_47 = arith.constant 50 : i32
    %lt3A_48 = arith.cmpi slt, %add3A_46, %lt3A_47 : i32
    %convert_element_type3A_49 = arith.extui %lt3A_48 : i1 to i32
    %cond3A_50 = arith.constant 0 : i32
    %cond3A_51 = arith.cmpi ne, %convert_element_type3A_49, %cond3A_50 : i32
    scf.if %cond3A_51 {
      %dma_wait3A_249 = arith.constant 0 : i32
      %dma_wait3A_250 = arith.constant 0 : i32
      %dma_wait3A_251 = tpu.memref_slice %arg8[%dma_wait3A_249, %dma_wait3A_250] : memref<240x128xf32, #tpu.memory_space<vmem>> -> memref<200x128xf32, #tpu.memory_space<vmem>>
      %dma_wait3A_252 = arith.constant 0 : i32
      %dma_wait3A_253 = arith.constant 0 : i32
      %dma_wait3A_254 = tpu.memref_slice %arg9[%dma_wait3A_252, %dma_wait3A_253] : memref<10000x128xf32, #tpu.memory_space<vmem_shared>> -> memref<200x128xf32, #tpu.memory_space<vmem_shared>>
      %dma_wait3A_255 = arith.constant 0 : i32
      %dma_wait3A_256 = arith.constant 0 : i32
      %dma_wait3A_257 = tpu.memref_slice %arg9[%dma_wait3A_255, %dma_wait3A_256] : memref<10000x128xf32, #tpu.memory_space<vmem_shared>> -> memref<200x128xf32, #tpu.memory_space<vmem_shared>>
      %dma_wait3A_258 = arith.constant 0 : i32
      %dma_wait3A_259 = arith.constant 0 : i32
      %dma_wait3A_260 = tpu.memref_slice %arg8[%dma_wait3A_258, %dma_wait3A_259] : memref<240x128xf32, #tpu.memory_space<vmem>> -> memref<200x128xf32, #tpu.memory_space<vmem>>
      tpu.wait_dma2 semaphore(%arg12 : memref<!tpu.dma_semaphore, #tpu.memory_space<semaphore_mem>>) src(%dma_wait3A_260 : memref<200x128xf32, #tpu.memory_space<vmem>>) dst(%dma_wait3A_257 : memref<200x128xf32, #tpu.memory_space<vmem_shared>>)
    } else {
    }
    %add3A_52 = arith.constant 48 : i32
    %add3A_53 = arith.addi %arg1, %add3A_52 : i32
    %lt3A_54 = arith.constant 50 : i32
    %lt3A_55 = arith.cmpi slt, %add3A_53, %lt3A_54 : i32
    %convert_element_type3A_56 = arith.extui %lt3A_55 : i1 to i32
    %cond3A_57 = arith.constant 0 : i32
    %cond3A_58 = arith.cmpi ne, %convert_element_type3A_56, %cond3A_57 : i32
    scf.if %cond3A_58 {
      %dma_wait3A_249 = arith.constant 0 : i32
      %dma_wait3A_250 = arith.constant 0 : i32
      %dma_wait3A_251 = tpu.memref_slice %arg8[%dma_wait3A_249, %dma_wait3A_250] : memref<240x128xf32, #tpu.memory_space<vmem>> -> memref<200x128xf32, #tpu.memory_space<vmem>>
      %dma_wait3A_252 = arith.constant 0 : i32
      %dma_wait3A_253 = arith.constant 0 : i32
      %dma_wait3A_254 = tpu.memref_slice %arg9[%dma_wait3A_252, %dma_wait3A_253] : memref<10000x128xf32, #tpu.memory_space<vmem_shared>> -> memref<200x128xf32, #tpu.memory_space<vmem_shared>>
      %dma_wait3A_255 = arith.constant 0 : i32
      %dma_wait3A_256 = arith.constant 0 : i32
      %dma_wait3A_257 = tpu.memref_slice %arg9[%dma_wait3A_255, %dma_wait3A_256] : memref<10000x128xf32, #tpu.memory_space<vmem_shared>> -> memref<200x128xf32, #tpu.memory_space<vmem_shared>>
      %dma_wait3A_258 = arith.constant 0 : i32
      %dma_wait3A_259 = arith.constant 0 : i32
      %dma_wait3A_260 = tpu.memref_slice %arg8[%dma_wait3A_258, %dma_wait3A_259] : memref<240x128xf32, #tpu.memory_space<vmem>> -> memref<200x128xf32, #tpu.memory_space<vmem>>
      tpu.wait_dma2 semaphore(%arg12 : memref<!tpu.dma_semaphore, #tpu.memory_space<semaphore_mem>>) src(%dma_wait3A_260 : memref<200x128xf32, #tpu.memory_space<vmem>>) dst(%dma_wait3A_257 : memref<200x128xf32, #tpu.memory_space<vmem_shared>>)
    } else {
    }
    %barrier3A = arith.constant 0 : index
    tpu.barrier barrier_id(%barrier3A)
    %mul3A_59 = arith.constant 5 : i32
    %mul3A_60 = arith.muli %add3A, %mul3A_59 : i32
    %dma_start3A = arith.constant 0 : i32
    %dma_start3A_61 = arith.constant 0 : i32
    %dma_start3A_62 = tpu.memref_slice %arg6[%dma_start3A, %dma_start3A_61] : memref<64x80xi32, #tpu.memory_space<vmem>> -> memref<32x80xi32, #tpu.memory_space<vmem>>
    %dma_start3A_63 = arith.constant 0 : i32
    %dma_start3A_64 = arith.constant 0 : i32
    %dma_start3A_65 = tpu.memref_slice %arg3[%mul3A_60, %dma_start3A_63, %dma_start3A_64] : memref<160x32x80xi32, #tpu.memory_space<hbm>> -> memref<1x32x80xi32, #tpu.memory_space<hbm>>
    %dma_start3A_66 = tpu.memref_squeeze %dma_start3A_65 : memref<1x32x80xi32, #tpu.memory_space<hbm>> -> memref<32x80xi32, #tpu.memory_space<hbm>>
    %dma_start3A_67 = arith.constant 0 : i32
    %dma_start3A_68 = arith.constant 0 : i32
    %dma_start3A_69 = tpu.memref_slice %arg6[%dma_start3A_67, %dma_start3A_68] : memref<64x80xi32, #tpu.memory_space<vmem>> -> memref<32x80xi32, #tpu.memory_space<vmem>>
    %dma_start3A_70 = arith.constant 0 : i32
    %dma_start3A_71 = arith.constant 0 : i32
    %dma_start3A_72 = tpu.memref_slice %arg3[%mul3A_60, %dma_start3A_70, %dma_start3A_71] : memref<160x32x80xi32, #tpu.memory_space<hbm>> -> memref<1x32x80xi32, #tpu.memory_space<hbm>>
    %dma_start3A_73 = tpu.memref_squeeze %dma_start3A_72 : memref<1x32x80xi32, #tpu.memory_space<hbm>> -> memref<32x80xi32, #tpu.memory_space<hbm>>
    tpu.enqueue_dma source(%dma_start3A_73 : memref<32x80xi32, #tpu.memory_space<hbm>>) target(%dma_start3A_69 : memref<32x80xi32, #tpu.memory_space<vmem>>) target_semaphore(%arg12 : memref<!tpu.dma_semaphore, #tpu.memory_space<semaphore_mem>>)
    %dma_wait3A = arith.constant 0 : i32
    %dma_wait3A_74 = arith.constant 0 : i32
    %dma_wait3A_75 = tpu.memref_slice %arg6[%dma_wait3A, %dma_wait3A_74] : memref<64x80xi32, #tpu.memory_space<vmem>> -> memref<32x80xi32, #tpu.memory_space<vmem>>
    %dma_wait3A_76 = arith.constant 0 : i32
    %dma_wait3A_77 = arith.constant 0 : i32
    %dma_wait3A_78 = tpu.memref_slice %arg3[%mul3A_60, %dma_wait3A_76, %dma_wait3A_77] : memref<160x32x80xi32, #tpu.memory_space<hbm>> -> memref<1x32x80xi32, #tpu.memory_space<hbm>>
    %dma_wait3A_79 = tpu.memref_squeeze %dma_wait3A_78 : memref<1x32x80xi32, #tpu.memory_space<hbm>> -> memref<32x80xi32, #tpu.memory_space<hbm>>
    %dma_wait3A_80 = arith.constant 0 : i32
    %dma_wait3A_81 = arith.constant 0 : i32
    %dma_wait3A_82 = tpu.memref_slice %arg6[%dma_wait3A_80, %dma_wait3A_81] : memref<64x80xi32, #tpu.memory_space<vmem>> -> memref<32x80xi32, #tpu.memory_space<vmem>>
    %dma_wait3A_83 = arith.constant 0 : i32
    %dma_wait3A_84 = arith.constant 0 : i32
    %dma_wait3A_85 = tpu.memref_slice %arg3[%mul3A_60, %dma_wait3A_83, %dma_wait3A_84] : memref<160x32x80xi32, #tpu.memory_space<hbm>> -> memref<1x32x80xi32, #tpu.memory_space<hbm>>
    %dma_wait3A_86 = tpu.memref_squeeze %dma_wait3A_85 : memref<1x32x80xi32, #tpu.memory_space<hbm>> -> memref<32x80xi32, #tpu.memory_space<hbm>>
    tpu.wait_dma2 semaphore(%arg12 : memref<!tpu.dma_semaphore, #tpu.memory_space<semaphore_mem>>) src(%dma_wait3A_86 : memref<32x80xi32, #tpu.memory_space<hbm>>) dst(%dma_wait3A_82 : memref<32x80xi32, #tpu.memory_space<vmem>>)
    %dma_start3A_87 = arith.constant 0 : i32
    %dma_start3A_88 = arith.constant 0 : i32
    %dma_start3A_89 = tpu.memref_slice %arg7[%dma_start3A_87, %dma_start3A_88] : memref<64x80xi32, #tpu.memory_space<vmem>> -> memref<32x80xi32, #tpu.memory_space<vmem>>
    %dma_start3A_90 = arith.constant 0 : i32
    %dma_start3A_91 = arith.constant 0 : i32
    %dma_start3A_92 = tpu.memref_slice %arg4[%mul3A_60, %dma_start3A_90, %dma_start3A_91] : memref<160x32x80xi32, #tpu.memory_space<hbm>> -> memref<1x32x80xi32, #tpu.memory_space<hbm>>
    %dma_start3A_93 = tpu.memref_squeeze %dma_start3A_92 : memref<1x32x80xi32, #tpu.memory_space<hbm>> -> memref<32x80xi32, #tpu.memory_space<hbm>>
    %dma_start3A_94 = arith.constant 0 : i32
    %dma_start3A_95 = arith.constant 0 : i32
    %dma_start3A_96 = tpu.memref_slice %arg7[%dma_start3A_94, %dma_start3A_95] : memref<64x80xi32, #tpu.memory_space<vmem>> -> memref<32x80xi32, #tpu.memory_space<vmem>>
    %dma_start3A_97 = arith.constant 0 : i32
    %dma_start3A_98 = arith.constant 0 : i32
    %dma_start3A_99 = tpu.memref_slice %arg4[%mul3A_60, %dma_start3A_97, %dma_start3A_98] : memref<160x32x80xi32, #tpu.memory_space<hbm>> -> memref<1x32x80xi32, #tpu.memory_space<hbm>>
    %dma_start3A_100 = tpu.memref_squeeze %dma_start3A_99 : memref<1x32x80xi32, #tpu.memory_space<hbm>> -> memref<32x80xi32, #tpu.memory_space<hbm>>
    tpu.enqueue_dma source(%dma_start3A_100 : memref<32x80xi32, #tpu.memory_space<hbm>>) target(%dma_start3A_96 : memref<32x80xi32, #tpu.memory_space<vmem>>) target_semaphore(%arg12 : memref<!tpu.dma_semaphore, #tpu.memory_space<semaphore_mem>>)
    %dma_wait3A_101 = arith.constant 0 : i32
    %dma_wait3A_102 = arith.constant 0 : i32
    %dma_wait3A_103 = tpu.memref_slice %arg7[%dma_wait3A_101, %dma_wait3A_102] : memref<64x80xi32, #tpu.memory_space<vmem>> -> memref<32x80xi32, #tpu.memory_space<vmem>>
    %dma_wait3A_104 = arith.constant 0 : i32
    %dma_wait3A_105 = arith.constant 0 : i32
    %dma_wait3A_106 = tpu.memref_slice %arg4[%mul3A_60, %dma_wait3A_104, %dma_wait3A_105] : memref<160x32x80xi32, #tpu.memory_space<hbm>> -> memref<1x32x80xi32, #tpu.memory_space<hbm>>
    %dma_wait3A_107 = tpu.memref_squeeze %dma_wait3A_106 : memref<1x32x80xi32, #tpu.memory_space<hbm>> -> memref<32x80xi32, #tpu.memory_space<hbm>>
    %dma_wait3A_108 = arith.constant 0 : i32
    %dma_wait3A_109 = arith.constant 0 : i32
    %dma_wait3A_110 = tpu.memref_slice %arg7[%dma_wait3A_108, %dma_wait3A_109] : memref<64x80xi32, #tpu.memory_space<vmem>> -> memref<32x80xi32, #tpu.memory_space<vmem>>
    %dma_wait3A_111 = arith.constant 0 : i32
    %dma_wait3A_112 = arith.constant 0 : i32
    %dma_wait3A_113 = tpu.memref_slice %arg4[%mul3A_60, %dma_wait3A_111, %dma_wait3A_112] : memref<160x32x80xi32, #tpu.memory_space<hbm>> -> memref<1x32x80xi32, #tpu.memory_space<hbm>>
    %dma_wait3A_114 = tpu.memref_squeeze %dma_wait3A_113 : memref<1x32x80xi32, #tpu.memory_space<hbm>> -> memref<32x80xi32, #tpu.memory_space<hbm>>
    tpu.wait_dma2 semaphore(%arg12 : memref<!tpu.dma_semaphore, #tpu.memory_space<semaphore_mem>>) src(%dma_wait3A_114 : memref<32x80xi32, #tpu.memory_space<hbm>>) dst(%dma_wait3A_110 : memref<32x80xi32, #tpu.memory_space<vmem>>)
    %add3A_115 = arith.constant 1 : i32
    %add3A_116 = arith.addi %mul3A_60, %add3A_115 : i32
    %dma_start3A_117 = arith.constant 32 : i32
    %dma_start3A_118 = arith.constant 0 : i32
    %dma_start3A_119 = tpu.memref_slice %arg6[%dma_start3A_117, %dma_start3A_118] : memref<64x80xi32, #tpu.memory_space<vmem>> -> memref<32x80xi32, #tpu.memory_space<vmem>>
    %dma_start3A_120 = arith.constant 0 : i32
    %dma_start3A_121 = arith.constant 0 : i32
    %dma_start3A_122 = tpu.memref_slice %arg3[%add3A_116, %dma_start3A_120, %dma_start3A_121] : memref<160x32x80xi32, #tpu.memory_space<hbm>> -> memref<1x32x80xi32, #tpu.memory_space<hbm>>
    %dma_start3A_123 = tpu.memref_squeeze %dma_start3A_122 : memref<1x32x80xi32, #tpu.memory_space<hbm>> -> memref<32x80xi32, #tpu.memory_space<hbm>>
    %dma_start3A_124 = arith.constant 32 : i32
    %dma_start3A_125 = arith.constant 0 : i32
    %dma_start3A_126 = tpu.memref_slice %arg6[%dma_start3A_124, %dma_start3A_125] : memref<64x80xi32, #tpu.memory_space<vmem>> -> memref<32x80xi32, #tpu.memory_space<vmem>>
    %dma_start3A_127 = arith.constant 0 : i32
    %dma_start3A_128 = arith.constant 0 : i32
    %dma_start3A_129 = tpu.memref_slice %arg3[%add3A_116, %dma_start3A_127, %dma_start3A_128] : memref<160x32x80xi32, #tpu.memory_space<hbm>> -> memref<1x32x80xi32, #tpu.memory_space<hbm>>
    %dma_start3A_130 = tpu.memref_squeeze %dma_start3A_129 : memref<1x32x80xi32, #tpu.memory_space<hbm>> -> memref<32x80xi32, #tpu.memory_space<hbm>>
    tpu.enqueue_dma source(%dma_start3A_130 : memref<32x80xi32, #tpu.memory_space<hbm>>) target(%dma_start3A_126 : memref<32x80xi32, #tpu.memory_space<vmem>>) target_semaphore(%arg12 : memref<!tpu.dma_semaphore, #tpu.memory_space<semaphore_mem>>)
    %add3A_131 = arith.constant 1 : i32
    %add3A_132 = arith.addi %mul3A_60, %add3A_131 : i32
    %dma_start3A_133 = arith.constant 32 : i32
    %dma_start3A_134 = arith.constant 0 : i32
    %dma_start3A_135 = tpu.memref_slice %arg7[%dma_start3A_133, %dma_start3A_134] : memref<64x80xi32, #tpu.memory_space<vmem>> -> memref<32x80xi32, #tpu.memory_space<vmem>>
    %dma_start3A_136 = arith.constant 0 : i32
    %dma_start3A_137 = arith.constant 0 : i32
    %dma_start3A_138 = tpu.memref_slice %arg4[%add3A_132, %dma_start3A_136, %dma_start3A_137] : memref<160x32x80xi32, #tpu.memory_space<hbm>> -> memref<1x32x80xi32, #tpu.memory_space<hbm>>
    %dma_start3A_139 = tpu.memref_squeeze %dma_start3A_138 : memref<1x32x80xi32, #tpu.memory_space<hbm>> -> memref<32x80xi32, #tpu.memory_space<hbm>>
    %dma_start3A_140 = arith.constant 32 : i32
    %dma_start3A_141 = arith.constant 0 : i32
    %dma_start3A_142 = tpu.memref_slice %arg7[%dma_start3A_140, %dma_start3A_141] : memref<64x80xi32, #tpu.memory_space<vmem>> -> memref<32x80xi32, #tpu.memory_space<vmem>>
    %dma_start3A_143 = arith.constant 0 : i32
    %dma_start3A_144 = arith.constant 0 : i32
    %dma_start3A_145 = tpu.memref_slice %arg4[%add3A_132, %dma_start3A_143, %dma_start3A_144] : memref<160x32x80xi32, #tpu.memory_space<hbm>> -> memref<1x32x80xi32, #tpu.memory_space<hbm>>
    %dma_start3A_146 = tpu.memref_squeeze %dma_start3A_145 : memref<1x32x80xi32, #tpu.memory_space<hbm>> -> memref<32x80xi32, #tpu.memory_space<hbm>>
    tpu.enqueue_dma source(%dma_start3A_146 : memref<32x80xi32, #tpu.memory_space<hbm>>) target(%dma_start3A_142 : memref<32x80xi32, #tpu.memory_space<vmem>>) target_semaphore(%arg12 : memref<!tpu.dma_semaphore, #tpu.memory_space<semaphore_mem>>)
    %rem3A = arith.constant 0 : i32
    %rem3A_147 = arith.constant 2 : i32
    %rem3A_148 = arith.remsi %rem3A, %rem3A_147 : i32
    %mul3A_149 = arith.constant 32 : i32
    %mul3A_150 = arith.muli %rem3A_148, %mul3A_149 : i32
    %add3A_151 = arith.constant 0 : i32
    %add3A_152 = arith.addi %mul3A_150, %add3A_151 : i32
    %rem3A_153 = arith.constant 0 : i32
    %rem3A_154 = arith.constant 3 : i32
    %rem3A_155 = arith.remsi %rem3A_153, %rem3A_154 : i32
    %mul3A_156 = arith.constant 80 : i32
    %mul3A_157 = arith.muli %rem3A_155, %mul3A_156 : i32
    %dma_start3A_158 = arith.constant 0 : i32
    %dma_start3A_159 = tpu.memref_slice %arg8[%mul3A_157, %dma_start3A_158] : memref<240x128xf32, #tpu.memory_space<vmem>> -> memref<80x128xf32, #tpu.memory_space<vmem>>
    %dma_start3A_160 = arith.constant 0 : i32
    %dma_start3A_161 = tpu.memref_slice %arg6[%add3A_152, %dma_start3A_160] : memref<64x80xi32, #tpu.memory_space<vmem>> -> memref<1x80xi32, #tpu.memory_space<vmem>>
    %dma_start3A_162 = tpu.memref_squeeze %dma_start3A_161 : memref<1x80xi32, #tpu.memory_space<vmem>> -> memref<80xi32, #tpu.memory_space<vmem>>
    %dma_start3A_163 = arith.constant 0 : i32
    %dma_start3A_164 = arith.constant 0 : i32
    %dma_start3A_165 = tpu.memref_slice %arg2[%dma_start3A_163, %dma_start3A_164] : memref<10000x128xf32, #tpu.memory_space<hbm>> -> memref<10000x128xf32, #tpu.memory_space<hbm>>
    tpu.enqueue_indirect_dma source(%dma_start3A_165 : memref<10000x128xf32, #tpu.memory_space<hbm>>) target(%dma_start3A_159 : memref<80x128xf32, #tpu.memory_space<vmem>>) offsets(%dma_start3A_162 : memref<80xi32, #tpu.memory_space<vmem>>) semaphore(%arg10 : memref<!tpu.dma_semaphore, #tpu.memory_space<semaphore_mem>>)
    %rem3A_166 = arith.constant 0 : i32
    %rem3A_167 = arith.constant 2 : i32
    %rem3A_168 = arith.remsi %rem3A_166, %rem3A_167 : i32
    %mul3A_169 = arith.constant 32 : i32
    %mul3A_170 = arith.muli %rem3A_168, %mul3A_169 : i32
    %add3A_171 = arith.constant 1 : i32
    %add3A_172 = arith.addi %mul3A_170, %add3A_171 : i32
    %rem3A_173 = arith.constant 1 : i32
    %rem3A_174 = arith.constant 3 : i32
    %rem3A_175 = arith.remsi %rem3A_173, %rem3A_174 : i32
    %mul3A_176 = arith.constant 80 : i32
    %mul3A_177 = arith.muli %rem3A_175, %mul3A_176 : i32
    %dma_start3A_178 = arith.constant 0 : i32
    %dma_start3A_179 = tpu.memref_slice %arg8[%mul3A_177, %dma_start3A_178] : memref<240x128xf32, #tpu.memory_space<vmem>> -> memref<80x128xf32, #tpu.memory_space<vmem>>
    %dma_start3A_180 = arith.constant 0 : i32
    %dma_start3A_181 = tpu.memref_slice %arg6[%add3A_172, %dma_start3A_180] : memref<64x80xi32, #tpu.memory_space<vmem>> -> memref<1x80xi32, #tpu.memory_space<vmem>>
    %dma_start3A_182 = tpu.memref_squeeze %dma_start3A_181 : memref<1x80xi32, #tpu.memory_space<vmem>> -> memref<80xi32, #tpu.memory_space<vmem>>
    %dma_start3A_183 = arith.constant 0 : i32
    %dma_start3A_184 = arith.constant 0 : i32
    %dma_start3A_185 = tpu.memref_slice %arg2[%dma_start3A_183, %dma_start3A_184] : memref<10000x128xf32, #tpu.memory_space<hbm>> -> memref<10000x128xf32, #tpu.memory_space<hbm>>
    tpu.enqueue_indirect_dma source(%dma_start3A_185 : memref<10000x128xf32, #tpu.memory_space<hbm>>) target(%dma_start3A_179 : memref<80x128xf32, #tpu.memory_space<vmem>>) offsets(%dma_start3A_182 : memref<80xi32, #tpu.memory_space<vmem>>) semaphore(%arg10 : memref<!tpu.dma_semaphore, #tpu.memory_space<semaphore_mem>>)
    %scan3A_186 = arith.constant 0 : i32
    %scan3A_187 = arith.constant 0 : i32
    %scan3A_188 = arith.constant 127 : i32
    %scan3A_189 = arith.addi %scan3A_187, %scan3A_188 : i32
    %scan3A_190 = arith.constant 1 : i32
    scf.for %scan3A_249 = %scan3A_187 to %scan3A_189 step %scan3A_190  : i32 {
      %add3A_250 = arith.constant 2 : i32
      %add3A_251 = arith.addi %scan3A_249, %add3A_250 : i32
      %rem3A_252 = arith.constant 25 : i32
      %rem3A_253 = arith.remsi %add3A_251, %rem3A_252 : i32
      %eq3A = arith.constant 0 : i32
      %eq3A_254 = arith.cmpi eq, %rem3A_253, %eq3A : i32
      %add3A_255 = arith.constant 2 : i32
      %add3A_256 = arith.addi %scan3A_249, %add3A_255 : i32
      %gt3A = arith.constant 0 : i32
      %gt3A_257 = arith.cmpi sgt, %add3A_256, %gt3A : i32
      %and3A = arith.andi %eq3A_254, %gt3A_257 : i1
      %add3A_258 = arith.constant 2 : i32
      %add3A_259 = arith.addi %scan3A_249, %add3A_258 : i32
      %lt3A_260 = arith.constant 125 : i32
      %lt3A_261 = arith.cmpi slt, %add3A_259, %lt3A_260 : i32
      %and3A_262 = arith.andi %and3A, %lt3A_261 : i1
      %convert_element_type3A_263 = arith.extui %and3A_262 : i1 to i32
      %cond3A_264 = arith.constant 0 : i32
      %cond3A_265 = arith.cmpi ne, %convert_element_type3A_263, %cond3A_264 : i32
      scf.if %cond3A_265 {
        %add3A_298 = arith.constant 2 : i32
        %add3A_299 = arith.addi %scan3A_249, %add3A_298 : i32
        %jit3A = arith.constant 25 : i32
        %div3A = arith.divsi %add3A_299, %jit3A : i32
        %sign3A = arith.constant 0 : i32
        %sign3A_300 = arith.cmpi sgt, %add3A_299, %sign3A : i32
        %sign3A_301 = arith.extui %sign3A_300 : i1 to i32
        %sign3A_302 = arith.constant 0 : i32
        %sign3A_303 = arith.cmpi slt, %add3A_299, %sign3A_302 : i32
        %sign3A_304 = arith.extui %sign3A_303 : i1 to i32
        %sign3A_305 = arith.subi %sign3A_301, %sign3A_304 : i32
        %sign3A_306 = arith.constant 0 : i32
        %sign3A_307 = arith.cmpi sgt, %jit3A, %sign3A_306 : i32
        %sign3A_308 = arith.extui %sign3A_307 : i1 to i32
        %sign3A_309 = arith.constant 0 : i32
        %sign3A_310 = arith.cmpi slt, %jit3A, %sign3A_309 : i32
        %sign3A_311 = arith.extui %sign3A_310 : i1 to i32
        %sign3A_312 = arith.subi %sign3A_308, %sign3A_311 : i32
        %ne3A = arith.cmpi ne, %sign3A_305, %sign3A_312 : i32
        %rem3A_313 = arith.remsi %add3A_299, %jit3A : i32
        %ne3A_314 = arith.constant 0 : i32
        %ne3A_315 = arith.cmpi ne, %rem3A_313, %ne3A_314 : i32
        %and3A_316 = arith.andi %ne3A, %ne3A_315 : i1
        %sub3A = arith.constant 1 : i32
        %sub3A_317 = arith.subi %div3A, %sub3A : i32
        %select_n3A = arith.select %and3A_316, %sub3A_317, %div3A : i32
        %rem3A_318 = arith.constant 2 : i32
        %rem3A_319 = arith.remsi %select_n3A, %rem3A_318 : i32
        %mul3A_320 = arith.constant 32 : i32
        %mul3A_321 = arith.muli %rem3A_319, %mul3A_320 : i32
        %dma_wait3A_322 = arith.constant 0 : i32
        %dma_wait3A_323 = tpu.memref_slice %arg6[%mul3A_321, %dma_wait3A_322] : memref<64x80xi32, #tpu.memory_space<vmem>> -> memref<32x80xi32, #tpu.memory_space<vmem>>
        %dma_wait3A_324 = arith.constant 0 : i32
        %dma_wait3A_325 = arith.constant 0 : i32
        %dma_wait3A_326 = tpu.memref_slice %arg3[%mul3A_60, %dma_wait3A_324, %dma_wait3A_325] : memref<160x32x80xi32, #tpu.memory_space<hbm>> -> memref<1x32x80xi32, #tpu.memory_space<hbm>>
        %dma_wait3A_327 = tpu.memref_squeeze %dma_wait3A_326 : memref<1x32x80xi32, #tpu.memory_space<hbm>> -> memref<32x80xi32, #tpu.memory_space<hbm>>
        %dma_wait3A_328 = arith.constant 0 : i32
        %dma_wait3A_329 = tpu.memref_slice %arg6[%mul3A_321, %dma_wait3A_328] : memref<64x80xi32, #tpu.memory_space<vmem>> -> memref<32x80xi32, #tpu.memory_space<vmem>>
        %dma_wait3A_330 = arith.constant 0 : i32
        %dma_wait3A_331 = arith.constant 0 : i32
        %dma_wait3A_332 = tpu.memref_slice %arg3[%mul3A_60, %dma_wait3A_330, %dma_wait3A_331] : memref<160x32x80xi32, #tpu.memory_space<hbm>> -> memref<1x32x80xi32, #tpu.memory_space<hbm>>
        %dma_wait3A_333 = tpu.memref_squeeze %dma_wait3A_332 : memref<1x32x80xi32, #tpu.memory_space<hbm>> -> memref<32x80xi32, #tpu.memory_space<hbm>>
        tpu.wait_dma2 semaphore(%arg12 : memref<!tpu.dma_semaphore, #tpu.memory_space<semaphore_mem>>) src(%dma_wait3A_333 : memref<32x80xi32, #tpu.memory_space<hbm>>) dst(%dma_wait3A_329 : memref<32x80xi32, #tpu.memory_space<vmem>>)
        %dma_wait3A_334 = arith.constant 0 : i32
        %dma_wait3A_335 = tpu.memref_slice %arg7[%mul3A_321, %dma_wait3A_334] : memref<64x80xi32, #tpu.memory_space<vmem>> -> memref<32x80xi32, #tpu.memory_space<vmem>>
        %dma_wait3A_336 = arith.constant 0 : i32
        %dma_wait3A_337 = arith.constant 0 : i32
        %dma_wait3A_338 = tpu.memref_slice %arg4[%mul3A_60, %dma_wait3A_336, %dma_wait3A_337] : memref<160x32x80xi32, #tpu.memory_space<hbm>> -> memref<1x32x80xi32, #tpu.memory_space<hbm>>
        %dma_wait3A_339 = tpu.memref_squeeze %dma_wait3A_338 : memref<1x32x80xi32, #tpu.memory_space<hbm>> -> memref<32x80xi32, #tpu.memory_space<hbm>>
        %dma_wait3A_340 = arith.constant 0 : i32
        %dma_wait3A_341 = tpu.memref_slice %arg7[%mul3A_321, %dma_wait3A_340] : memref<64x80xi32, #tpu.memory_space<vmem>> -> memref<32x80xi32, #tpu.memory_space<vmem>>
        %dma_wait3A_342 = arith.constant 0 : i32
        %dma_wait3A_343 = arith.constant 0 : i32
        %dma_wait3A_344 = tpu.memref_slice %arg4[%mul3A_60, %dma_wait3A_342, %dma_wait3A_343] : memref<160x32x80xi32, #tpu.memory_space<hbm>> -> memref<1x32x80xi32, #tpu.memory_space<hbm>>
        %dma_wait3A_345 = tpu.memref_squeeze %dma_wait3A_344 : memref<1x32x80xi32, #tpu.memory_space<hbm>> -> memref<32x80xi32, #tpu.memory_space<hbm>>
        tpu.wait_dma2 semaphore(%arg12 : memref<!tpu.dma_semaphore, #tpu.memory_space<semaphore_mem>>) src(%dma_wait3A_345 : memref<32x80xi32, #tpu.memory_space<hbm>>) dst(%dma_wait3A_341 : memref<32x80xi32, #tpu.memory_space<vmem>>)
      } else {
      }
      %rem3A_266 = arith.constant 25 : i32
      %rem3A_267 = arith.remsi %scan3A_249, %rem3A_266 : i32
      %eq3A_268 = arith.constant 2 : i32
      %eq3A_269 = arith.cmpi eq, %rem3A_267, %eq3A_268 : i32
      %gt3A_270 = arith.constant 25 : i32
      %gt3A_271 = arith.cmpi sgt, %scan3A_249, %gt3A_270 : i32
      %and3A_272 = arith.andi %eq3A_269, %gt3A_271 : i1
      %lt3A_273 = arith.constant 100 : i32
      %lt3A_274 = arith.cmpi slt, %scan3A_249, %lt3A_273 : i32
      %and3A_275 = arith.andi %and3A_272, %lt3A_274 : i1
      %convert_element_type3A_276 = arith.extui %and3A_275 : i1 to i32
      %cond3A_277 = arith.constant 0 : i32
      %cond3A_278 = arith.cmpi ne, %convert_element_type3A_276, %cond3A_277 : i32
      scf.if %cond3A_278 {
        %jit3A = arith.constant 25 : i32
        %div3A = arith.divsi %scan3A_249, %jit3A : i32
        %sign3A = arith.constant 0 : i32
        %sign3A_298 = arith.cmpi sgt, %scan3A_249, %sign3A : i32
        %sign3A_299 = arith.extui %sign3A_298 : i1 to i32
        %sign3A_300 = arith.constant 0 : i32
        %sign3A_301 = arith.cmpi slt, %scan3A_249, %sign3A_300 : i32
        %sign3A_302 = arith.extui %sign3A_301 : i1 to i32
        %sign3A_303 = arith.subi %sign3A_299, %sign3A_302 : i32
        %sign3A_304 = arith.constant 0 : i32
        %sign3A_305 = arith.cmpi sgt, %jit3A, %sign3A_304 : i32
        %sign3A_306 = arith.extui %sign3A_305 : i1 to i32
        %sign3A_307 = arith.constant 0 : i32
        %sign3A_308 = arith.cmpi slt, %jit3A, %sign3A_307 : i32
        %sign3A_309 = arith.extui %sign3A_308 : i1 to i32
        %sign3A_310 = arith.subi %sign3A_306, %sign3A_309 : i32
        %ne3A = arith.cmpi ne, %sign3A_303, %sign3A_310 : i32
        %rem3A_311 = arith.remsi %scan3A_249, %jit3A : i32
        %ne3A_312 = arith.constant 0 : i32
        %ne3A_313 = arith.cmpi ne, %rem3A_311, %ne3A_312 : i32
        %and3A_314 = arith.andi %ne3A, %ne3A_313 : i1
        %sub3A = arith.constant 1 : i32
        %sub3A_315 = arith.subi %div3A, %sub3A : i32
        %select_n3A = arith.select %and3A_314, %sub3A_315, %div3A : i32
        %add3A_316 = arith.constant 1 : i32
        %add3A_317 = arith.addi %select_n3A, %add3A_316 : i32
        %rem3A_318 = arith.constant 2 : i32
        %rem3A_319 = arith.remsi %add3A_317, %rem3A_318 : i32
        %mul3A_320 = arith.constant 32 : i32
        %mul3A_321 = arith.muli %rem3A_319, %mul3A_320 : i32
        %add3A_322 = arith.addi %mul3A_60, %add3A_317 : i32
        %dma_start3A_323 = arith.constant 0 : i32
        %dma_start3A_324 = tpu.memref_slice %arg6[%mul3A_321, %dma_start3A_323] : memref<64x80xi32, #tpu.memory_space<vmem>> -> memref<32x80xi32, #tpu.memory_space<vmem>>
        %dma_start3A_325 = arith.constant 0 : i32
        %dma_start3A_326 = arith.constant 0 : i32
        %dma_start3A_327 = tpu.memref_slice %arg3[%add3A_322, %dma_start3A_325, %dma_start3A_326] : memref<160x32x80xi32, #tpu.memory_space<hbm>> -> memref<1x32x80xi32, #tpu.memory_space<hbm>>
        %dma_start3A_328 = tpu.memref_squeeze %dma_start3A_327 : memref<1x32x80xi32, #tpu.memory_space<hbm>> -> memref<32x80xi32, #tpu.memory_space<hbm>>
        %dma_start3A_329 = arith.constant 0 : i32
        %dma_start3A_330 = tpu.memref_slice %arg6[%mul3A_321, %dma_start3A_329] : memref<64x80xi32, #tpu.memory_space<vmem>> -> memref<32x80xi32, #tpu.memory_space<vmem>>
        %dma_start3A_331 = arith.constant 0 : i32
        %dma_start3A_332 = arith.constant 0 : i32
        %dma_start3A_333 = tpu.memref_slice %arg3[%add3A_322, %dma_start3A_331, %dma_start3A_332] : memref<160x32x80xi32, #tpu.memory_space<hbm>> -> memref<1x32x80xi32, #tpu.memory_space<hbm>>
        %dma_start3A_334 = tpu.memref_squeeze %dma_start3A_333 : memref<1x32x80xi32, #tpu.memory_space<hbm>> -> memref<32x80xi32, #tpu.memory_space<hbm>>
        tpu.enqueue_dma source(%dma_start3A_334 : memref<32x80xi32, #tpu.memory_space<hbm>>) target(%dma_start3A_330 : memref<32x80xi32, #tpu.memory_space<vmem>>) target_semaphore(%arg12 : memref<!tpu.dma_semaphore, #tpu.memory_space<semaphore_mem>>)
        %add3A_335 = arith.addi %mul3A_60, %add3A_317 : i32
        %dma_start3A_336 = arith.constant 0 : i32
        %dma_start3A_337 = tpu.memref_slice %arg7[%mul3A_321, %dma_start3A_336] : memref<64x80xi32, #tpu.memory_space<vmem>> -> memref<32x80xi32, #tpu.memory_space<vmem>>
        %dma_start3A_338 = arith.constant 0 : i32
        %dma_start3A_339 = arith.constant 0 : i32
        %dma_start3A_340 = tpu.memref_slice %arg4[%add3A_335, %dma_start3A_338, %dma_start3A_339] : memref<160x32x80xi32, #tpu.memory_space<hbm>> -> memref<1x32x80xi32, #tpu.memory_space<hbm>>
        %dma_start3A_341 = tpu.memref_squeeze %dma_start3A_340 : memref<1x32x80xi32, #tpu.memory_space<hbm>> -> memref<32x80xi32, #tpu.memory_space<hbm>>
        %dma_start3A_342 = arith.constant 0 : i32
        %dma_start3A_343 = tpu.memref_slice %arg7[%mul3A_321, %dma_start3A_342] : memref<64x80xi32, #tpu.memory_space<vmem>> -> memref<32x80xi32, #tpu.memory_space<vmem>>
        %dma_start3A_344 = arith.constant 0 : i32
        %dma_start3A_345 = arith.constant 0 : i32
        %dma_start3A_346 = tpu.memref_slice %arg4[%add3A_335, %dma_start3A_344, %dma_start3A_345] : memref<160x32x80xi32, #tpu.memory_space<hbm>> -> memref<1x32x80xi32, #tpu.memory_space<hbm>>
        %dma_start3A_347 = tpu.memref_squeeze %dma_start3A_346 : memref<1x32x80xi32, #tpu.memory_space<hbm>> -> memref<32x80xi32, #tpu.memory_space<hbm>>
        tpu.enqueue_dma source(%dma_start3A_347 : memref<32x80xi32, #tpu.memory_space<hbm>>) target(%dma_start3A_343 : memref<32x80xi32, #tpu.memory_space<vmem>>) target_semaphore(%arg12 : memref<!tpu.dma_semaphore, #tpu.memory_space<semaphore_mem>>)
      } else {
      }
      %lt3A_279 = arith.constant 125 : i32
      %lt3A_280 = arith.cmpi slt, %scan3A_249, %lt3A_279 : i32
      %convert_element_type3A_281 = arith.extui %lt3A_280 : i1 to i32
      %cond3A_282 = arith.constant 0 : i32
      %cond3A_283 = arith.cmpi ne, %convert_element_type3A_281, %cond3A_282 : i32
      scf.if %cond3A_283 {
        %dma_wait3A_298 = arith.constant 0 : i32
        %dma_wait3A_299 = arith.constant 0 : i32
        %dma_wait3A_300 = arith.constant 0 : i32
        %dma_wait3A_301 = tpu.memref_slice %arg8[%dma_wait3A_299, %dma_wait3A_300] : memref<240x128xf32, #tpu.memory_space<vmem>> -> memref<80x128xf32, #tpu.memory_space<vmem>>
        %dma_wait3A_302 = arith.constant 0 : i32
        %dma_wait3A_303 = tpu.memref_slice %arg6[%dma_wait3A_298, %dma_wait3A_302] : memref<64x80xi32, #tpu.memory_space<vmem>> -> memref<1x80xi32, #tpu.memory_space<vmem>>
        %dma_wait3A_304 = tpu.memref_squeeze %dma_wait3A_303 : memref<1x80xi32, #tpu.memory_space<vmem>> -> memref<80xi32, #tpu.memory_space<vmem>>
        %dma_wait3A_305 = arith.constant 0 : i32
        %dma_wait3A_306 = arith.constant 0 : i32
        %dma_wait3A_307 = tpu.memref_slice %arg2[%dma_wait3A_305, %dma_wait3A_306] : memref<10000x128xf32, #tpu.memory_space<hbm>> -> memref<10000x128xf32, #tpu.memory_space<hbm>>
        tpu.wait_indirect_dma semaphore(%arg10 : memref<!tpu.dma_semaphore, #tpu.memory_space<semaphore_mem>>) src(%dma_wait3A_307 : memref<10000x128xf32, #tpu.memory_space<hbm>>) dst(%dma_wait3A_301 : memref<80x128xf32, #tpu.memory_space<vmem>>)
        %rem3A_308 = arith.constant 3 : i32
        %rem3A_309 = arith.remsi %scan3A_249, %rem3A_308 : i32
        %mul3A_310 = arith.constant 80 : i32
        %mul3A_311 = arith.muli %rem3A_309, %mul3A_310 : i32
        %jit3A = arith.constant 25 : i32
        %div3A = arith.divsi %scan3A_249, %jit3A : i32
        %sign3A = arith.constant 0 : i32
        %sign3A_312 = arith.cmpi sgt, %scan3A_249, %sign3A : i32
        %sign3A_313 = arith.extui %sign3A_312 : i1 to i32
        %sign3A_314 = arith.constant 0 : i32
        %sign3A_315 = arith.cmpi slt, %scan3A_249, %sign3A_314 : i32
        %sign3A_316 = arith.extui %sign3A_315 : i1 to i32
        %sign3A_317 = arith.subi %sign3A_313, %sign3A_316 : i32
        %sign3A_318 = arith.constant 0 : i32
        %sign3A_319 = arith.cmpi sgt, %jit3A, %sign3A_318 : i32
        %sign3A_320 = arith.extui %sign3A_319 : i1 to i32
        %sign3A_321 = arith.constant 0 : i32
        %sign3A_322 = arith.cmpi slt, %jit3A, %sign3A_321 : i32
        %sign3A_323 = arith.extui %sign3A_322 : i1 to i32
        %sign3A_324 = arith.subi %sign3A_320, %sign3A_323 : i32
        %ne3A = arith.cmpi ne, %sign3A_317, %sign3A_324 : i32
        %rem3A_325 = arith.remsi %scan3A_249, %jit3A : i32
        %ne3A_326 = arith.constant 0 : i32
        %ne3A_327 = arith.cmpi ne, %rem3A_325, %ne3A_326 : i32
        %and3A_328 = arith.andi %ne3A, %ne3A_327 : i1
        %sub3A = arith.constant 1 : i32
        %sub3A_329 = arith.subi %div3A, %sub3A : i32
        %select_n3A = arith.select %and3A_328, %sub3A_329, %div3A : i32
        %rem3A_330 = arith.constant 2 : i32
        %rem3A_331 = arith.remsi %select_n3A, %rem3A_330 : i32
        %mul3A_332 = arith.constant 32 : i32
        %mul3A_333 = arith.muli %rem3A_331, %mul3A_332 : i32
        %mul3A_334 = arith.constant 25 : i32
        %mul3A_335 = arith.muli %select_n3A, %mul3A_334 : i32
        %sub3A_336 = arith.subi %scan3A_249, %mul3A_335 : i32
        %add3A_337 = arith.addi %mul3A_333, %sub3A_336 : i32
        %dma_start3A_338 = arith.constant 0 : i32
        %dma_start3A_339 = tpu.memref_slice %arg8[%mul3A_311, %dma_start3A_338] : memref<240x128xf32, #tpu.memory_space<vmem>> -> memref<80x128xf32, #tpu.memory_space<vmem>>
        %dma_start3A_340 = arith.constant 0 : i32
        %dma_start3A_341 = tpu.memref_slice %arg7[%add3A_337, %dma_start3A_340] : memref<64x80xi32, #tpu.memory_space<vmem>> -> memref<1x80xi32, #tpu.memory_space<vmem>>
        %dma_start3A_342 = tpu.memref_squeeze %dma_start3A_341 : memref<1x80xi32, #tpu.memory_space<vmem>> -> memref<80xi32, #tpu.memory_space<vmem>>
        %dma_start3A_343 = arith.constant 0 : i32
        %dma_start3A_344 = arith.constant 0 : i32
        %dma_start3A_345 = tpu.memref_slice %arg9[%dma_start3A_343, %dma_start3A_344] : memref<10000x128xf32, #tpu.memory_space<vmem_shared>> -> memref<10000x128xf32, #tpu.memory_space<vmem_shared>>
        tpu.enqueue_indirect_dma source(%dma_start3A_339 : memref<80x128xf32, #tpu.memory_space<vmem>>) target(%dma_start3A_345 : memref<10000x128xf32, #tpu.memory_space<vmem_shared>>) offsets(%dma_start3A_342 : memref<80xi32, #tpu.memory_space<vmem>>) semaphore(%arg11 : memref<!tpu.dma_semaphore, #tpu.memory_space<semaphore_mem>>) {add = true}
      } else {
      }
      %ge3A = arith.constant 1 : i32
      %ge3A_284 = arith.cmpi sge, %scan3A_249, %ge3A : i32
      %lt3A_285 = arith.constant 126 : i32
      %lt3A_286 = arith.cmpi slt, %scan3A_249, %lt3A_285 : i32
      %and3A_287 = arith.andi %ge3A_284, %lt3A_286 : i1
      %convert_element_type3A_288 = arith.extui %and3A_287 : i1 to i32
      %cond3A_289 = arith.constant 0 : i32
      %cond3A_290 = arith.cmpi ne, %convert_element_type3A_288, %cond3A_289 : i32
      scf.if %cond3A_290 {
        %dma_wait3A_298 = arith.constant 0 : i32
        %dma_wait3A_299 = arith.constant 0 : i32
        %dma_wait3A_300 = arith.constant 0 : i32
        %dma_wait3A_301 = tpu.memref_slice %arg8[%dma_wait3A_299, %dma_wait3A_300] : memref<240x128xf32, #tpu.memory_space<vmem>> -> memref<80x128xf32, #tpu.memory_space<vmem>>
        %dma_wait3A_302 = arith.constant 0 : i32
        %dma_wait3A_303 = tpu.memref_slice %arg6[%dma_wait3A_298, %dma_wait3A_302] : memref<64x80xi32, #tpu.memory_space<vmem>> -> memref<1x80xi32, #tpu.memory_space<vmem>>
        %dma_wait3A_304 = tpu.memref_squeeze %dma_wait3A_303 : memref<1x80xi32, #tpu.memory_space<vmem>> -> memref<80xi32, #tpu.memory_space<vmem>>
        %dma_wait3A_305 = arith.constant 0 : i32
        %dma_wait3A_306 = arith.constant 0 : i32
        %dma_wait3A_307 = tpu.memref_slice %arg2[%dma_wait3A_305, %dma_wait3A_306] : memref<10000x128xf32, #tpu.memory_space<hbm>> -> memref<10000x128xf32, #tpu.memory_space<hbm>>
        tpu.wait_indirect_dma semaphore(%arg11 : memref<!tpu.dma_semaphore, #tpu.memory_space<semaphore_mem>>) src(%dma_wait3A_307 : memref<10000x128xf32, #tpu.memory_space<hbm>>) dst(%dma_wait3A_301 : memref<80x128xf32, #tpu.memory_space<vmem>>)
      } else {
      }
      %add3A_291 = arith.constant 2 : i32
      %add3A_292 = arith.addi %scan3A_249, %add3A_291 : i32
      %lt3A_293 = arith.constant 125 : i32
      %lt3A_294 = arith.cmpi slt, %add3A_292, %lt3A_293 : i32
      %convert_element_type3A_295 = arith.extui %lt3A_294 : i1 to i32
      %cond3A_296 = arith.constant 0 : i32
      %cond3A_297 = arith.cmpi ne, %convert_element_type3A_295, %cond3A_296 : i32
      scf.if %cond3A_297 {
        %add3A_298 = arith.constant 2 : i32
        %add3A_299 = arith.addi %scan3A_249, %add3A_298 : i32
        %jit3A = arith.constant 25 : i32
        %div3A = arith.divsi %add3A_299, %jit3A : i32
        %sign3A = arith.constant 0 : i32
        %sign3A_300 = arith.cmpi sgt, %add3A_299, %sign3A : i32
        %sign3A_301 = arith.extui %sign3A_300 : i1 to i32
        %sign3A_302 = arith.constant 0 : i32
        %sign3A_303 = arith.cmpi slt, %add3A_299, %sign3A_302 : i32
        %sign3A_304 = arith.extui %sign3A_303 : i1 to i32
        %sign3A_305 = arith.subi %sign3A_301, %sign3A_304 : i32
        %sign3A_306 = arith.constant 0 : i32
        %sign3A_307 = arith.cmpi sgt, %jit3A, %sign3A_306 : i32
        %sign3A_308 = arith.extui %sign3A_307 : i1 to i32
        %sign3A_309 = arith.constant 0 : i32
        %sign3A_310 = arith.cmpi slt, %jit3A, %sign3A_309 : i32
        %sign3A_311 = arith.extui %sign3A_310 : i1 to i32
        %sign3A_312 = arith.subi %sign3A_308, %sign3A_311 : i32
        %ne3A = arith.cmpi ne, %sign3A_305, %sign3A_312 : i32
        %rem3A_313 = arith.remsi %add3A_299, %jit3A : i32
        %ne3A_314 = arith.constant 0 : i32
        %ne3A_315 = arith.cmpi ne, %rem3A_313, %ne3A_314 : i32
        %and3A_316 = arith.andi %ne3A, %ne3A_315 : i1
        %sub3A = arith.constant 1 : i32
        %sub3A_317 = arith.subi %div3A, %sub3A : i32
        %select_n3A = arith.select %and3A_316, %sub3A_317, %div3A : i32
        %rem3A_318 = arith.constant 2 : i32
        %rem3A_319 = arith.remsi %select_n3A, %rem3A_318 : i32
        %mul3A_320 = arith.constant 32 : i32
        %mul3A_321 = arith.muli %rem3A_319, %mul3A_320 : i32
        %mul3A_322 = arith.constant 25 : i32
        %mul3A_323 = arith.muli %select_n3A, %mul3A_322 : i32
        %sub3A_324 = arith.subi %add3A_299, %mul3A_323 : i32
        %add3A_325 = arith.addi %mul3A_321, %sub3A_324 : i32
        %rem3A_326 = arith.constant 3 : i32
        %rem3A_327 = arith.remsi %add3A_299, %rem3A_326 : i32
        %mul3A_328 = arith.constant 80 : i32
        %mul3A_329 = arith.muli %rem3A_327, %mul3A_328 : i32
        %dma_start3A_330 = arith.constant 0 : i32
        %dma_start3A_331 = tpu.memref_slice %arg8[%mul3A_329, %dma_start3A_330] : memref<240x128xf32, #tpu.memory_space<vmem>> -> memref<80x128xf32, #tpu.memory_space<vmem>>
        %dma_start3A_332 = arith.constant 0 : i32
        %dma_start3A_333 = tpu.memref_slice %arg6[%add3A_325, %dma_start3A_332] : memref<64x80xi32, #tpu.memory_space<vmem>> -> memref<1x80xi32, #tpu.memory_space<vmem>>
        %dma_start3A_334 = tpu.memref_squeeze %dma_start3A_333 : memref<1x80xi32, #tpu.memory_space<vmem>> -> memref<80xi32, #tpu.memory_space<vmem>>
        %dma_start3A_335 = arith.constant 0 : i32
        %dma_start3A_336 = arith.constant 0 : i32
        %dma_start3A_337 = tpu.memref_slice %arg2[%dma_start3A_335, %dma_start3A_336] : memref<10000x128xf32, #tpu.memory_space<hbm>> -> memref<10000x128xf32, #tpu.memory_space<hbm>>
        tpu.enqueue_indirect_dma source(%dma_start3A_337 : memref<10000x128xf32, #tpu.memory_space<hbm>>) target(%dma_start3A_331 : memref<80x128xf32, #tpu.memory_space<vmem>>) offsets(%dma_start3A_334 : memref<80xi32, #tpu.memory_space<vmem>>) semaphore(%arg10 : memref<!tpu.dma_semaphore, #tpu.memory_space<semaphore_mem>>)
      } else {
      }
    }
    %scan3A_191 = arith.constant 127 : i32
    %barrier3A_192 = arith.constant 0 : index
    tpu.barrier barrier_id(%barrier3A_192)
    %add3A_193 = arith.constant 0 : i32
    %add3A_194 = arith.addi %arg1, %add3A_193 : i32
    %lt3A_195 = arith.constant 50 : i32
    %lt3A_196 = arith.cmpi slt, %add3A_194, %lt3A_195 : i32
    %convert_element_type3A_197 = arith.extui %lt3A_196 : i1 to i32
    %cond3A_198 = arith.constant 0 : i32
    %cond3A_199 = arith.cmpi ne, %convert_element_type3A_197, %cond3A_198 : i32
    scf.if %cond3A_199 {
      %mul3A_249 = arith.constant 200 : i32
      %mul3A_250 = arith.muli %add3A_194, %mul3A_249 : i32
      %mul3A_251 = arith.constant 200 : i32
      %mul3A_252 = arith.muli %add3A_194, %mul3A_251 : i32
      %dma_start3A_253 = arith.constant 0 : i32
      %dma_start3A_254 = tpu.memref_slice %arg5[%arg0, %mul3A_252, %dma_start3A_253] : memref<2x10000x128xf32, #tpu.memory_space<hbm>> -> memref<1x200x128xf32, #tpu.memory_space<hbm>>
      %dma_start3A_255 = tpu.memref_squeeze %dma_start3A_254 : memref<1x200x128xf32, #tpu.memory_space<hbm>> -> memref<200x128xf32, #tpu.memory_space<hbm>>
      %dma_start3A_256 = arith.constant 0 : i32
      %dma_start3A_257 = tpu.memref_slice %arg9[%mul3A_250, %dma_start3A_256] : memref<10000x128xf32, #tpu.memory_space<vmem_shared>> -> memref<200x128xf32, #tpu.memory_space<vmem_shared>>
      tpu.enqueue_dma source(%dma_start3A_257 : memref<200x128xf32, #tpu.memory_space<vmem_shared>>) target(%dma_start3A_255 : memref<200x128xf32, #tpu.memory_space<hbm>>) target_semaphore(%arg12 : memref<!tpu.dma_semaphore, #tpu.memory_space<semaphore_mem>>)
    } else {
    }
    %add3A_200 = arith.constant 16 : i32
    %add3A_201 = arith.addi %arg1, %add3A_200 : i32
    %lt3A_202 = arith.constant 50 : i32
    %lt3A_203 = arith.cmpi slt, %add3A_201, %lt3A_202 : i32
    %convert_element_type3A_204 = arith.extui %lt3A_203 : i1 to i32
    %cond3A_205 = arith.constant 0 : i32
    %cond3A_206 = arith.cmpi ne, %convert_element_type3A_204, %cond3A_205 : i32
    scf.if %cond3A_206 {
      %mul3A_249 = arith.constant 200 : i32
      %mul3A_250 = arith.muli %add3A_201, %mul3A_249 : i32
      %mul3A_251 = arith.constant 200 : i32
      %mul3A_252 = arith.muli %add3A_201, %mul3A_251 : i32
      %dma_start3A_253 = arith.constant 0 : i32
      %dma_start3A_254 = tpu.memref_slice %arg5[%arg0, %mul3A_252, %dma_start3A_253] : memref<2x10000x128xf32, #tpu.memory_space<hbm>> -> memref<1x200x128xf32, #tpu.memory_space<hbm>>
      %dma_start3A_255 = tpu.memref_squeeze %dma_start3A_254 : memref<1x200x128xf32, #tpu.memory_space<hbm>> -> memref<200x128xf32, #tpu.memory_space<hbm>>
      %dma_start3A_256 = arith.constant 0 : i32
      %dma_start3A_257 = tpu.memref_slice %arg9[%mul3A_250, %dma_start3A_256] : memref<10000x128xf32, #tpu.memory_space<vmem_shared>> -> memref<200x128xf32, #tpu.memory_space<vmem_shared>>
      tpu.enqueue_dma source(%dma_start3A_257 : memref<200x128xf32, #tpu.memory_space<vmem_shared>>) target(%dma_start3A_255 : memref<200x128xf32, #tpu.memory_space<hbm>>) target_semaphore(%arg12 : memref<!tpu.dma_semaphore, #tpu.memory_space<semaphore_mem>>)
    } else {
    }
    %add3A_207 = arith.constant 32 : i32
    %add3A_208 = arith.addi %arg1, %add3A_207 : i32
    %lt3A_209 = arith.constant 50 : i32
    %lt3A_210 = arith.cmpi slt, %add3A_208, %lt3A_209 : i32
    %convert_element_type3A_211 = arith.extui %lt3A_210 : i1 to i32
    %cond3A_212 = arith.constant 0 : i32
    %cond3A_213 = arith.cmpi ne, %convert_element_type3A_211, %cond3A_212 : i32
    scf.if %cond3A_213 {
      %mul3A_249 = arith.constant 200 : i32
      %mul3A_250 = arith.muli %add3A_208, %mul3A_249 : i32
      %mul3A_251 = arith.constant 200 : i32
      %mul3A_252 = arith.muli %add3A_208, %mul3A_251 : i32
      %dma_start3A_253 = arith.constant 0 : i32
      %dma_start3A_254 = tpu.memref_slice %arg5[%arg0, %mul3A_252, %dma_start3A_253] : memref<2x10000x128xf32, #tpu.memory_space<hbm>> -> memref<1x200x128xf32, #tpu.memory_space<hbm>>
      %dma_start3A_255 = tpu.memref_squeeze %dma_start3A_254 : memref<1x200x128xf32, #tpu.memory_space<hbm>> -> memref<200x128xf32, #tpu.memory_space<hbm>>
      %dma_start3A_256 = arith.constant 0 : i32
      %dma_start3A_257 = tpu.memref_slice %arg9[%mul3A_250, %dma_start3A_256] : memref<10000x128xf32, #tpu.memory_space<vmem_shared>> -> memref<200x128xf32, #tpu.memory_space<vmem_shared>>
      tpu.enqueue_dma source(%dma_start3A_257 : memref<200x128xf32, #tpu.memory_space<vmem_shared>>) target(%dma_start3A_255 : memref<200x128xf32, #tpu.memory_space<hbm>>) target_semaphore(%arg12 : memref<!tpu.dma_semaphore, #tpu.memory_space<semaphore_mem>>)
    } else {
    }
    %add3A_214 = arith.constant 48 : i32
    %add3A_215 = arith.addi %arg1, %add3A_214 : i32
    %lt3A_216 = arith.constant 50 : i32
    %lt3A_217 = arith.cmpi slt, %add3A_215, %lt3A_216 : i32
    %convert_element_type3A_218 = arith.extui %lt3A_217 : i1 to i32
    %cond3A_219 = arith.constant 0 : i32
    %cond3A_220 = arith.cmpi ne, %convert_element_type3A_218, %cond3A_219 : i32
    scf.if %cond3A_220 {
      %mul3A_249 = arith.constant 200 : i32
      %mul3A_250 = arith.muli %add3A_215, %mul3A_249 : i32
      %mul3A_251 = arith.constant 200 : i32
      %mul3A_252 = arith.muli %add3A_215, %mul3A_251 : i32
      %dma_start3A_253 = arith.constant 0 : i32
      %dma_start3A_254 = tpu.memref_slice %arg5[%arg0, %mul3A_252, %dma_start3A_253] : memref<2x10000x128xf32, #tpu.memory_space<hbm>> -> memref<1x200x128xf32, #tpu.memory_space<hbm>>
      %dma_start3A_255 = tpu.memref_squeeze %dma_start3A_254 : memref<1x200x128xf32, #tpu.memory_space<hbm>> -> memref<200x128xf32, #tpu.memory_space<hbm>>
      %dma_start3A_256 = arith.constant 0 : i32
      %dma_start3A_257 = tpu.memref_slice %arg9[%mul3A_250, %dma_start3A_256] : memref<10000x128xf32, #tpu.memory_space<vmem_shared>> -> memref<200x128xf32, #tpu.memory_space<vmem_shared>>
      tpu.enqueue_dma source(%dma_start3A_257 : memref<200x128xf32, #tpu.memory_space<vmem_shared>>) target(%dma_start3A_255 : memref<200x128xf32, #tpu.memory_space<hbm>>) target_semaphore(%arg12 : memref<!tpu.dma_semaphore, #tpu.memory_space<semaphore_mem>>)
    } else {
    }
    %add3A_221 = arith.constant 0 : i32
    %add3A_222 = arith.addi %arg1, %add3A_221 : i32
    %lt3A_223 = arith.constant 50 : i32
    %lt3A_224 = arith.cmpi slt, %add3A_222, %lt3A_223 : i32
    %convert_element_type3A_225 = arith.extui %lt3A_224 : i1 to i32
    %cond3A_226 = arith.constant 0 : i32
    %cond3A_227 = arith.cmpi ne, %convert_element_type3A_225, %cond3A_226 : i32
    scf.if %cond3A_227 {
      %dma_wait3A_249 = arith.constant 0 : i32
      %dma_wait3A_250 = arith.constant 0 : i32
      %dma_wait3A_251 = tpu.memref_slice %arg5[%arg0, %dma_wait3A_249, %dma_wait3A_250] : memref<2x10000x128xf32, #tpu.memory_space<hbm>> -> memref<1x200x128xf32, #tpu.memory_space<hbm>>
      %dma_wait3A_252 = tpu.memref_squeeze %dma_wait3A_251 : memref<1x200x128xf32, #tpu.memory_space<hbm>> -> memref<200x128xf32, #tpu.memory_space<hbm>>
      %dma_wait3A_253 = arith.constant 0 : i32
      %dma_wait3A_254 = arith.constant 0 : i32
      %dma_wait3A_255 = tpu.memref_slice %arg9[%dma_wait3A_253, %dma_wait3A_254] : memref<10000x128xf32, #tpu.memory_space<vmem_shared>> -> memref<200x128xf32, #tpu.memory_space<vmem_shared>>
      tpu.wait_dma2 semaphore(%arg12 : memref<!tpu.dma_semaphore, #tpu.memory_space<semaphore_mem>>) src(%dma_wait3A_255 : memref<200x128xf32, #tpu.memory_space<vmem_shared>>) dst(%dma_wait3A_252 : memref<200x128xf32, #tpu.memory_space<hbm>>)
    } else {
    }
    %add3A_228 = arith.constant 16 : i32
    %add3A_229 = arith.addi %arg1, %add3A_228 : i32
    %lt3A_230 = arith.constant 50 : i32
    %lt3A_231 = arith.cmpi slt, %add3A_229, %lt3A_230 : i32
    %convert_element_type3A_232 = arith.extui %lt3A_231 : i1 to i32
    %cond3A_233 = arith.constant 0 : i32
    %cond3A_234 = arith.cmpi ne, %convert_element_type3A_232, %cond3A_233 : i32
    scf.if %cond3A_234 {
      %dma_wait3A_249 = arith.constant 0 : i32
      %dma_wait3A_250 = arith.constant 0 : i32
      %dma_wait3A_251 = tpu.memref_slice %arg5[%arg0, %dma_wait3A_249, %dma_wait3A_250] : memref<2x10000x128xf32, #tpu.memory_space<hbm>> -> memref<1x200x128xf32, #tpu.memory_space<hbm>>
      %dma_wait3A_252 = tpu.memref_squeeze %dma_wait3A_251 : memref<1x200x128xf32, #tpu.memory_space<hbm>> -> memref<200x128xf32, #tpu.memory_space<hbm>>
      %dma_wait3A_253 = arith.constant 0 : i32
      %dma_wait3A_254 = arith.constant 0 : i32
      %dma_wait3A_255 = tpu.memref_slice %arg9[%dma_wait3A_253, %dma_wait3A_254] : memref<10000x128xf32, #tpu.memory_space<vmem_shared>> -> memref<200x128xf32, #tpu.memory_space<vmem_shared>>
      tpu.wait_dma2 semaphore(%arg12 : memref<!tpu.dma_semaphore, #tpu.memory_space<semaphore_mem>>) src(%dma_wait3A_255 : memref<200x128xf32, #tpu.memory_space<vmem_shared>>) dst(%dma_wait3A_252 : memref<200x128xf32, #tpu.memory_space<hbm>>)
    } else {
    }
    %add3A_235 = arith.constant 32 : i32
    %add3A_236 = arith.addi %arg1, %add3A_235 : i32
    %lt3A_237 = arith.constant 50 : i32
    %lt3A_238 = arith.cmpi slt, %add3A_236, %lt3A_237 : i32
    %convert_element_type3A_239 = arith.extui %lt3A_238 : i1 to i32
    %cond3A_240 = arith.constant 0 : i32
    %cond3A_241 = arith.cmpi ne, %convert_element_type3A_239, %cond3A_240 : i32
    scf.if %cond3A_241 {
      %dma_wait3A_249 = arith.constant 0 : i32
      %dma_wait3A_250 = arith.constant 0 : i32
      %dma_wait3A_251 = tpu.memref_slice %arg5[%arg0, %dma_wait3A_249, %dma_wait3A_250] : memref<2x10000x128xf32, #tpu.memory_space<hbm>> -> memref<1x200x128xf32, #tpu.memory_space<hbm>>
      %dma_wait3A_252 = tpu.memref_squeeze %dma_wait3A_251 : memref<1x200x128xf32, #tpu.memory_space<hbm>> -> memref<200x128xf32, #tpu.memory_space<hbm>>
      %dma_wait3A_253 = arith.constant 0 : i32
      %dma_wait3A_254 = arith.constant 0 : i32
      %dma_wait3A_255 = tpu.memref_slice %arg9[%dma_wait3A_253, %dma_wait3A_254] : memref<10000x128xf32, #tpu.memory_space<vmem_shared>> -> memref<200x128xf32, #tpu.memory_space<vmem_shared>>
      tpu.wait_dma2 semaphore(%arg12 : memref<!tpu.dma_semaphore, #tpu.memory_space<semaphore_mem>>) src(%dma_wait3A_255 : memref<200x128xf32, #tpu.memory_space<vmem_shared>>) dst(%dma_wait3A_252 : memref<200x128xf32, #tpu.memory_space<hbm>>)
    } else {
    }
    %add3A_242 = arith.constant 48 : i32
    %add3A_243 = arith.addi %arg1, %add3A_242 : i32
    %lt3A_244 = arith.constant 50 : i32
    %lt3A_245 = arith.cmpi slt, %add3A_243, %lt3A_244 : i32
    %convert_element_type3A_246 = arith.extui %lt3A_245 : i1 to i32
    %cond3A_247 = arith.constant 0 : i32
    %cond3A_248 = arith.cmpi ne, %convert_element_type3A_246, %cond3A_247 : i32
    scf.if %cond3A_248 {
      %dma_wait3A_249 = arith.constant 0 : i32
      %dma_wait3A_250 = arith.constant 0 : i32
      %dma_wait3A_251 = tpu.memref_slice %arg5[%arg0, %dma_wait3A_249, %dma_wait3A_250] : memref<2x10000x128xf32, #tpu.memory_space<hbm>> -> memref<1x200x128xf32, #tpu.memory_space<hbm>>
      %dma_wait3A_252 = tpu.memref_squeeze %dma_wait3A_251 : memref<1x200x128xf32, #tpu.memory_space<hbm>> -> memref<200x128xf32, #tpu.memory_space<hbm>>
      %dma_wait3A_253 = arith.constant 0 : i32
      %dma_wait3A_254 = arith.constant 0 : i32
      %dma_wait3A_255 = tpu.memref_slice %arg9[%dma_wait3A_253, %dma_wait3A_254] : memref<10000x128xf32, #tpu.memory_space<vmem_shared>> -> memref<200x128xf32, #tpu.memory_space<vmem_shared>>
      tpu.wait_dma2 semaphore(%arg12 : memref<!tpu.dma_semaphore, #tpu.memory_space<semaphore_mem>>) src(%dma_wait3A_255 : memref<200x128xf32, #tpu.memory_space<vmem_shared>>) dst(%dma_wait3A_252 : memref<200x128xf32, #tpu.memory_space<hbm>>)
    } else {
    }
    return
  }
}

#map = affine_map<(d0, d1) -> (0, 0)>
#map1 = affine_map<(d0, d1) -> (0, 0, 0)>
module attributes {stable_mosaic.version = 14 : i64} {
  func.func @body(%arg0: i32, %arg1: i32, %arg2: memref<10000x128xf32, #tpu.memory_space<hbm>>, %arg3: memref<160x32x80xi32, #tpu.memory_space<hbm>>, %arg4: memref<160x32x80xi32, #tpu.memory_space<hbm>>, %arg5: memref<2x10000x128xf32, #tpu.memory_space<hbm>>, %arg6: memref<64x80xi32, #tpu.memory_space<vmem>>, %arg7: memref<64x80xi32, #tpu.memory_space<vmem>>, %arg8: memref<240x128xf32, #tpu.memory_space<vmem>>, %arg9: memref<10000x128xf32, #tpu.memory_space<vmem_shared>>, %arg10: memref<!tpu.dma_semaphore, #tpu.memory_space<semaphore_mem>>, %arg11: memref<!tpu.dma_semaphore, #tpu.memory_space<semaphore_mem>>, %arg12: memref<!tpu.dma_semaphore, #tpu.memory_space<semaphore_mem>>) attributes {dimension_semantics = [#tpu.dimension_semantics<core_parallel>, #tpu.dimension_semantics<subcore_parallel>], iteration_bounds = array<i64: 2, 16>, scalar_prefetch = 0 : i64, scratch_operands = 7 : i64, tpu.core_type = #tpu.core_type<sc_vector_subcore>, window_params = [{transform_indices = #map}, {transform_indices = #map1}, {transform_indices = #map1}, {transform_indices = #map1}]} {
    %mul3A = arith.constant 16 : i32
    %mul3A_0 = arith.muli %arg0, %mul3A : i32
    %add3A = arith.addi %mul3A_0, %arg1 : i32
    %scan3A = arith.constant 0 : i32
    %scan3A_1 = arith.constant 0 : i32
    %scan3A_2 = arith.constant 1600 : i32
    %scan3A_3 = arith.addi %scan3A_1, %scan3A_2 : i32
    %scan3A_4 = arith.constant 1 : i32
    scf.for %scan3A_249 = %scan3A_1 to %scan3A_3 step %scan3A_4  : i32 {
      %broadcast_in_dim3A = arith.constant 0.000000e+00 : f32
      %broadcast_in_dim3A_250 = vector.broadcast %broadcast_in_dim3A : f32 to vector<16xf32>
      %jit3A = arith.constant 8 : i32
      %div3A = arith.divsi %scan3A_249, %jit3A : i32
      %sign3A = arith.constant 0 : i32
      %sign3A_251 = arith.cmpi sgt, %scan3A_249, %sign3A : i32
      %sign3A_252 = arith.extui %sign3A_251 : i1 to i32
      %sign3A_253 = arith.constant 0 : i32
      %sign3A_254 = arith.cmpi slt, %scan3A_249, %sign3A_253 : i32
      %sign3A_255 = arith.extui %sign3A_254 : i1 to i32
      %sign3A_256 = arith.subi %sign3A_252, %sign3A_255 : i32
      %sign3A_257 = arith.constant 0 : i32
      %sign3A_258 = arith.cmpi sgt, %jit3A, %sign3A_257 : i32
      %sign3A_259 = arith.extui %sign3A_258 : i1 to i32
      %sign3A_260 = arith.constant 0 : i32
      %sign3A_261 = arith.cmpi slt, %jit3A, %sign3A_260 : i32
      %sign3A_262 = arith.extui %sign3A_261 : i1 to i32
      %sign3A_263 = arith.subi %sign3A_259, %sign3A_262 : i32
      %ne3A = arith.cmpi ne, %sign3A_256, %sign3A_263 : i32
      %rem3A_264 = arith.remsi %scan3A_249, %jit3A : i32
      %ne3A_265 = arith.constant 0 : i32
      %ne3A_266 = arith.cmpi ne, %rem3A_264, %ne3A_265 : i32
      %and3A = arith.andi %ne3A, %ne3A_266 : i1
      %sub3A = arith.constant 1 : i32
      %sub3A_267 = arith.subi %div3A, %sub3A : i32
      %select_n3A = arith.select %and3A, %sub3A_267, %div3A : i32
      %jit3A_268 = arith.constant 8 : i32
      %eq3A = arith.constant 0 : i32
      %eq3A_269 = arith.cmpi eq, %jit3A_268, %eq3A : i32
      %jit3A_270 = arith.constant 1 : i32
      %select_n3A_271 = arith.select %eq3A_269, %jit3A_270, %jit3A_268 : i32
      %rem3A_272 = arith.remsi %scan3A_249, %select_n3A_271 : i32
      %ne3A_273 = arith.constant 0 : i32
      %ne3A_274 = arith.cmpi ne, %rem3A_272, %ne3A_273 : i32
      %lt3A_275 = arith.constant 0 : i32
      %lt3A_276 = arith.cmpi slt, %rem3A_272, %lt3A_275 : i32
      %lt3A_277 = arith.constant 0 : i32
      %lt3A_278 = arith.cmpi slt, %select_n3A_271, %lt3A_277 : i32
      %ne3A_279 = arith.xori %lt3A_276, %lt3A_278 : i1
      %and3A_280 = arith.andi %ne3A_279, %ne3A_274 : i1
      %add3A_281 = arith.addi %rem3A_272, %select_n3A_271 : i32
      %select_n3A_282 = arith.select %and3A_280, %add3A_281, %rem3A_272 : i32
      %mul3A_283 = arith.constant 16 : i32
      %mul3A_284 = arith.muli %select_n3A_282, %mul3A_283 : i32
      %swap3A = arith.index_cast %select_n3A : i32 to index
      %swap3A_285 = arith.index_cast %mul3A_284 : i32 to index
      %swap3A_286 = tpu.vector_load %arg8[%swap3A, %swap3A_285] {strides = array<i32>} : memref<240x128xf32, #tpu.memory_space<vmem>>, vector<1x16xf32>,
      %swap3A_287 = vector.shape_cast %swap3A_286 : vector<1x16xf32> to vector<16xf32>
      %swap3A_288 = vector.shape_cast %broadcast_in_dim3A_250 : vector<16xf32> to vector<1x16xf32>
      tpu.vector_store %arg8[%swap3A, %swap3A_285], %swap3A_288 {strides = array<i32>} : memref<240x128xf32, #tpu.memory_space<vmem>>, vector<1x16xf32>,
    }
    %scan3A_5 = arith.constant 1600 : i32
    %add3A_6 = arith.constant 0 : i32
    %add3A_7 = arith.addi %arg1, %add3A_6 : i32
    %lt3A = arith.constant 50 : i32
    %lt3A_8 = arith.cmpi slt, %add3A_7, %lt3A : i32
    %convert_element_type3A = arith.extui %lt3A_8 : i1 to i32
    %cond3A = arith.constant 0 : i32
    %cond3A_9 = arith.cmpi ne, %convert_element_type3A, %cond3A : i32
    scf.if %cond3A_9 {
      %mul3A_249 = arith.constant 200 : i32
      %mul3A_250 = arith.muli %add3A_7, %mul3A_249 : i32
      %dma_start3A_251 = arith.constant 0 : i32
      %dma_start3A_252 = arith.constant 0 : i32
      %dma_start3A_253 = tpu.memref_slice %arg8[%dma_start3A_251, %dma_start3A_252] : memref<240x128xf32, #tpu.memory_space<vmem>> -> memref<200x128xf32, #tpu.memory_space<vmem>>
      %dma_start3A_254 = arith.constant 0 : i32
      %dma_start3A_255 = tpu.memref_slice %arg9[%mul3A_250, %dma_start3A_254] : memref<10000x128xf32, #tpu.memory_space<vmem_shared>> -> memref<200x128xf32, #tpu.memory_space<vmem_shared>>
      %dma_start3A_256 = arith.constant 0 : i32
      %dma_start3A_257 = tpu.memref_slice %arg9[%mul3A_250, %dma_start3A_256] : memref<10000x128xf32, #tpu.memory_space<vmem_shared>> -> memref<200x128xf32, #tpu.memory_space<vmem_shared>>
      %dma_start3A_258 = arith.constant 0 : i32
      %dma_start3A_259 = arith.constant 0 : i32
      %dma_start3A_260 = tpu.memref_slice %arg8[%dma_start3A_258, %dma_start3A_259] : memref<240x128xf32, #tpu.memory_space<vmem>> -> memref<200x128xf32, #tpu.memory_space<vmem>>
      tpu.enqueue_dma source(%dma_start3A_260 : memref<200x128xf32, #tpu.memory_space<vmem>>) target(%dma_start3A_257 : memref<200x128xf32, #tpu.memory_space<vmem_shared>>) target_semaphore(%arg12 : memref<!tpu.dma_semaphore, #tpu.memory_space<semaphore_mem>>)
    } else {
    }
    %add3A_10 = arith.constant 16 : i32
    %add3A_11 = arith.addi %arg1, %add3A_10 : i32
    %lt3A_12 = arith.constant 50 : i32
    %lt3A_13 = arith.cmpi slt, %add3A_11, %lt3A_12 : i32
    %convert_element_type3A_14 = arith.extui %lt3A_13 : i1 to i32
    %cond3A_15 = arith.constant 0 : i32
    %cond3A_16 = arith.cmpi ne, %convert_element_type3A_14, %cond3A_15 : i32
    scf.if %cond3A_16 {
      %mul3A_249 = arith.constant 200 : i32
      %mul3A_250 = arith.muli %add3A_11, %mul3A_249 : i32
      %dma_start3A_251 = arith.constant 0 : i32
      %dma_start3A_252 = arith.constant 0 : i32
      %dma_start3A_253 = tpu.memref_slice %arg8[%dma_start3A_251, %dma_start3A_252] : memref<240x128xf32, #tpu.memory_space<vmem>> -> memref<200x128xf32, #tpu.memory_space<vmem>>
      %dma_start3A_254 = arith.constant 0 : i32
      %dma_start3A_255 = tpu.memref_slice %arg9[%mul3A_250, %dma_start3A_254] : memref<10000x128xf32, #tpu.memory_space<vmem_shared>> -> memref<200x128xf32, #tpu.memory_space<vmem_shared>>
      %dma_start3A_256 = arith.constant 0 : i32
      %dma_start3A_257 = tpu.memref_slice %arg9[%mul3A_250, %dma_start3A_256] : memref<10000x128xf32, #tpu.memory_space<vmem_shared>> -> memref<200x128xf32, #tpu.memory_space<vmem_shared>>
      %dma_start3A_258 = arith.constant 0 : i32
      %dma_start3A_259 = arith.constant 0 : i32
      %dma_start3A_260 = tpu.memref_slice %arg8[%dma_start3A_258, %dma_start3A_259] : memref<240x128xf32, #tpu.memory_space<vmem>> -> memref<200x128xf32, #tpu.memory_space<vmem>>
      tpu.enqueue_dma source(%dma_start3A_260 : memref<200x128xf32, #tpu.memory_space<vmem>>) target(%dma_start3A_257 : memref<200x128xf32, #tpu.memory_space<vmem_shared>>) target_semaphore(%arg12 : memref<!tpu.dma_semaphore, #tpu.memory_space<semaphore_mem>>)
    } else {
    }
    %add3A_17 = arith.constant 32 : i32
    %add3A_18 = arith.addi %arg1, %add3A_17 : i32
    %lt3A_19 = arith.constant 50 : i32
    %lt3A_20 = arith.cmpi slt, %add3A_18, %lt3A_19 : i32
    %convert_element_type3A_21 = arith.extui %lt3A_20 : i1 to i32
    %cond3A_22 = arith.constant 0 : i32
    %cond3A_23 = arith.cmpi ne, %convert_element_type3A_21, %cond3A_22 : i32
    scf.if %cond3A_23 {
      %mul3A_249 = arith.constant 200 : i32
      %mul3A_250 = arith.muli %add3A_18, %mul3A_249 : i32
      %dma_start3A_251 = arith.constant 0 : i32
      %dma_start3A_252 = arith.constant 0 : i32
      %dma_start3A_253 = tpu.memref_slice %arg8[%dma_start3A_251, %dma_start3A_252] : memref<240x128xf32, #tpu.memory_space<vmem>> -> memref<200x128xf32, #tpu.memory_space<vmem>>
      %dma_start3A_254 = arith.constant 0 : i32
      %dma_start3A_255 = tpu.memref_slice %arg9[%mul3A_250, %dma_start3A_254] : memref<10000x128xf32, #tpu.memory_space<vmem_shared>> -> memref<200x128xf32, #tpu.memory_space<vmem_shared>>
      %dma_start3A_256 = arith.constant 0 : i32
      %dma_start3A_257 = tpu.memref_slice %arg9[%mul3A_250, %dma_start3A_256] : memref<10000x128xf32, #tpu.memory_space<vmem_shared>> -> memref<200x128xf32, #tpu.memory_space<vmem_shared>>
      %dma_start3A_258 = arith.constant 0 : i32
      %dma_start3A_259 = arith.constant 0 : i32
      %dma_start3A_260 = tpu.memref_slice %arg8[%dma_start3A_258, %dma_start3A_259] : memref<240x128xf32, #tpu.memory_space<vmem>> -> memref<200x128xf32, #tpu.memory_space<vmem>>
      tpu.enqueue_dma source(%dma_start3A_260 : memref<200x128xf32, #tpu.memory_space<vmem>>) target(%dma_start3A_257 : memref<200x128xf32, #tpu.memory_space<vmem_shared>>) target_semaphore(%arg12 : memref<!tpu.dma_semaphore, #tpu.memory_space<semaphore_mem>>)
    } else {
    }
    %add3A_24 = arith.constant 48 : i32
    %add3A_25 = arith.addi %arg1, %add3A_24 : i32
    %lt3A_26 = arith.constant 50 : i32
    %lt3A_27 = arith.cmpi slt, %add3A_25, %lt3A_26 : i32
    %convert_element_type3A_28 = arith.extui %lt3A_27 : i1 to i32
    %cond3A_29 = arith.constant 0 : i32
    %cond3A_30 = arith.cmpi ne, %convert_element_type3A_28, %cond3A_29 : i32
    scf.if %cond3A_30 {
      %mul3A_249 = arith.constant 200 : i32
      %mul3A_250 = arith.muli %add3A_25, %mul3A_249 : i32
      %dma_start3A_251 = arith.constant 0 : i32
      %dma_start3A_252 = arith.constant 0 : i32
      %dma_start3A_253 = tpu.memref_slice %arg8[%dma_start3A_251, %dma_start3A_252] : memref<240x128xf32, #tpu.memory_space<vmem>> -> memref<200x128xf32, #tpu.memory_space<vmem>>
      %dma_start3A_254 = arith.constant 0 : i32
      %dma_start3A_255 = tpu.memref_slice %arg9[%mul3A_250, %dma_start3A_254] : memref<10000x128xf32, #tpu.memory_space<vmem_shared>> -> memref<200x128xf32, #tpu.memory_space<vmem_shared>>
      %dma_start3A_256 = arith.constant 0 : i32
      %dma_start3A_257 = tpu.memref_slice %arg9[%mul3A_250, %dma_start3A_256] : memref<10000x128xf32, #tpu.memory_space<vmem_shared>> -> memref<200x128xf32, #tpu.memory_space<vmem_shared>>
      %dma_start3A_258 = arith.constant 0 : i32
      %dma_start3A_259 = arith.constant 0 : i32
      %dma_start3A_260 = tpu.memref_slice %arg8[%dma_start3A_258, %dma_start3A_259] : memref<240x128xf32, #tpu.memory_space<vmem>> -> memref<200x128xf32, #tpu.memory_space<vmem>>
      tpu.enqueue_dma source(%dma_start3A_260 : memref<200x128xf32, #tpu.memory_space<vmem>>) target(%dma_start3A_257 : memref<200x128xf32, #tpu.memory_space<vmem_shared>>) target_semaphore(%arg12 : memref<!tpu.dma_semaphore, #tpu.memory_space<semaphore_mem>>)
    } else {
    }
    %add3A_31 = arith.constant 0 : i32
    %add3A_32 = arith.addi %arg1, %add3A_31 : i32
    %lt3A_33 = arith.constant 50 : i32
    %lt3A_34 = arith.cmpi slt, %add3A_32, %lt3A_33 : i32
    %convert_element_type3A_35 = arith.extui %lt3A_34 : i1 to i32
    %cond3A_36 = arith.constant 0 : i32
    %cond3A_37 = arith.cmpi ne, %convert_element_type3A_35, %cond3A_36 : i32
    scf.if %cond3A_37 {
      %dma_wait3A_249 = arith.constant 0 : i32
      %dma_wait3A_250 = arith.constant 0 : i32
      %dma_wait3A_251 = tpu.memref_slice %arg8[%dma_wait3A_249, %dma_wait3A_250] : memref<240x128xf32, #tpu.memory_space<vmem>> -> memref<200x128xf32, #tpu.memory_space<vmem>>
      %dma_wait3A_252 = arith.constant 0 : i32
      %dma_wait3A_253 = arith.constant 0 : i32
      %dma_wait3A_254 = tpu.memref_slice %arg9[%dma_wait3A_252, %dma_wait3A_253] : memref<10000x128xf32, #tpu.memory_space<vmem_shared>> -> memref<200x128xf32, #tpu.memory_space<vmem_shared>>
      %dma_wait3A_255 = arith.constant 0 : i32
      %dma_wait3A_256 = arith.constant 0 : i32
      %dma_wait3A_257 = tpu.memref_slice %arg9[%dma_wait3A_255, %dma_wait3A_256] : memref<10000x128xf32, #tpu.memory_space<vmem_shared>> -> memref<200x128xf32, #tpu.memory_space<vmem_shared>>
      %dma_wait3A_258 = arith.constant 0 : i32
      %dma_wait3A_259 = arith.constant 0 : i32
      %dma_wait3A_260 = tpu.memref_slice %arg8[%dma_wait3A_258, %dma_wait3A_259] : memref<240x128xf32, #tpu.memory_space<vmem>> -> memref<200x128xf32, #tpu.memory_space<vmem>>
      tpu.wait_dma2 semaphore(%arg12 : memref<!tpu.dma_semaphore, #tpu.memory_space<semaphore_mem>>) src(%dma_wait3A_260 : memref<200x128xf32, #tpu.memory_space<vmem>>) dst(%dma_wait3A_257 : memref<200x128xf32, #tpu.memory_space<vmem_shared>>)
    } else {
    }
    %add3A_38 = arith.constant 16 : i32
    %add3A_39 = arith.addi %arg1, %add3A_38 : i32
    %lt3A_40 = arith.constant 50 : i32
    %lt3A_41 = arith.cmpi slt, %add3A_39, %lt3A_40 : i32
    %convert_element_type3A_42 = arith.extui %lt3A_41 : i1 to i32
    %cond3A_43 = arith.constant 0 : i32
    %cond3A_44 = arith.cmpi ne, %convert_element_type3A_42, %cond3A_43 : i32
    scf.if %cond3A_44 {
      %dma_wait3A_249 = arith.constant 0 : i32
      %dma_wait3A_250 = arith.constant 0 : i32
      %dma_wait3A_251 = tpu.memref_slice %arg8[%dma_wait3A_249, %dma_wait3A_250] : memref<240x128xf32, #tpu.memory_space<vmem>> -> memref<200x128xf32, #tpu.memory_space<vmem>>
      %dma_wait3A_252 = arith.constant 0 : i32
      %dma_wait3A_253 = arith.constant 0 : i32
      %dma_wait3A_254 = tpu.memref_slice %arg9[%dma_wait3A_252, %dma_wait3A_253] : memref<10000x128xf32, #tpu.memory_space<vmem_shared>> -> memref<200x128xf32, #tpu.memory_space<vmem_shared>>
      %dma_wait3A_255 = arith.constant 0 : i32
      %dma_wait3A_256 = arith.constant 0 : i32
      %dma_wait3A_257 = tpu.memref_slice %arg9[%dma_wait3A_255, %dma_wait3A_256] : memref<10000x128xf32, #tpu.memory_space<vmem_shared>> -> memref<200x128xf32, #tpu.memory_space<vmem_shared>>
      %dma_wait3A_258 = arith.constant 0 : i32
      %dma_wait3A_259 = arith.constant 0 : i32
      %dma_wait3A_260 = tpu.memref_slice %arg8[%dma_wait3A_258, %dma_wait3A_259] : memref<240x128xf32, #tpu.memory_space<vmem>> -> memref<200x128xf32, #tpu.memory_space<vmem>>
      tpu.wait_dma2 semaphore(%arg12 : memref<!tpu.dma_semaphore, #tpu.memory_space<semaphore_mem>>) src(%dma_wait3A_260 : memref<200x128xf32, #tpu.memory_space<vmem>>) dst(%dma_wait3A_257 : memref<200x128xf32, #tpu.memory_space<vmem_shared>>)
    } else {
    }
    %add3A_45 = arith.constant 32 : i32
    %add3A_46 = arith.addi %arg1, %add3A_45 : i32
    %lt3A_47 = arith.constant 50 : i32
    %lt3A_48 = arith.cmpi slt, %add3A_46, %lt3A_47 : i32
    %convert_element_type3A_49 = arith.extui %lt3A_48 : i1 to i32
    %cond3A_50 = arith.constant 0 : i32
    %cond3A_51 = arith.cmpi ne, %convert_element_type3A_49, %cond3A_50 : i32
    scf.if %cond3A_51 {
      %dma_wait3A_249 = arith.constant 0 : i32
      %dma_wait3A_250 = arith.constant 0 : i32
      %dma_wait3A_251 = tpu.memref_slice %arg8[%dma_wait3A_249, %dma_wait3A_250] : memref<240x128xf32, #tpu.memory_space<vmem>> -> memref<200x128xf32, #tpu.memory_space<vmem>>
      %dma_wait3A_252 = arith.constant 0 : i32
      %dma_wait3A_253 = arith.constant 0 : i32
      %dma_wait3A_254 = tpu.memref_slice %arg9[%dma_wait3A_252, %dma_wait3A_253] : memref<10000x128xf32, #tpu.memory_space<vmem_shared>> -> memref<200x128xf32, #tpu.memory_space<vmem_shared>>
      %dma_wait3A_255 = arith.constant 0 : i32
      %dma_wait3A_256 = arith.constant 0 : i32
      %dma_wait3A_257 = tpu.memref_slice %arg9[%dma_wait3A_255, %dma_wait3A_256] : memref<10000x128xf32, #tpu.memory_space<vmem_shared>> -> memref<200x128xf32, #tpu.memory_space<vmem_shared>>
      %dma_wait3A_258 = arith.constant 0 : i32
      %dma_wait3A_259 = arith.constant 0 : i32
      %dma_wait3A_260 = tpu.memref_slice %arg8[%dma_wait3A_258, %dma_wait3A_259] : memref<240x128xf32, #tpu.memory_space<vmem>> -> memref<200x128xf32, #tpu.memory_space<vmem>>
      tpu.wait_dma2 semaphore(%arg12 : memref<!tpu.dma_semaphore, #tpu.memory_space<semaphore_mem>>) src(%dma_wait3A_260 : memref<200x128xf32, #tpu.memory_space<vmem>>) dst(%dma_wait3A_257 : memref<200x128xf32, #tpu.memory_space<vmem_shared>>)
    } else {
    }
    %add3A_52 = arith.constant 48 : i32
    %add3A_53 = arith.addi %arg1, %add3A_52 : i32
    %lt3A_54 = arith.constant 50 : i32
    %lt3A_55 = arith.cmpi slt, %add3A_53, %lt3A_54 : i32
    %convert_element_type3A_56 = arith.extui %lt3A_55 : i1 to i32
    %cond3A_57 = arith.constant 0 : i32
    %cond3A_58 = arith.cmpi ne, %convert_element_type3A_56, %cond3A_57 : i32
    scf.if %cond3A_58 {
      %dma_wait3A_249 = arith.constant 0 : i32
      %dma_wait3A_250 = arith.constant 0 : i32
      %dma_wait3A_251 = tpu.memref_slice %arg8[%dma_wait3A_249, %dma_wait3A_250] : memref<240x128xf32, #tpu.memory_space<vmem>> -> memref<200x128xf32, #tpu.memory_space<vmem>>
      %dma_wait3A_252 = arith.constant 0 : i32
      %dma_wait3A_253 = arith.constant 0 : i32
      %dma_wait3A_254 = tpu.memref_slice %arg9[%dma_wait3A_252, %dma_wait3A_253] : memref<10000x128xf32, #tpu.memory_space<vmem_shared>> -> memref<200x128xf32, #tpu.memory_space<vmem_shared>>
      %dma_wait3A_255 = arith.constant 0 : i32
      %dma_wait3A_256 = arith.constant 0 : i32
      %dma_wait3A_257 = tpu.memref_slice %arg9[%dma_wait3A_255, %dma_wait3A_256] : memref<10000x128xf32, #tpu.memory_space<vmem_shared>> -> memref<200x128xf32, #tpu.memory_space<vmem_shared>>
      %dma_wait3A_258 = arith.constant 0 : i32
      %dma_wait3A_259 = arith.constant 0 : i32
      %dma_wait3A_260 = tpu.memref_slice %arg8[%dma_wait3A_258, %dma_wait3A_259] : memref<240x128xf32, #tpu.memory_space<vmem>> -> memref<200x128xf32, #tpu.memory_space<vmem>>
      tpu.wait_dma2 semaphore(%arg12 : memref<!tpu.dma_semaphore, #tpu.memory_space<semaphore_mem>>) src(%dma_wait3A_260 : memref<200x128xf32, #tpu.memory_space<vmem>>) dst(%dma_wait3A_257 : memref<200x128xf32, #tpu.memory_space<vmem_shared>>)
    } else {
    }
    %barrier3A = arith.constant 0 : index
    tpu.barrier barrier_id(%barrier3A)
    %mul3A_59 = arith.constant 5 : i32
    %mul3A_60 = arith.muli %add3A, %mul3A_59 : i32
    %dma_start3A = arith.constant 0 : i32
    %dma_start3A_61 = arith.constant 0 : i32
    %dma_start3A_62 = tpu.memref_slice %arg6[%dma_start3A, %dma_start3A_61] : memref<64x80xi32, #tpu.memory_space<vmem>> -> memref<32x80xi32, #tpu.memory_space<vmem>>
    %dma_start3A_63 = arith.constant 0 : i32
    %dma_start3A_64 = arith.constant 0 : i32
    %dma_start3A_65 = tpu.memref_slice %arg3[%mul3A_60, %dma_start3A_63, %dma_start3A_64] : memref<160x32x80xi32, #tpu.memory_space<hbm>> -> memref<1x32x80xi32, #tpu.memory_space<hbm>>
    %dma_start3A_66 = tpu.memref_squeeze %dma_start3A_65 : memref<1x32x80xi32, #tpu.memory_space<hbm>> -> memref<32x80xi32, #tpu.memory_space<hbm>>
    %dma_start3A_67 = arith.constant 0 : i32
    %dma_start3A_68 = arith.constant 0 : i32
    %dma_start3A_69 = tpu.memref_slice %arg6[%dma_start3A_67, %dma_start3A_68] : memref<64x80xi32, #tpu.memory_space<vmem>> -> memref<32x80xi32, #tpu.memory_space<vmem>>
    %dma_start3A_70 = arith.constant 0 : i32
    %dma_start3A_71 = arith.constant 0 : i32
    %dma_start3A_72 = tpu.memref_slice %arg3[%mul3A_60, %dma_start3A_70, %dma_start3A_71] : memref<160x32x80xi32, #tpu.memory_space<hbm>> -> memref<1x32x80xi32, #tpu.memory_space<hbm>>
    %dma_start3A_73 = tpu.memref_squeeze %dma_start3A_72 : memref<1x32x80xi32, #tpu.memory_space<hbm>> -> memref<32x80xi32, #tpu.memory_space<hbm>>
    tpu.enqueue_dma source(%dma_start3A_73 : memref<32x80xi32, #tpu.memory_space<hbm>>) target(%dma_start3A_69 : memref<32x80xi32, #tpu.memory_space<vmem>>) target_semaphore(%arg12 : memref<!tpu.dma_semaphore, #tpu.memory_space<semaphore_mem>>)
    %dma_wait3A = arith.constant 0 : i32
    %dma_wait3A_74 = arith.constant 0 : i32
    %dma_wait3A_75 = tpu.memref_slice %arg6[%dma_wait3A, %dma_wait3A_74] : memref<64x80xi32, #tpu.memory_space<vmem>> -> memref<32x80xi32, #tpu.memory_space<vmem>>
    %dma_wait3A_76 = arith.constant 0 : i32
    %dma_wait3A_77 = arith.constant 0 : i32
    %dma_wait3A_78 = tpu.memref_slice %arg3[%mul3A_60, %dma_wait3A_76, %dma_wait3A_77] : memref<160x32x80xi32, #tpu.memory_space<hbm>> -> memref<1x32x80xi32, #tpu.memory_space<hbm>>
    %dma_wait3A_79 = tpu.memref_squeeze %dma_wait3A_78 : memref<1x32x80xi32, #tpu.memory_space<hbm>> -> memref<32x80xi32, #tpu.memory_space<hbm>>
    %dma_wait3A_80 = arith.constant 0 : i32
    %dma_wait3A_81 = arith.constant 0 : i32
    %dma_wait3A_82 = tpu.memref_slice %arg6[%dma_wait3A_80, %dma_wait3A_81] : memref<64x80xi32, #tpu.memory_space<vmem>> -> memref<32x80xi32, #tpu.memory_space<vmem>>
    %dma_wait3A_83 = arith.constant 0 : i32
    %dma_wait3A_84 = arith.constant 0 : i32
    %dma_wait3A_85 = tpu.memref_slice %arg3[%mul3A_60, %dma_wait3A_83, %dma_wait3A_84] : memref<160x32x80xi32, #tpu.memory_space<hbm>> -> memref<1x32x80xi32, #tpu.memory_space<hbm>>
    %dma_wait3A_86 = tpu.memref_squeeze %dma_wait3A_85 : memref<1x32x80xi32, #tpu.memory_space<hbm>> -> memref<32x80xi32, #tpu.memory_space<hbm>>
    tpu.wait_dma2 semaphore(%arg12 : memref<!tpu.dma_semaphore, #tpu.memory_space<semaphore_mem>>) src(%dma_wait3A_86 : memref<32x80xi32, #tpu.memory_space<hbm>>) dst(%dma_wait3A_82 : memref<32x80xi32, #tpu.memory_space<vmem>>)
    %dma_start3A_87 = arith.constant 0 : i32
    %dma_start3A_88 = arith.constant 0 : i32
    %dma_start3A_89 = tpu.memref_slice %arg7[%dma_start3A_87, %dma_start3A_88] : memref<64x80xi32, #tpu.memory_space<vmem>> -> memref<32x80xi32, #tpu.memory_space<vmem>>
    %dma_start3A_90 = arith.constant 0 : i32
    %dma_start3A_91 = arith.constant 0 : i32
    %dma_start3A_92 = tpu.memref_slice %arg4[%mul3A_60, %dma_start3A_90, %dma_start3A_91] : memref<160x32x80xi32, #tpu.memory_space<hbm>> -> memref<1x32x80xi32, #tpu.memory_space<hbm>>
    %dma_start3A_93 = tpu.memref_squeeze %dma_start3A_92 : memref<1x32x80xi32, #tpu.memory_space<hbm>> -> memref<32x80xi32, #tpu.memory_space<hbm>>
    %dma_start3A_94 = arith.constant 0 : i32
    %dma_start3A_95 = arith.constant 0 : i32
    %dma_start3A_96 = tpu.memref_slice %arg7[%dma_start3A_94, %dma_start3A_95] : memref<64x80xi32, #tpu.memory_space<vmem>> -> memref<32x80xi32, #tpu.memory_space<vmem>>
    %dma_start3A_97 = arith.constant 0 : i32
    %dma_start3A_98 = arith.constant 0 : i32
    %dma_start3A_99 = tpu.memref_slice %arg4[%mul3A_60, %dma_start3A_97, %dma_start3A_98] : memref<160x32x80xi32, #tpu.memory_space<hbm>> -> memref<1x32x80xi32, #tpu.memory_space<hbm>>
    %dma_start3A_100 = tpu.memref_squeeze %dma_start3A_99 : memref<1x32x80xi32, #tpu.memory_space<hbm>> -> memref<32x80xi32, #tpu.memory_space<hbm>>
    tpu.enqueue_dma source(%dma_start3A_100 : memref<32x80xi32, #tpu.memory_space<hbm>>) target(%dma_start3A_96 : memref<32x80xi32, #tpu.memory_space<vmem>>) target_semaphore(%arg12 : memref<!tpu.dma_semaphore, #tpu.memory_space<semaphore_mem>>)
    %dma_wait3A_101 = arith.constant 0 : i32
    %dma_wait3A_102 = arith.constant 0 : i32
    %dma_wait3A_103 = tpu.memref_slice %arg7[%dma_wait3A_101, %dma_wait3A_102] : memref<64x80xi32, #tpu.memory_space<vmem>> -> memref<32x80xi32, #tpu.memory_space<vmem>>
    %dma_wait3A_104 = arith.constant 0 : i32
    %dma_wait3A_105 = arith.constant 0 : i32
    %dma_wait3A_106 = tpu.memref_slice %arg4[%mul3A_60, %dma_wait3A_104, %dma_wait3A_105] : memref<160x32x80xi32, #tpu.memory_space<hbm>> -> memref<1x32x80xi32, #tpu.memory_space<hbm>>
    %dma_wait3A_107 = tpu.memref_squeeze %dma_wait3A_106 : memref<1x32x80xi32, #tpu.memory_space<hbm>> -> memref<32x80xi32, #tpu.memory_space<hbm>>
    %dma_wait3A_108 = arith.constant 0 : i32
    %dma_wait3A_109 = arith.constant 0 : i32
    %dma_wait3A_110 = tpu.memref_slice %arg7[%dma_wait3A_108, %dma_wait3A_109] : memref<64x80xi32, #tpu.memory_space<vmem>> -> memref<32x80xi32, #tpu.memory_space<vmem>>
    %dma_wait3A_111 = arith.constant 0 : i32
    %dma_wait3A_112 = arith.constant 0 : i32
    %dma_wait3A_113 = tpu.memref_slice %arg4[%mul3A_60, %dma_wait3A_111, %dma_wait3A_112] : memref<160x32x80xi32, #tpu.memory_space<hbm>> -> memref<1x32x80xi32, #tpu.memory_space<hbm>>
    %dma_wait3A_114 = tpu.memref_squeeze %dma_wait3A_113 : memref<1x32x80xi32, #tpu.memory_space<hbm>> -> memref<32x80xi32, #tpu.memory_space<hbm>>
    tpu.wait_dma2 semaphore(%arg12 : memref<!tpu.dma_semaphore, #tpu.memory_space<semaphore_mem>>) src(%dma_wait3A_114 : memref<32x80xi32, #tpu.memory_space<hbm>>) dst(%dma_wait3A_110 : memref<32x80xi32, #tpu.memory_space<vmem>>)
    %add3A_115 = arith.constant 1 : i32
    %add3A_116 = arith.addi %mul3A_60, %add3A_115 : i32
    %dma_start3A_117 = arith.constant 32 : i32
    %dma_start3A_118 = arith.constant 0 : i32
    %dma_start3A_119 = tpu.memref_slice %arg6[%dma_start3A_117, %dma_start3A_118] : memref<64x80xi32, #tpu.memory_space<vmem>> -> memref<32x80xi32, #tpu.memory_space<vmem>>
    %dma_start3A_120 = arith.constant 0 : i32
    %dma_start3A_121 = arith.constant 0 : i32
    %dma_start3A_122 = tpu.memref_slice %arg3[%add3A_116, %dma_start3A_120, %dma_start3A_121] : memref<160x32x80xi32, #tpu.memory_space<hbm>> -> memref<1x32x80xi32, #tpu.memory_space<hbm>>
    %dma_start3A_123 = tpu.memref_squeeze %dma_start3A_122 : memref<1x32x80xi32, #tpu.memory_space<hbm>> -> memref<32x80xi32, #tpu.memory_space<hbm>>
    %dma_start3A_124 = arith.constant 32 : i32
    %dma_start3A_125 = arith.constant 0 : i32
    %dma_start3A_126 = tpu.memref_slice %arg6[%dma_start3A_124, %dma_start3A_125] : memref<64x80xi32, #tpu.memory_space<vmem>> -> memref<32x80xi32, #tpu.memory_space<vmem>>
    %dma_start3A_127 = arith.constant 0 : i32
    %dma_start3A_128 = arith.constant 0 : i32
    %dma_start3A_129 = tpu.memref_slice %arg3[%add3A_116, %dma_start3A_127, %dma_start3A_128] : memref<160x32x80xi32, #tpu.memory_space<hbm>> -> memref<1x32x80xi32, #tpu.memory_space<hbm>>
    %dma_start3A_130 = tpu.memref_squeeze %dma_start3A_129 : memref<1x32x80xi32, #tpu.memory_space<hbm>> -> memref<32x80xi32, #tpu.memory_space<hbm>>
    tpu.enqueue_dma source(%dma_start3A_130 : memref<32x80xi32, #tpu.memory_space<hbm>>) target(%dma_start3A_126 : memref<32x80xi32, #tpu.memory_space<vmem>>) target_semaphore(%arg12 : memref<!tpu.dma_semaphore, #tpu.memory_space<semaphore_mem>>)
    %add3A_131 = arith.constant 1 : i32
    %add3A_132 = arith.addi %mul3A_60, %add3A_131 : i32
    %dma_start3A_133 = arith.constant 32 : i32
    %dma_start3A_134 = arith.constant 0 : i32
    %dma_start3A_135 = tpu.memref_slice %arg7[%dma_start3A_133, %dma_start3A_134] : memref<64x80xi32, #tpu.memory_space<vmem>> -> memref<32x80xi32, #tpu.memory_space<vmem>>
    %dma_start3A_136 = arith.constant 0 : i32
    %dma_start3A_137 = arith.constant 0 : i32
    %dma_start3A_138 = tpu.memref_slice %arg4[%add3A_132, %dma_start3A_136, %dma_start3A_137] : memref<160x32x80xi32, #tpu.memory_space<hbm>> -> memref<1x32x80xi32, #tpu.memory_space<hbm>>
    %dma_start3A_139 = tpu.memref_squeeze %dma_start3A_138 : memref<1x32x80xi32, #tpu.memory_space<hbm>> -> memref<32x80xi32, #tpu.memory_space<hbm>>
    %dma_start3A_140 = arith.constant 32 : i32
    %dma_start3A_141 = arith.constant 0 : i32
    %dma_start3A_142 = tpu.memref_slice %arg7[%dma_start3A_140, %dma_start3A_141] : memref<64x80xi32, #tpu.memory_space<vmem>> -> memref<32x80xi32, #tpu.memory_space<vmem>>
    %dma_start3A_143 = arith.constant 0 : i32
    %dma_start3A_144 = arith.constant 0 : i32
    %dma_start3A_145 = tpu.memref_slice %arg4[%add3A_132, %dma_start3A_143, %dma_start3A_144] : memref<160x32x80xi32, #tpu.memory_space<hbm>> -> memref<1x32x80xi32, #tpu.memory_space<hbm>>
    %dma_start3A_146 = tpu.memref_squeeze %dma_start3A_145 : memref<1x32x80xi32, #tpu.memory_space<hbm>> -> memref<32x80xi32, #tpu.memory_space<hbm>>
    tpu.enqueue_dma source(%dma_start3A_146 : memref<32x80xi32, #tpu.memory_space<hbm>>) target(%dma_start3A_142 : memref<32x80xi32, #tpu.memory_space<vmem>>) target_semaphore(%arg12 : memref<!tpu.dma_semaphore, #tpu.memory_space<semaphore_mem>>)
    %rem3A = arith.constant 0 : i32
    %rem3A_147 = arith.constant 2 : i32
    %rem3A_148 = arith.remsi %rem3A, %rem3A_147 : i32
    %mul3A_149 = arith.constant 32 : i32
    %mul3A_150 = arith.muli %rem3A_148, %mul3A_149 : i32
    %add3A_151 = arith.constant 0 : i32
    %add3A_152 = arith.addi %mul3A_150, %add3A_151 : i32
    %rem3A_153 = arith.constant 0 : i32
    %rem3A_154 = arith.constant 3 : i32
    %rem3A_155 = arith.remsi %rem3A_153, %rem3A_154 : i32
    %mul3A_156 = arith.constant 80 : i32
    %mul3A_157 = arith.muli %rem3A_155, %mul3A_156 : i32
    %dma_start3A_158 = arith.constant 0 : i32
    %dma_start3A_159 = tpu.memref_slice %arg8[%mul3A_157, %dma_start3A_158] : memref<240x128xf32, #tpu.memory_space<vmem>> -> memref<80x128xf32, #tpu.memory_space<vmem>>
    %dma_start3A_160 = arith.constant 0 : i32
    %dma_start3A_161 = tpu.memref_slice %arg6[%add3A_152, %dma_start3A_160] : memref<64x80xi32, #tpu.memory_space<vmem>> -> memref<1x80xi32, #tpu.memory_space<vmem>>
    %dma_start3A_162 = tpu.memref_squeeze %dma_start3A_161 : memref<1x80xi32, #tpu.memory_space<vmem>> -> memref<80xi32, #tpu.memory_space<vmem>>
    %dma_start3A_163 = arith.constant 0 : i32
    %dma_start3A_164 = arith.constant 0 : i32
    %dma_start3A_165 = tpu.memref_slice %arg2[%dma_start3A_163, %dma_start3A_164] : memref<10000x128xf32, #tpu.memory_space<hbm>> -> memref<10000x128xf32, #tpu.memory_space<hbm>>
    tpu.enqueue_indirect_dma source(%dma_start3A_165 : memref<10000x128xf32, #tpu.memory_space<hbm>>) target(%dma_start3A_159 : memref<80x128xf32, #tpu.memory_space<vmem>>) offsets(%dma_start3A_162 : memref<80xi32, #tpu.memory_space<vmem>>) semaphore(%arg10 : memref<!tpu.dma_semaphore, #tpu.memory_space<semaphore_mem>>)
    %rem3A_166 = arith.constant 0 : i32
    %rem3A_167 = arith.constant 2 : i32
    %rem3A_168 = arith.remsi %rem3A_166, %rem3A_167 : i32
    %mul3A_169 = arith.constant 32 : i32
    %mul3A_170 = arith.muli %rem3A_168, %mul3A_169 : i32
    %add3A_171 = arith.constant 1 : i32
    %add3A_172 = arith.addi %mul3A_170, %add3A_171 : i32
    %rem3A_173 = arith.constant 1 : i32
    %rem3A_174 = arith.constant 3 : i32
    %rem3A_175 = arith.remsi %rem3A_173, %rem3A_174 : i32
    %mul3A_176 = arith.constant 80 : i32
    %mul3A_177 = arith.muli %rem3A_175, %mul3A_176 : i32
    %dma_start3A_178 = arith.constant 0 : i32
    %dma_start3A_179 = tpu.memref_slice %arg8[%mul3A_177, %dma_start3A_178] : memref<240x128xf32, #tpu.memory_space<vmem>> -> memref<80x128xf32, #tpu.memory_space<vmem>>
    %dma_start3A_180 = arith.constant 0 : i32
    %dma_start3A_181 = tpu.memref_slice %arg6[%add3A_172, %dma_start3A_180] : memref<64x80xi32, #tpu.memory_space<vmem>> -> memref<1x80xi32, #tpu.memory_space<vmem>>
    %dma_start3A_182 = tpu.memref_squeeze %dma_start3A_181 : memref<1x80xi32, #tpu.memory_space<vmem>> -> memref<80xi32, #tpu.memory_space<vmem>>
    %dma_start3A_183 = arith.constant 0 : i32
    %dma_start3A_184 = arith.constant 0 : i32
    %dma_start3A_185 = tpu.memref_slice %arg2[%dma_start3A_183, %dma_start3A_184] : memref<10000x128xf32, #tpu.memory_space<hbm>> -> memref<10000x128xf32, #tpu.memory_space<hbm>>
    tpu.enqueue_indirect_dma source(%dma_start3A_185 : memref<10000x128xf32, #tpu.memory_space<hbm>>) target(%dma_start3A_179 : memref<80x128xf32, #tpu.memory_space<vmem>>) offsets(%dma_start3A_182 : memref<80xi32, #tpu.memory_space<vmem>>) semaphore(%arg10 : memref<!tpu.dma_semaphore, #tpu.memory_space<semaphore_mem>>)
    %scan3A_186 = arith.constant 0 : i32
    %scan3A_187 = arith.constant 0 : i32
    %scan3A_188 = arith.constant 127 : i32
    %scan3A_189 = arith.addi %scan3A_187, %scan3A_188 : i32
    %scan3A_190 = arith.constant 1 : i32
    scf.for %scan3A_249 = %scan3A_187 to %scan3A_189 step %scan3A_190  : i32 {
      %add3A_250 = arith.constant 2 : i32
      %add3A_251 = arith.addi %scan3A_249, %add3A_250 : i32
      %rem3A_252 = arith.constant 25 : i32
      %rem3A_253 = arith.remsi %add3A_251, %rem3A_252 : i32
      %eq3A = arith.constant 0 : i32
      %eq3A_254 = arith.cmpi eq, %rem3A_253, %eq3A : i32
      %add3A_255 = arith.constant 2 : i32
      %add3A_256 = arith.addi %scan3A_249, %add3A_255 : i32
      %gt3A = arith.constant 0 : i32
      %gt3A_257 = arith.cmpi sgt, %add3A_256, %gt3A : i32
      %and3A = arith.andi %eq3A_254, %gt3A_257 : i1
      %add3A_258 = arith.constant 2 : i32
      %add3A_259 = arith.addi %scan3A_249, %add3A_258 : i32
      %lt3A_260 = arith.constant 125 : i32
      %lt3A_261 = arith.cmpi slt, %add3A_259, %lt3A_260 : i32
      %and3A_262 = arith.andi %and3A, %lt3A_261 : i1
      %convert_element_type3A_263 = arith.extui %and3A_262 : i1 to i32
      %cond3A_264 = arith.constant 0 : i32
      %cond3A_265 = arith.cmpi ne, %convert_element_type3A_263, %cond3A_264 : i32
      scf.if %cond3A_265 {
        %add3A_298 = arith.constant 2 : i32
        %add3A_299 = arith.addi %scan3A_249, %add3A_298 : i32
        %jit3A = arith.constant 25 : i32
        %div3A = arith.divsi %add3A_299, %jit3A : i32
        %sign3A = arith.constant 0 : i32
        %sign3A_300 = arith.cmpi sgt, %add3A_299, %sign3A : i32
        %sign3A_301 = arith.extui %sign3A_300 : i1 to i32
        %sign3A_302 = arith.constant 0 : i32
        %sign3A_303 = arith.cmpi slt, %add3A_299, %sign3A_302 : i32
        %sign3A_304 = arith.extui %sign3A_303 : i1 to i32
        %sign3A_305 = arith.subi %sign3A_301, %sign3A_304 : i32
        %sign3A_306 = arith.constant 0 : i32
        %sign3A_307 = arith.cmpi sgt, %jit3A, %sign3A_306 : i32
        %sign3A_308 = arith.extui %sign3A_307 : i1 to i32
        %sign3A_309 = arith.constant 0 : i32
        %sign3A_310 = arith.cmpi slt, %jit3A, %sign3A_309 : i32
        %sign3A_311 = arith.extui %sign3A_310 : i1 to i32
        %sign3A_312 = arith.subi %sign3A_308, %sign3A_311 : i32
        %ne3A = arith.cmpi ne, %sign3A_305, %sign3A_312 : i32
        %rem3A_313 = arith.remsi %add3A_299, %jit3A : i32
        %ne3A_314 = arith.constant 0 : i32
        %ne3A_315 = arith.cmpi ne, %rem3A_313, %ne3A_314 : i32
        %and3A_316 = arith.andi %ne3A, %ne3A_315 : i1
        %sub3A = arith.constant 1 : i32
        %sub3A_317 = arith.subi %div3A, %sub3A : i32
        %select_n3A = arith.select %and3A_316, %sub3A_317, %div3A : i32
        %rem3A_318 = arith.constant 2 : i32
        %rem3A_319 = arith.remsi %select_n3A, %rem3A_318 : i32
        %mul3A_320 = arith.constant 32 : i32
        %mul3A_321 = arith.muli %rem3A_319, %mul3A_320 : i32
        %dma_wait3A_322 = arith.constant 0 : i32
        %dma_wait3A_323 = tpu.memref_slice %arg6[%mul3A_321, %dma_wait3A_322] : memref<64x80xi32, #tpu.memory_space<vmem>> -> memref<32x80xi32, #tpu.memory_space<vmem>>
        %dma_wait3A_324 = arith.constant 0 : i32
        %dma_wait3A_325 = arith.constant 0 : i32
        %dma_wait3A_326 = tpu.memref_slice %arg3[%mul3A_60, %dma_wait3A_324, %dma_wait3A_325] : memref<160x32x80xi32, #tpu.memory_space<hbm>> -> memref<1x32x80xi32, #tpu.memory_space<hbm>>
        %dma_wait3A_327 = tpu.memref_squeeze %dma_wait3A_326 : memref<1x32x80xi32, #tpu.memory_space<hbm>> -> memref<32x80xi32, #tpu.memory_space<hbm>>
        %dma_wait3A_328 = arith.constant 0 : i32
        %dma_wait3A_329 = tpu.memref_slice %arg6[%mul3A_321, %dma_wait3A_328] : memref<64x80xi32, #tpu.memory_space<vmem>> -> memref<32x80xi32, #tpu.memory_space<vmem>>
        %dma_wait3A_330 = arith.constant 0 : i32
        %dma_wait3A_331 = arith.constant 0 : i32
        %dma_wait3A_332 = tpu.memref_slice %arg3[%mul3A_60, %dma_wait3A_330, %dma_wait3A_331] : memref<160x32x80xi32, #tpu.memory_space<hbm>> -> memref<1x32x80xi32, #tpu.memory_space<hbm>>
        %dma_wait3A_333 = tpu.memref_squeeze %dma_wait3A_332 : memref<1x32x80xi32, #tpu.memory_space<hbm>> -> memref<32x80xi32, #tpu.memory_space<hbm>>
        tpu.wait_dma2 semaphore(%arg12 : memref<!tpu.dma_semaphore, #tpu.memory_space<semaphore_mem>>) src(%dma_wait3A_333 : memref<32x80xi32, #tpu.memory_space<hbm>>) dst(%dma_wait3A_329 : memref<32x80xi32, #tpu.memory_space<vmem>>)
        %dma_wait3A_334 = arith.constant 0 : i32
        %dma_wait3A_335 = tpu.memref_slice %arg7[%mul3A_321, %dma_wait3A_334] : memref<64x80xi32, #tpu.memory_space<vmem>> -> memref<32x80xi32, #tpu.memory_space<vmem>>
        %dma_wait3A_336 = arith.constant 0 : i32
        %dma_wait3A_337 = arith.constant 0 : i32
        %dma_wait3A_338 = tpu.memref_slice %arg4[%mul3A_60, %dma_wait3A_336, %dma_wait3A_337] : memref<160x32x80xi32, #tpu.memory_space<hbm>> -> memref<1x32x80xi32, #tpu.memory_space<hbm>>
        %dma_wait3A_339 = tpu.memref_squeeze %dma_wait3A_338 : memref<1x32x80xi32, #tpu.memory_space<hbm>> -> memref<32x80xi32, #tpu.memory_space<hbm>>
        %dma_wait3A_340 = arith.constant 0 : i32
        %dma_wait3A_341 = tpu.memref_slice %arg7[%mul3A_321, %dma_wait3A_340] : memref<64x80xi32, #tpu.memory_space<vmem>> -> memref<32x80xi32, #tpu.memory_space<vmem>>
        %dma_wait3A_342 = arith.constant 0 : i32
        %dma_wait3A_343 = arith.constant 0 : i32
        %dma_wait3A_344 = tpu.memref_slice %arg4[%mul3A_60, %dma_wait3A_342, %dma_wait3A_343] : memref<160x32x80xi32, #tpu.memory_space<hbm>> -> memref<1x32x80xi32, #tpu.memory_space<hbm>>
        %dma_wait3A_345 = tpu.memref_squeeze %dma_wait3A_344 : memref<1x32x80xi32, #tpu.memory_space<hbm>> -> memref<32x80xi32, #tpu.memory_space<hbm>>
        tpu.wait_dma2 semaphore(%arg12 : memref<!tpu.dma_semaphore, #tpu.memory_space<semaphore_mem>>) src(%dma_wait3A_345 : memref<32x80xi32, #tpu.memory_space<hbm>>) dst(%dma_wait3A_341 : memref<32x80xi32, #tpu.memory_space<vmem>>)
      } else {
      }
      %rem3A_266 = arith.constant 25 : i32
      %rem3A_267 = arith.remsi %scan3A_249, %rem3A_266 : i32
      %eq3A_268 = arith.constant 2 : i32
      %eq3A_269 = arith.cmpi eq, %rem3A_267, %eq3A_268 : i32
      %gt3A_270 = arith.constant 25 : i32
      %gt3A_271 = arith.cmpi sgt, %scan3A_249, %gt3A_270 : i32
      %and3A_272 = arith.andi %eq3A_269, %gt3A_271 : i1
      %lt3A_273 = arith.constant 100 : i32
      %lt3A_274 = arith.cmpi slt, %scan3A_249, %lt3A_273 : i32
      %and3A_275 = arith.andi %and3A_272, %lt3A_274 : i1
      %convert_element_type3A_276 = arith.extui %and3A_275 : i1 to i32
      %cond3A_277 = arith.constant 0 : i32
      %cond3A_278 = arith.cmpi ne, %convert_element_type3A_276, %cond3A_277 : i32
      scf.if %cond3A_278 {
        %jit3A = arith.constant 25 : i32
        %div3A = arith.divsi %scan3A_249, %jit3A : i32
        %sign3A = arith.constant 0 : i32
        %sign3A_298 = arith.cmpi sgt, %scan3A_249, %sign3A : i32
        %sign3A_299 = arith.extui %sign3A_298 : i1 to i32
        %sign3A_300 = arith.constant 0 : i32
        %sign3A_301 = arith.cmpi slt, %scan3A_249, %sign3A_300 : i32
        %sign3A_302 = arith.extui %sign3A_301 : i1 to i32
        %sign3A_303 = arith.subi %sign3A_299, %sign3A_302 : i32
        %sign3A_304 = arith.constant 0 : i32
        %sign3A_305 = arith.cmpi sgt, %jit3A, %sign3A_304 : i32
        %sign3A_306 = arith.extui %sign3A_305 : i1 to i32
        %sign3A_307 = arith.constant 0 : i32
        %sign3A_308 = arith.cmpi slt, %jit3A, %sign3A_307 : i32
        %sign3A_309 = arith.extui %sign3A_308 : i1 to i32
        %sign3A_310 = arith.subi %sign3A_306, %sign3A_309 : i32
        %ne3A = arith.cmpi ne, %sign3A_303, %sign3A_310 : i32
        %rem3A_311 = arith.remsi %scan3A_249, %jit3A : i32
        %ne3A_312 = arith.constant 0 : i32
        %ne3A_313 = arith.cmpi ne, %rem3A_311, %ne3A_312 : i32
        %and3A_314 = arith.andi %ne3A, %ne3A_313 : i1
        %sub3A = arith.constant 1 : i32
        %sub3A_315 = arith.subi %div3A, %sub3A : i32
        %select_n3A = arith.select %and3A_314, %sub3A_315, %div3A : i32
        %add3A_316 = arith.constant 1 : i32
        %add3A_317 = arith.addi %select_n3A, %add3A_316 : i32
        %rem3A_318 = arith.constant 2 : i32
        %rem3A_319 = arith.remsi %add3A_317, %rem3A_318 : i32
        %mul3A_320 = arith.constant 32 : i32
        %mul3A_321 = arith.muli %rem3A_319, %mul3A_320 : i32
        %add3A_322 = arith.addi %mul3A_60, %add3A_317 : i32
        %dma_start3A_323 = arith.constant 0 : i32
        %dma_start3A_324 = tpu.memref_slice %arg6[%mul3A_321, %dma_start3A_323] : memref<64x80xi32, #tpu.memory_space<vmem>> -> memref<32x80xi32, #tpu.memory_space<vmem>>
        %dma_start3A_325 = arith.constant 0 : i32
        %dma_start3A_326 = arith.constant 0 : i32
        %dma_start3A_327 = tpu.memref_slice %arg3[%add3A_322, %dma_start3A_325, %dma_start3A_326] : memref<160x32x80xi32, #tpu.memory_space<hbm>> -> memref<1x32x80xi32, #tpu.memory_space<hbm>>
        %dma_start3A_328 = tpu.memref_squeeze %dma_start3A_327 : memref<1x32x80xi32, #tpu.memory_space<hbm>> -> memref<32x80xi32, #tpu.memory_space<hbm>>
        %dma_start3A_329 = arith.constant 0 : i32
        %dma_start3A_330 = tpu.memref_slice %arg6[%mul3A_321, %dma_start3A_329] : memref<64x80xi32, #tpu.memory_space<vmem>> -> memref<32x80xi32, #tpu.memory_space<vmem>>
        %dma_start3A_331 = arith.constant 0 : i32
        %dma_start3A_332 = arith.constant 0 : i32
        %dma_start3A_333 = tpu.memref_slice %arg3[%add3A_322, %dma_start3A_331, %dma_start3A_332] : memref<160x32x80xi32, #tpu.memory_space<hbm>> -> memref<1x32x80xi32, #tpu.memory_space<hbm>>
        %dma_start3A_334 = tpu.memref_squeeze %dma_start3A_333 : memref<1x32x80xi32, #tpu.memory_space<hbm>> -> memref<32x80xi32, #tpu.memory_space<hbm>>
        tpu.enqueue_dma source(%dma_start3A_334 : memref<32x80xi32, #tpu.memory_space<hbm>>) target(%dma_start3A_330 : memref<32x80xi32, #tpu.memory_space<vmem>>) target_semaphore(%arg12 : memref<!tpu.dma_semaphore, #tpu.memory_space<semaphore_mem>>)
        %add3A_335 = arith.addi %mul3A_60, %add3A_317 : i32
        %dma_start3A_336 = arith.constant 0 : i32
        %dma_start3A_337 = tpu.memref_slice %arg7[%mul3A_321, %dma_start3A_336] : memref<64x80xi32, #tpu.memory_space<vmem>> -> memref<32x80xi32, #tpu.memory_space<vmem>>
        %dma_start3A_338 = arith.constant 0 : i32
        %dma_start3A_339 = arith.constant 0 : i32
        %dma_start3A_340 = tpu.memref_slice %arg4[%add3A_335, %dma_start3A_338, %dma_start3A_339] : memref<160x32x80xi32, #tpu.memory_space<hbm>> -> memref<1x32x80xi32, #tpu.memory_space<hbm>>
        %dma_start3A_341 = tpu.memref_squeeze %dma_start3A_340 : memref<1x32x80xi32, #tpu.memory_space<hbm>> -> memref<32x80xi32, #tpu.memory_space<hbm>>
        %dma_start3A_342 = arith.constant 0 : i32
        %dma_start3A_343 = tpu.memref_slice %arg7[%mul3A_321, %dma_start3A_342] : memref<64x80xi32, #tpu.memory_space<vmem>> -> memref<32x80xi32, #tpu.memory_space<vmem>>
        %dma_start3A_344 = arith.constant 0 : i32
        %dma_start3A_345 = arith.constant 0 : i32
        %dma_start3A_346 = tpu.memref_slice %arg4[%add3A_335, %dma_start3A_344, %dma_start3A_345] : memref<160x32x80xi32, #tpu.memory_space<hbm>> -> memref<1x32x80xi32, #tpu.memory_space<hbm>>
        %dma_start3A_347 = tpu.memref_squeeze %dma_start3A_346 : memref<1x32x80xi32, #tpu.memory_space<hbm>> -> memref<32x80xi32, #tpu.memory_space<hbm>>
        tpu.enqueue_dma source(%dma_start3A_347 : memref<32x80xi32, #tpu.memory_space<hbm>>) target(%dma_start3A_343 : memref<32x80xi32, #tpu.memory_space<vmem>>) target_semaphore(%arg12 : memref<!tpu.dma_semaphore, #tpu.memory_space<semaphore_mem>>)
      } else {
      }
      %lt3A_279 = arith.constant 125 : i32
      %lt3A_280 = arith.cmpi slt, %scan3A_249, %lt3A_279 : i32
      %convert_element_type3A_281 = arith.extui %lt3A_280 : i1 to i32
      %cond3A_282 = arith.constant 0 : i32
      %cond3A_283 = arith.cmpi ne, %convert_element_type3A_281, %cond3A_282 : i32
      scf.if %cond3A_283 {
        %dma_wait3A_298 = arith.constant 0 : i32
        %dma_wait3A_299 = arith.constant 0 : i32
        %dma_wait3A_300 = arith.constant 0 : i32
        %dma_wait3A_301 = tpu.memref_slice %arg8[%dma_wait3A_299, %dma_wait3A_300] : memref<240x128xf32, #tpu.memory_space<vmem>> -> memref<80x128xf32, #tpu.memory_space<vmem>>
        %dma_wait3A_302 = arith.constant 0 : i32
        %dma_wait3A_303 = tpu.memref_slice %arg6[%dma_wait3A_298, %dma_wait3A_302] : memref<64x80xi32, #tpu.memory_space<vmem>> -> memref<1x80xi32, #tpu.memory_space<vmem>>
        %dma_wait3A_304 = tpu.memref_squeeze %dma_wait3A_303 : memref<1x80xi32, #tpu.memory_space<vmem>> -> memref<80xi32, #tpu.memory_space<vmem>>
        %dma_wait3A_305 = arith.constant 0 : i32
        %dma_wait3A_306 = arith.constant 0 : i32
        %dma_wait3A_307 = tpu.memref_slice %arg2[%dma_wait3A_305, %dma_wait3A_306] : memref<10000x128xf32, #tpu.memory_space<hbm>> -> memref<10000x128xf32, #tpu.memory_space<hbm>>
        tpu.wait_indirect_dma semaphore(%arg10 : memref<!tpu.dma_semaphore, #tpu.memory_space<semaphore_mem>>) src(%dma_wait3A_307 : memref<10000x128xf32, #tpu.memory_space<hbm>>) dst(%dma_wait3A_301 : memref<80x128xf32, #tpu.memory_space<vmem>>)
        %rem3A_308 = arith.constant 3 : i32
        %rem3A_309 = arith.remsi %scan3A_249, %rem3A_308 : i32
        %mul3A_310 = arith.constant 80 : i32
        %mul3A_311 = arith.muli %rem3A_309, %mul3A_310 : i32
        %jit3A = arith.constant 25 : i32
        %div3A = arith.divsi %scan3A_249, %jit3A : i32
        %sign3A = arith.constant 0 : i32
        %sign3A_312 = arith.cmpi sgt, %scan3A_249, %sign3A : i32
        %sign3A_313 = arith.extui %sign3A_312 : i1 to i32
        %sign3A_314 = arith.constant 0 : i32
        %sign3A_315 = arith.cmpi slt, %scan3A_249, %sign3A_314 : i32
        %sign3A_316 = arith.extui %sign3A_315 : i1 to i32
        %sign3A_317 = arith.subi %sign3A_313, %sign3A_316 : i32
        %sign3A_318 = arith.constant 0 : i32
        %sign3A_319 = arith.cmpi sgt, %jit3A, %sign3A_318 : i32
        %sign3A_320 = arith.extui %sign3A_319 : i1 to i32
        %sign3A_321 = arith.constant 0 : i32
        %sign3A_322 = arith.cmpi slt, %jit3A, %sign3A_321 : i32
        %sign3A_323 = arith.extui %sign3A_322 : i1 to i32
        %sign3A_324 = arith.subi %sign3A_320, %sign3A_323 : i32
        %ne3A = arith.cmpi ne, %sign3A_317, %sign3A_324 : i32
        %rem3A_325 = arith.remsi %scan3A_249, %jit3A : i32
        %ne3A_326 = arith.constant 0 : i32
        %ne3A_327 = arith.cmpi ne, %rem3A_325, %ne3A_326 : i32
        %and3A_328 = arith.andi %ne3A, %ne3A_327 : i1
        %sub3A = arith.constant 1 : i32
        %sub3A_329 = arith.subi %div3A, %sub3A : i32
        %select_n3A = arith.select %and3A_328, %sub3A_329, %div3A : i32
        %rem3A_330 = arith.constant 2 : i32
        %rem3A_331 = arith.remsi %select_n3A, %rem3A_330 : i32
        %mul3A_332 = arith.constant 32 : i32
        %mul3A_333 = arith.muli %rem3A_331, %mul3A_332 : i32
        %mul3A_334 = arith.constant 25 : i32
        %mul3A_335 = arith.muli %select_n3A, %mul3A_334 : i32
        %sub3A_336 = arith.subi %scan3A_249, %mul3A_335 : i32
        %add3A_337 = arith.addi %mul3A_333, %sub3A_336 : i32
        %dma_start3A_338 = arith.constant 0 : i32
        %dma_start3A_339 = tpu.memref_slice %arg8[%mul3A_311, %dma_start3A_338] : memref<240x128xf32, #tpu.memory_space<vmem>> -> memref<80x128xf32, #tpu.memory_space<vmem>>
        %dma_start3A_340 = arith.constant 0 : i32
        %dma_start3A_341 = tpu.memref_slice %arg7[%add3A_337, %dma_start3A_340] : memref<64x80xi32, #tpu.memory_space<vmem>> -> memref<1x80xi32, #tpu.memory_space<vmem>>
        %dma_start3A_342 = tpu.memref_squeeze %dma_start3A_341 : memref<1x80xi32, #tpu.memory_space<vmem>> -> memref<80xi32, #tpu.memory_space<vmem>>
        %dma_start3A_343 = arith.constant 0 : i32
        %dma_start3A_344 = arith.constant 0 : i32
        %dma_start3A_345 = tpu.memref_slice %arg9[%dma_start3A_343, %dma_start3A_344] : memref<10000x128xf32, #tpu.memory_space<vmem_shared>> -> memref<10000x128xf32, #tpu.memory_space<vmem_shared>>
        tpu.enqueue_indirect_dma source(%dma_start3A_339 : memref<80x128xf32, #tpu.memory_space<vmem>>) target(%dma_start3A_345 : memref<10000x128xf32, #tpu.memory_space<vmem_shared>>) offsets(%dma_start3A_342 : memref<80xi32, #tpu.memory_space<vmem>>) semaphore(%arg11 : memref<!tpu.dma_semaphore, #tpu.memory_space<semaphore_mem>>) {add = true}
      } else {
      }
      %ge3A = arith.constant 1 : i32
      %ge3A_284 = arith.cmpi sge, %scan3A_249, %ge3A : i32
      %lt3A_285 = arith.constant 126 : i32
      %lt3A_286 = arith.cmpi slt, %scan3A_249, %lt3A_285 : i32
      %and3A_287 = arith.andi %ge3A_284, %lt3A_286 : i1
      %convert_element_type3A_288 = arith.extui %and3A_287 : i1 to i32
      %cond3A_289 = arith.constant 0 : i32
      %cond3A_290 = arith.cmpi ne, %convert_element_type3A_288, %cond3A_289 : i32
      scf.if %cond3A_290 {
        %dma_wait3A_298 = arith.constant 0 : i32
        %dma_wait3A_299 = arith.constant 0 : i32
        %dma_wait3A_300 = arith.constant 0 : i32
        %dma_wait3A_301 = tpu.memref_slice %arg8[%dma_wait3A_299, %dma_wait3A_300] : memref<240x128xf32, #tpu.memory_space<vmem>> -> memref<80x128xf32, #tpu.memory_space<vmem>>
        %dma_wait3A_302 = arith.constant 0 : i32
        %dma_wait3A_303 = tpu.memref_slice %arg6[%dma_wait3A_298, %dma_wait3A_302] : memref<64x80xi32, #tpu.memory_space<vmem>> -> memref<1x80xi32, #tpu.memory_space<vmem>>
        %dma_wait3A_304 = tpu.memref_squeeze %dma_wait3A_303 : memref<1x80xi32, #tpu.memory_space<vmem>> -> memref<80xi32, #tpu.memory_space<vmem>>
        %dma_wait3A_305 = arith.constant 0 : i32
        %dma_wait3A_306 = arith.constant 0 : i32
        %dma_wait3A_307 = tpu.memref_slice %arg2[%dma_wait3A_305, %dma_wait3A_306] : memref<10000x128xf32, #tpu.memory_space<hbm>> -> memref<10000x128xf32, #tpu.memory_space<hbm>>
        tpu.wait_indirect_dma semaphore(%arg11 : memref<!tpu.dma_semaphore, #tpu.memory_space<semaphore_mem>>) src(%dma_wait3A_307 : memref<10000x128xf32, #tpu.memory_space<hbm>>) dst(%dma_wait3A_301 : memref<80x128xf32, #tpu.memory_space<vmem>>)
      } else {
      }
      %add3A_291 = arith.constant 2 : i32
      %add3A_292 = arith.addi %scan3A_249, %add3A_291 : i32
      %lt3A_293 = arith.constant 125 : i32
      %lt3A_294 = arith.cmpi slt, %add3A_292, %lt3A_293 : i32
      %convert_element_type3A_295 = arith.extui %lt3A_294 : i1 to i32
      %cond3A_296 = arith.constant 0 : i32
      %cond3A_297 = arith.cmpi ne, %convert_element_type3A_295, %cond3A_296 : i32
      scf.if %cond3A_297 {
        %add3A_298 = arith.constant 2 : i32
        %add3A_299 = arith.addi %scan3A_249, %add3A_298 : i32
        %jit3A = arith.constant 25 : i32
        %div3A = arith.divsi %add3A_299, %jit3A : i32
        %sign3A = arith.constant 0 : i32
        %sign3A_300 = arith.cmpi sgt, %add3A_299, %sign3A : i32
        %sign3A_301 = arith.extui %sign3A_300 : i1 to i32
        %sign3A_302 = arith.constant 0 : i32
        %sign3A_303 = arith.cmpi slt, %add3A_299, %sign3A_302 : i32
        %sign3A_304 = arith.extui %sign3A_303 : i1 to i32
        %sign3A_305 = arith.subi %sign3A_301, %sign3A_304 : i32
        %sign3A_306 = arith.constant 0 : i32
        %sign3A_307 = arith.cmpi sgt, %jit3A, %sign3A_306 : i32
        %sign3A_308 = arith.extui %sign3A_307 : i1 to i32
        %sign3A_309 = arith.constant 0 : i32
        %sign3A_310 = arith.cmpi slt, %jit3A, %sign3A_309 : i32
        %sign3A_311 = arith.extui %sign3A_310 : i1 to i32
        %sign3A_312 = arith.subi %sign3A_308, %sign3A_311 : i32
        %ne3A = arith.cmpi ne, %sign3A_305, %sign3A_312 : i32
        %rem3A_313 = arith.remsi %add3A_299, %jit3A : i32
        %ne3A_314 = arith.constant 0 : i32
        %ne3A_315 = arith.cmpi ne, %rem3A_313, %ne3A_314 : i32
        %and3A_316 = arith.andi %ne3A, %ne3A_315 : i1
        %sub3A = arith.constant 1 : i32
        %sub3A_317 = arith.subi %div3A, %sub3A : i32
        %select_n3A = arith.select %and3A_316, %sub3A_317, %div3A : i32
        %rem3A_318 = arith.constant 2 : i32
        %rem3A_319 = arith.remsi %select_n3A, %rem3A_318 : i32
        %mul3A_320 = arith.constant 32 : i32
        %mul3A_321 = arith.muli %rem3A_319, %mul3A_320 : i32
        %mul3A_322 = arith.constant 25 : i32
        %mul3A_323 = arith.muli %select_n3A, %mul3A_322 : i32
        %sub3A_324 = arith.subi %add3A_299, %mul3A_323 : i32
        %add3A_325 = arith.addi %mul3A_321, %sub3A_324 : i32
        %rem3A_326 = arith.constant 3 : i32
        %rem3A_327 = arith.remsi %add3A_299, %rem3A_326 : i32
        %mul3A_328 = arith.constant 80 : i32
        %mul3A_329 = arith.muli %rem3A_327, %mul3A_328 : i32
        %dma_start3A_330 = arith.constant 0 : i32
        %dma_start3A_331 = tpu.memref_slice %arg8[%mul3A_329, %dma_start3A_330] : memref<240x128xf32, #tpu.memory_space<vmem>> -> memref<80x128xf32, #tpu.memory_space<vmem>>
        %dma_start3A_332 = arith.constant 0 : i32
        %dma_start3A_333 = tpu.memref_slice %arg6[%add3A_325, %dma_start3A_332] : memref<64x80xi32, #tpu.memory_space<vmem>> -> memref<1x80xi32, #tpu.memory_space<vmem>>
        %dma_start3A_334 = tpu.memref_squeeze %dma_start3A_333 : memref<1x80xi32, #tpu.memory_space<vmem>> -> memref<80xi32, #tpu.memory_space<vmem>>
        %dma_start3A_335 = arith.constant 0 : i32
        %dma_start3A_336 = arith.constant 0 : i32
        %dma_start3A_337 = tpu.memref_slice %arg2[%dma_start3A_335, %dma_start3A_336] : memref<10000x128xf32, #tpu.memory_space<hbm>> -> memref<10000x128xf32, #tpu.memory_space<hbm>>
        tpu.enqueue_indirect_dma source(%dma_start3A_337 : memref<10000x128xf32, #tpu.memory_space<hbm>>) target(%dma_start3A_331 : memref<80x128xf32, #tpu.memory_space<vmem>>) offsets(%dma_start3A_334 : memref<80xi32, #tpu.memory_space<vmem>>) semaphore(%arg10 : memref<!tpu.dma_semaphore, #tpu.memory_space<semaphore_mem>>)
      } else {
      }
    }
    %scan3A_191 = arith.constant 127 : i32
    %barrier3A_192 = arith.constant 0 : index
    tpu.barrier barrier_id(%barrier3A_192)
    %add3A_193 = arith.constant 0 : i32
    %add3A_194 = arith.addi %arg1, %add3A_193 : i32
    %lt3A_195 = arith.constant 50 : i32
    %lt3A_196 = arith.cmpi slt, %add3A_194, %lt3A_195 : i32
    %convert_element_type3A_197 = arith.extui %lt3A_196 : i1 to i32
    %cond3A_198 = arith.constant 0 : i32
    %cond3A_199 = arith.cmpi ne, %convert_element_type3A_197, %cond3A_198 : i32
    scf.if %cond3A_199 {
      %mul3A_249 = arith.constant 200 : i32
      %mul3A_250 = arith.muli %add3A_194, %mul3A_249 : i32
      %mul3A_251 = arith.constant 200 : i32
      %mul3A_252 = arith.muli %add3A_194, %mul3A_251 : i32
      %dma_start3A_253 = arith.constant 0 : i32
      %dma_start3A_254 = tpu.memref_slice %arg5[%arg0, %mul3A_252, %dma_start3A_253] : memref<2x10000x128xf32, #tpu.memory_space<hbm>> -> memref<1x200x128xf32, #tpu.memory_space<hbm>>
      %dma_start3A_255 = tpu.memref_squeeze %dma_start3A_254 : memref<1x200x128xf32, #tpu.memory_space<hbm>> -> memref<200x128xf32, #tpu.memory_space<hbm>>
      %dma_start3A_256 = arith.constant 0 : i32
      %dma_start3A_257 = tpu.memref_slice %arg9[%mul3A_250, %dma_start3A_256] : memref<10000x128xf32, #tpu.memory_space<vmem_shared>> -> memref<200x128xf32, #tpu.memory_space<vmem_shared>>
      tpu.enqueue_dma source(%dma_start3A_257 : memref<200x128xf32, #tpu.memory_space<vmem_shared>>) target(%dma_start3A_255 : memref<200x128xf32, #tpu.memory_space<hbm>>) target_semaphore(%arg12 : memref<!tpu.dma_semaphore, #tpu.memory_space<semaphore_mem>>)
    } else {
    }
    %add3A_200 = arith.constant 16 : i32
    %add3A_201 = arith.addi %arg1, %add3A_200 : i32
    %lt3A_202 = arith.constant 50 : i32
    %lt3A_203 = arith.cmpi slt, %add3A_201, %lt3A_202 : i32
    %convert_element_type3A_204 = arith.extui %lt3A_203 : i1 to i32
    %cond3A_205 = arith.constant 0 : i32
    %cond3A_206 = arith.cmpi ne, %convert_element_type3A_204, %cond3A_205 : i32
    scf.if %cond3A_206 {
      %mul3A_249 = arith.constant 200 : i32
      %mul3A_250 = arith.muli %add3A_201, %mul3A_249 : i32
      %mul3A_251 = arith.constant 200 : i32
      %mul3A_252 = arith.muli %add3A_201, %mul3A_251 : i32
      %dma_start3A_253 = arith.constant 0 : i32
      %dma_start3A_254 = tpu.memref_slice %arg5[%arg0, %mul3A_252, %dma_start3A_253] : memref<2x10000x128xf32, #tpu.memory_space<hbm>> -> memref<1x200x128xf32, #tpu.memory_space<hbm>>
      %dma_start3A_255 = tpu.memref_squeeze %dma_start3A_254 : memref<1x200x128xf32, #tpu.memory_space<hbm>> -> memref<200x128xf32, #tpu.memory_space<hbm>>
      %dma_start3A_256 = arith.constant 0 : i32
      %dma_start3A_257 = tpu.memref_slice %arg9[%mul3A_250, %dma_start3A_256] : memref<10000x128xf32, #tpu.memory_space<vmem_shared>> -> memref<200x128xf32, #tpu.memory_space<vmem_shared>>
      tpu.enqueue_dma source(%dma_start3A_257 : memref<200x128xf32, #tpu.memory_space<vmem_shared>>) target(%dma_start3A_255 : memref<200x128xf32, #tpu.memory_space<hbm>>) target_semaphore(%arg12 : memref<!tpu.dma_semaphore, #tpu.memory_space<semaphore_mem>>)
    } else {
    }
    %add3A_207 = arith.constant 32 : i32
    %add3A_208 = arith.addi %arg1, %add3A_207 : i32
    %lt3A_209 = arith.constant 50 : i32
    %lt3A_210 = arith.cmpi slt, %add3A_208, %lt3A_209 : i32
    %convert_element_type3A_211 = arith.extui %lt3A_210 : i1 to i32
    %cond3A_212 = arith.constant 0 : i32
    %cond3A_213 = arith.cmpi ne, %convert_element_type3A_211, %cond3A_212 : i32
    scf.if %cond3A_213 {
      %mul3A_249 = arith.constant 200 : i32
      %mul3A_250 = arith.muli %add3A_208, %mul3A_249 : i32
      %mul3A_251 = arith.constant 200 : i32
      %mul3A_252 = arith.muli %add3A_208, %mul3A_251 : i32
      %dma_start3A_253 = arith.constant 0 : i32
      %dma_start3A_254 = tpu.memref_slice %arg5[%arg0, %mul3A_252, %dma_start3A_253] : memref<2x10000x128xf32, #tpu.memory_space<hbm>> -> memref<1x200x128xf32, #tpu.memory_space<hbm>>
      %dma_start3A_255 = tpu.memref_squeeze %dma_start3A_254 : memref<1x200x128xf32, #tpu.memory_space<hbm>> -> memref<200x128xf32, #tpu.memory_space<hbm>>
      %dma_start3A_256 = arith.constant 0 : i32
      %dma_start3A_257 = tpu.memref_slice %arg9[%mul3A_250, %dma_start3A_256] : memref<10000x128xf32, #tpu.memory_space<vmem_shared>> -> memref<200x128xf32, #tpu.memory_space<vmem_shared>>
      tpu.enqueue_dma source(%dma_start3A_257 : memref<200x128xf32, #tpu.memory_space<vmem_shared>>) target(%dma_start3A_255 : memref<200x128xf32, #tpu.memory_space<hbm>>) target_semaphore(%arg12 : memref<!tpu.dma_semaphore, #tpu.memory_space<semaphore_mem>>)
    } else {
    }
    %add3A_214 = arith.constant 48 : i32
    %add3A_215 = arith.addi %arg1, %add3A_214 : i32
    %lt3A_216 = arith.constant 50 : i32
    %lt3A_217 = arith.cmpi slt, %add3A_215, %lt3A_216 : i32
    %convert_element_type3A_218 = arith.extui %lt3A_217 : i1 to i32
    %cond3A_219 = arith.constant 0 : i32
    %cond3A_220 = arith.cmpi ne, %convert_element_type3A_218, %cond3A_219 : i32
    scf.if %cond3A_220 {
      %mul3A_249 = arith.constant 200 : i32
      %mul3A_250 = arith.muli %add3A_215, %mul3A_249 : i32
      %mul3A_251 = arith.constant 200 : i32
      %mul3A_252 = arith.muli %add3A_215, %mul3A_251 : i32
      %dma_start3A_253 = arith.constant 0 : i32
      %dma_start3A_254 = tpu.memref_slice %arg5[%arg0, %mul3A_252, %dma_start3A_253] : memref<2x10000x128xf32, #tpu.memory_space<hbm>> -> memref<1x200x128xf32, #tpu.memory_space<hbm>>
      %dma_start3A_255 = tpu.memref_squeeze %dma_start3A_254 : memref<1x200x128xf32, #tpu.memory_space<hbm>> -> memref<200x128xf32, #tpu.memory_space<hbm>>
      %dma_start3A_256 = arith.constant 0 : i32
      %dma_start3A_257 = tpu.memref_slice %arg9[%mul3A_250, %dma_start3A_256] : memref<10000x128xf32, #tpu.memory_space<vmem_shared>> -> memref<200x128xf32, #tpu.memory_space<vmem_shared>>
      tpu.enqueue_dma source(%dma_start3A_257 : memref<200x128xf32, #tpu.memory_space<vmem_shared>>) target(%dma_start3A_255 : memref<200x128xf32, #tpu.memory_space<hbm>>) target_semaphore(%arg12 : memref<!tpu.dma_semaphore, #tpu.memory_space<semaphore_mem>>)
    } else {
    }
    %add3A_221 = arith.constant 0 : i32
    %add3A_222 = arith.addi %arg1, %add3A_221 : i32
    %lt3A_223 = arith.constant 50 : i32
    %lt3A_224 = arith.cmpi slt, %add3A_222, %lt3A_223 : i32
    %convert_element_type3A_225 = arith.extui %lt3A_224 : i1 to i32
    %cond3A_226 = arith.constant 0 : i32
    %cond3A_227 = arith.cmpi ne, %convert_element_type3A_225, %cond3A_226 : i32
    scf.if %cond3A_227 {
      %dma_wait3A_249 = arith.constant 0 : i32
      %dma_wait3A_250 = arith.constant 0 : i32
      %dma_wait3A_251 = tpu.memref_slice %arg5[%arg0, %dma_wait3A_249, %dma_wait3A_250] : memref<2x10000x128xf32, #tpu.memory_space<hbm>> -> memref<1x200x128xf32, #tpu.memory_space<hbm>>
      %dma_wait3A_252 = tpu.memref_squeeze %dma_wait3A_251 : memref<1x200x128xf32, #tpu.memory_space<hbm>> -> memref<200x128xf32, #tpu.memory_space<hbm>>
      %dma_wait3A_253 = arith.constant 0 : i32
      %dma_wait3A_254 = arith.constant 0 : i32
      %dma_wait3A_255 = tpu.memref_slice %arg9[%dma_wait3A_253, %dma_wait3A_254] : memref<10000x128xf32, #tpu.memory_space<vmem_shared>> -> memref<200x128xf32, #tpu.memory_space<vmem_shared>>
      tpu.wait_dma2 semaphore(%arg12 : memref<!tpu.dma_semaphore, #tpu.memory_space<semaphore_mem>>) src(%dma_wait3A_255 : memref<200x128xf32, #tpu.memory_space<vmem_shared>>) dst(%dma_wait3A_252 : memref<200x128xf32, #tpu.memory_space<hbm>>)
    } else {
    }
    %add3A_228 = arith.constant 16 : i32
    %add3A_229 = arith.addi %arg1, %add3A_228 : i32
    %lt3A_230 = arith.constant 50 : i32
    %lt3A_231 = arith.cmpi slt, %add3A_229, %lt3A_230 : i32
    %convert_element_type3A_232 = arith.extui %lt3A_231 : i1 to i32
    %cond3A_233 = arith.constant 0 : i32
    %cond3A_234 = arith.cmpi ne, %convert_element_type3A_232, %cond3A_233 : i32
    scf.if %cond3A_234 {
      %dma_wait3A_249 = arith.constant 0 : i32
      %dma_wait3A_250 = arith.constant 0 : i32
      %dma_wait3A_251 = tpu.memref_slice %arg5[%arg0, %dma_wait3A_249, %dma_wait3A_250] : memref<2x10000x128xf32, #tpu.memory_space<hbm>> -> memref<1x200x128xf32, #tpu.memory_space<hbm>>
      %dma_wait3A_252 = tpu.memref_squeeze %dma_wait3A_251 : memref<1x200x128xf32, #tpu.memory_space<hbm>> -> memref<200x128xf32, #tpu.memory_space<hbm>>
      %dma_wait3A_253 = arith.constant 0 : i32
      %dma_wait3A_254 = arith.constant 0 : i32
      %dma_wait3A_255 = tpu.memref_slice %arg9[%dma_wait3A_253, %dma_wait3A_254] : memref<10000x128xf32, #tpu.memory_space<vmem_shared>> -> memref<200x128xf32, #tpu.memory_space<vmem_shared>>
      tpu.wait_dma2 semaphore(%arg12 : memref<!tpu.dma_semaphore, #tpu.memory_space<semaphore_mem>>) src(%dma_wait3A_255 : memref<200x128xf32, #tpu.memory_space<vmem_shared>>) dst(%dma_wait3A_252 : memref<200x128xf32, #tpu.memory_space<hbm>>)
    } else {
    }
    %add3A_235 = arith.constant 32 : i32
    %add3A_236 = arith.addi %arg1, %add3A_235 : i32
    %lt3A_237 = arith.constant 50 : i32
    %lt3A_238 = arith.cmpi slt, %add3A_236, %lt3A_237 : i32
    %convert_element_type3A_239 = arith.extui %lt3A_238 : i1 to i32
    %cond3A_240 = arith.constant 0 : i32
    %cond3A_241 = arith.cmpi ne, %convert_element_type3A_239, %cond3A_240 : i32
    scf.if %cond3A_241 {
      %dma_wait3A_249 = arith.constant 0 : i32
      %dma_wait3A_250 = arith.constant 0 : i32
      %dma_wait3A_251 = tpu.memref_slice %arg5[%arg0, %dma_wait3A_249, %dma_wait3A_250] : memref<2x10000x128xf32, #tpu.memory_space<hbm>> -> memref<1x200x128xf32, #tpu.memory_space<hbm>>
      %dma_wait3A_252 = tpu.memref_squeeze %dma_wait3A_251 : memref<1x200x128xf32, #tpu.memory_space<hbm>> -> memref<200x128xf32, #tpu.memory_space<hbm>>
      %dma_wait3A_253 = arith.constant 0 : i32
      %dma_wait3A_254 = arith.constant 0 : i32
      %dma_wait3A_255 = tpu.memref_slice %arg9[%dma_wait3A_253, %dma_wait3A_254] : memref<10000x128xf32, #tpu.memory_space<vmem_shared>> -> memref<200x128xf32, #tpu.memory_space<vmem_shared>>
      tpu.wait_dma2 semaphore(%arg12 : memref<!tpu.dma_semaphore, #tpu.memory_space<semaphore_mem>>) src(%dma_wait3A_255 : memref<200x128xf32, #tpu.memory_space<vmem_shared>>) dst(%dma_wait3A_252 : memref<200x128xf32, #tpu.memory_space<hbm>>)
    } else {
    }
    %add3A_242 = arith.constant 48 : i32
    %add3A_243 = arith.addi %arg1, %add3A_242 : i32
    %lt3A_244 = arith.constant 50 : i32
    %lt3A_245 = arith.cmpi slt, %add3A_243, %lt3A_244 : i32
    %convert_element_type3A_246 = arith.extui %lt3A_245 : i1 to i32
    %cond3A_247 = arith.constant 0 : i32
    %cond3A_248 = arith.cmpi ne, %convert_element_type3A_246, %cond3A_247 : i32
    scf.if %cond3A_248 {
      %dma_wait3A_249 = arith.constant 0 : i32
      %dma_wait3A_250 = arith.constant 0 : i32
      %dma_wait3A_251 = tpu.memref_slice %arg5[%arg0, %dma_wait3A_249, %dma_wait3A_250] : memref<2x10000x128xf32, #tpu.memory_space<hbm>> -> memref<1x200x128xf32, #tpu.memory_space<hbm>>
      %dma_wait3A_252 = tpu.memref_squeeze %dma_wait3A_251 : memref<1x200x128xf32, #tpu.memory_space<hbm>> -> memref<200x128xf32, #tpu.memory_space<hbm>>
      %dma_wait3A_253 = arith.constant 0 : i32
      %dma_wait3A_254 = arith.constant 0 : i32
      %dma_wait3A_255 = tpu.memref_slice %arg9[%dma_wait3A_253, %dma_wait3A_254] : memref<10000x128xf32, #tpu.memory_space<vmem_shared>> -> memref<200x128xf32, #tpu.memory_space<vmem_shared>>
      tpu.wait_dma2 semaphore(%arg12 : memref<!tpu.dma_semaphore, #tpu.memory_space<semaphore_mem>>) src(%dma_wait3A_255 : memref<200x128xf32, #tpu.memory_space<vmem_shared>>) dst(%dma_wait3A_252 : memref<200x128xf32, #tpu.memory_space<hbm>>)
    } else {
    }
    return
  }
}

module attributes {stable_mosaic.version = 14 : i64} {
  func.func @body(%arg0: i32, %arg1: memref<2000x128xf32, #tpu.memory_space<vmem>>, %arg2: memref<2000x1xf32, #tpu.memory_space<vmem>>, %arg3: memref<128x128xf32, #tpu.memory_space<vmem>>, %arg4: memref<128x128xf32, #tpu.memory_space<vmem>>, %arg5: memref<128x128xf32, #tpu.memory_space<vmem>>, %arg6: memref<128x128xf32, #tpu.memory_space<vmem>>, %arg7: memref<2000x128xf32, #tpu.memory_space<vmem>>, %arg8: memref<2000x128xf32, #tpu.memory_space<vmem>>) attributes {dimension_semantics = [#tpu.dimension_semantics<parallel>], iteration_bounds = array<i64: 5>, scalar_prefetch = 0 : i64, scratch_operands = 0 : i64, tpu.core_type = #tpu.core_type<tc>, window_params = [{transform_indices = @transform_0, window_bounds = array<i64: 2000, 128>}, {transform_indices = @transform_1, window_bounds = array<i64: 2000, 1>}, {pipeline_mode = #tpu.pipeline_mode<synchronous>, transform_indices = @transform_2, window_bounds = array<i64: 128, 128>}, {pipeline_mode = #tpu.pipeline_mode<synchronous>, transform_indices = @transform_3, window_bounds = array<i64: 128, 128>}, {pipeline_mode = #tpu.pipeline_mode<synchronous>, transform_indices = @transform_4, window_bounds = array<i64: 128, 128>}, {pipeline_mode = #tpu.pipeline_mode<synchronous>, transform_indices = @transform_5, window_bounds = array<i64: 128, 128>}, {transform_indices = @transform_6, window_bounds = array<i64: 2000, 128>}, {transform_indices = @transform_7, window_bounds = array<i64: 2000, 128>}]} {
    %get3A = arith.constant 0 : index
    %get3A_0 = arith.constant 0 : index
    %get3A_1 = vector.load %arg3[%get3A, %get3A_0] : memref<128x128xf32, #tpu.memory_space<vmem>>, vector<128x128xf32>
    %get3A_2 = arith.constant 0 : index
    %get3A_3 = arith.constant 0 : index
    %get3A_4 = vector.load %arg4[%get3A_2, %get3A_3] : memref<128x128xf32, #tpu.memory_space<vmem>>, vector<128x128xf32>
    %dot_general3A = arith.constant dense<0.000000e+00> : vector<128x128xf32>
    %dot_general3A_5 = tpu.matmul %get3A_1, %get3A_4, %dot_general3A {dimension_numbers = #tpu.dot_dimension_numbers<[1], [0], [0], [1], [0, 0, 1, 1], [], []>, transpose_lhs_hint = false} : vector<128x128xf32>, vector<128x128xf32>, vector<128x128xf32> -> vector<128x128xf32>
    %get3A_6 = arith.constant 0 : index
    %get3A_7 = arith.constant 0 : index
    %get3A_8 = vector.load %arg5[%get3A_6, %get3A_7] : memref<128x128xf32, #tpu.memory_space<vmem>>, vector<128x128xf32>
    %get3A_9 = arith.constant 0 : index
    %get3A_10 = arith.constant 0 : index
    %get3A_11 = vector.load %arg6[%get3A_9, %get3A_10] : memref<128x128xf32, #tpu.memory_space<vmem>>, vector<128x128xf32>
    %dot_general3A_12 = arith.constant dense<0.000000e+00> : vector<128x128xf32>
    %dot_general3A_13 = tpu.matmul %get3A_8, %get3A_11, %dot_general3A_12 {dimension_numbers = #tpu.dot_dimension_numbers<[1], [0], [0], [1], [0, 0, 1, 1], [], []>, transpose_lhs_hint = false} : vector<128x128xf32>, vector<128x128xf32>, vector<128x128xf32> -> vector<128x128xf32>
    %get3A_14 = arith.constant 0 : index
    %get3A_15 = arith.constant 0 : index
    %get3A_16 = vector.load %arg1[%get3A_14, %get3A_15] : memref<2000x128xf32, #tpu.memory_space<vmem>>, vector<2000x128xf32>
    %dot_general3A_17 = arith.constant dense<0.000000e+00> : vector<2000x128xf32>
    %dot_general3A_18 = tpu.matmul %get3A_16, %dot_general3A_5, %dot_general3A_17 {dimension_numbers = #tpu.dot_dimension_numbers<[1], [0], [0], [1], [0, 0, 1, 1], [], []>, transpose_lhs_hint = false} : vector<2000x128xf32>, vector<128x128xf32>, vector<2000x128xf32> -> vector<2000x128xf32>
    %get3A_19 = arith.constant 0 : index
    %get3A_20 = arith.constant 0 : index
    %get3A_21 = vector.load %arg2[%get3A_19, %get3A_20] : memref<2000x1xf32, #tpu.memory_space<vmem>>, vector<2000x1xf32>
    %mul3A = vector.broadcast %get3A_21 : vector<2000x1xf32> to vector<2000x128xf32>
    %mul3A_22 = arith.mulf %dot_general3A_18, %mul3A : vector<2000x128xf32>
    %swap3A = arith.constant 0 : index
    %swap3A_23 = arith.constant 0 : index
    %swap3A_24 = vector.load %arg7[%swap3A, %swap3A_23] : memref<2000x128xf32, #tpu.memory_space<vmem>>, vector<2000x128xf32>
    tpu.vector_store %arg7[%swap3A, %swap3A_23], %mul3A_22 {strides = array<i32>} : memref<2000x128xf32, #tpu.memory_space<vmem>>, vector<2000x128xf32>,
    %dot_general3A_25 = arith.constant dense<0.000000e+00> : vector<2000x128xf32>
    %dot_general3A_26 = tpu.matmul %get3A_16, %dot_general3A_13, %dot_general3A_25 {dimension_numbers = #tpu.dot_dimension_numbers<[1], [0], [0], [1], [0, 0, 1, 1], [], []>, transpose_lhs_hint = false} : vector<2000x128xf32>, vector<128x128xf32>, vector<2000x128xf32> -> vector<2000x128xf32>
    %swap3A_27 = arith.constant 0 : index
    %swap3A_28 = arith.constant 0 : index
    %swap3A_29 = vector.load %arg8[%swap3A_27, %swap3A_28] : memref<2000x128xf32, #tpu.memory_space<vmem>>, vector<2000x128xf32>
    tpu.vector_store %arg8[%swap3A_27, %swap3A_28], %dot_general3A_26 {strides = array<i32>} : memref<2000x128xf32, #tpu.memory_space<vmem>>, vector<2000x128xf32>,
    return
  }
  func.func @transform_0(%arg0: i32) -> (i32, i32) {
    %c0_i32 = arith.constant 0 : i32
    %c0_i32_0 = arith.constant 0 : i32
    return %arg0, %c0_i32 : i32, i32
  }
  func.func @transform_1(%arg0: i32) -> (i32, i32) {
    %c0_i32 = arith.constant 0 : i32
    %c0_i32_0 = arith.constant 0 : i32
    return %arg0, %c0_i32 : i32, i32
  }
  func.func @transform_2(%arg0: i32) -> (i32, i32) {
    %c0_i32 = arith.constant 0 : i32
    %c0_i32_0 = arith.constant 0 : i32
    %c0_i32_1 = arith.constant 0 : i32
    return %c0_i32, %c0_i32_0 : i32, i32
  }
  func.func @transform_3(%arg0: i32) -> (i32, i32) {
    %c0_i32 = arith.constant 0 : i32
    %c0_i32_0 = arith.constant 0 : i32
    %c0_i32_1 = arith.constant 0 : i32
    return %c0_i32, %c0_i32_0 : i32, i32
  }
  func.func @transform_4(%arg0: i32) -> (i32, i32) {
    %c0_i32 = arith.constant 0 : i32
    %c0_i32_0 = arith.constant 0 : i32
    %c0_i32_1 = arith.constant 0 : i32
    return %c0_i32, %c0_i32_0 : i32, i32
  }
  func.func @transform_5(%arg0: i32) -> (i32, i32) {
    %c0_i32 = arith.constant 0 : i32
    %c0_i32_0 = arith.constant 0 : i32
    %c0_i32_1 = arith.constant 0 : i32
    return %c0_i32, %c0_i32_0 : i32, i32
  }
  func.func @transform_6(%arg0: i32) -> (i32, i32) {
    %c0_i32 = arith.constant 0 : i32
    %c0_i32_0 = arith.constant 0 : i32
    return %arg0, %c0_i32 : i32, i32
  }
  func.func @transform_7(%arg0: i32) -> (i32, i32) {
    %c0_i32 = arith.constant 0 : i32
    %c0_i32_0 = arith.constant 0 : i32
    return %arg0, %c0_i32 : i32, i32
  }
}

module attributes {stable_mosaic.version = 14 : i64} {
  func.func @body(%arg0: i32, %arg1: memref<400x10000xf32, #tpu.memory_space<vmem>>, %arg2: memref<10000x128xf32, #tpu.memory_space<vmem>>, %arg3: memref<128x128xf32, #tpu.memory_space<vmem>>, %arg4: memref<128x128xf32, #tpu.memory_space<vmem>>, %arg5: memref<1x128xf32, #tpu.memory_space<vmem>>, %arg6: memref<400x128xf32, #tpu.memory_space<vmem>>) attributes {dimension_semantics = [#tpu.dimension_semantics<arbitrary>], iteration_bounds = array<i64: 25>, scalar_prefetch = 0 : i64, scratch_operands = 0 : i64, tpu.core_type = #tpu.core_type<tc>, window_params = [{transform_indices = @transform_0, window_bounds = array<i64: 400, 10000>}, {pipeline_mode = #tpu.pipeline_mode<synchronous>, transform_indices = @transform_1, window_bounds = array<i64: 10000, 128>}, {pipeline_mode = #tpu.pipeline_mode<synchronous>, transform_indices = @transform_2, window_bounds = array<i64: 128, 128>}, {pipeline_mode = #tpu.pipeline_mode<synchronous>, transform_indices = @transform_3, window_bounds = array<i64: 128, 128>}, {pipeline_mode = #tpu.pipeline_mode<synchronous>, transform_indices = @transform_4, window_bounds = array<i64: 1, 128>}, {transform_indices = @transform_5, window_bounds = array<i64: 400, 128>}]} {
    %get3A = arith.constant 0 : index
    %get3A_0 = arith.constant 0 : index
    %get3A_1 = vector.load %arg3[%get3A, %get3A_0] : memref<128x128xf32, #tpu.memory_space<vmem>>, vector<128x128xf32>
    %get3A_2 = arith.constant 0 : index
    %get3A_3 = arith.constant 0 : index
    %get3A_4 = vector.load %arg4[%get3A_2, %get3A_3] : memref<128x128xf32, #tpu.memory_space<vmem>>, vector<128x128xf32>
    %dot_general3A = arith.constant dense<0.000000e+00> : vector<128x128xf32>
    %dot_general3A_5 = tpu.matmul %get3A_1, %get3A_4, %dot_general3A {dimension_numbers = #tpu.dot_dimension_numbers<[1], [0], [0], [1], [0, 0, 1, 1], [], []>, transpose_lhs_hint = false} : vector<128x128xf32>, vector<128x128xf32>, vector<128x128xf32> -> vector<128x128xf32>
    %get3A_6 = arith.constant 0 : index
    %get3A_7 = arith.constant 0 : index
    %get3A_8 = vector.load %arg1[%get3A_6, %get3A_7] : memref<400x10000xf32, #tpu.memory_space<vmem>>, vector<400x10000xf32>
    %get3A_9 = arith.constant 0 : index
    %get3A_10 = arith.constant 0 : index
    %get3A_11 = vector.load %arg2[%get3A_9, %get3A_10] : memref<10000x128xf32, #tpu.memory_space<vmem>>, vector<10000x128xf32>
    %dot_general3A_12 = arith.constant dense<0.000000e+00> : vector<400x128xf32>
    %dot_general3A_13 = tpu.matmul %get3A_8, %get3A_11, %dot_general3A_12 {dimension_numbers = #tpu.dot_dimension_numbers<[1], [0], [0], [1], [0, 0, 1, 1], [], []>, transpose_lhs_hint = false} : vector<400x10000xf32>, vector<10000x128xf32>, vector<400x128xf32> -> vector<400x128xf32>
    %get3A_14 = arith.constant 0 : index
    %get3A_15 = arith.constant 0 : index
    %get3A_16 = vector.load %arg5[%get3A_14, %get3A_15] : memref<1x128xf32, #tpu.memory_space<vmem>>, vector<1x128xf32>
    %add3A = vector.broadcast %get3A_16 : vector<1x128xf32> to vector<400x128xf32>
    %add3A_17 = arith.addf %dot_general3A_13, %add3A : vector<400x128xf32>
    %dot_general3A_18 = arith.constant dense<0.000000e+00> : vector<400x128xf32>
    %dot_general3A_19 = tpu.matmul %add3A_17, %dot_general3A_5, %dot_general3A_18 {dimension_numbers = #tpu.dot_dimension_numbers<[1], [0], [0], [1], [0, 0, 1, 1], [], []>, transpose_lhs_hint = false} : vector<400x128xf32>, vector<128x128xf32>, vector<400x128xf32> -> vector<400x128xf32>
    %swap3A = arith.constant 0 : index
    %swap3A_20 = arith.constant 0 : index
    %swap3A_21 = vector.load %arg6[%swap3A, %swap3A_20] : memref<400x128xf32, #tpu.memory_space<vmem>>, vector<400x128xf32>
    tpu.vector_store %arg6[%swap3A, %swap3A_20], %dot_general3A_19 {strides = array<i32>} : memref<400x128xf32, #tpu.memory_space<vmem>>, vector<400x128xf32>,
    return
  }
  func.func @transform_0(%arg0: i32) -> (i32, i32) {
    %c0_i32 = arith.constant 0 : i32
    %c0_i32_0 = arith.constant 0 : i32
    return %arg0, %c0_i32 : i32, i32
  }
  func.func @transform_1(%arg0: i32) -> (i32, i32) {
    %c0_i32 = arith.constant 0 : i32
    %c0_i32_0 = arith.constant 0 : i32
    %c0_i32_1 = arith.constant 0 : i32
    return %c0_i32, %c0_i32_0 : i32, i32
  }
  func.func @transform_2(%arg0: i32) -> (i32, i32) {
    %c0_i32 = arith.constant 0 : i32
    %c0_i32_0 = arith.constant 0 : i32
    %c0_i32_1 = arith.constant 0 : i32
    return %c0_i32, %c0_i32_0 : i32, i32
  }
  func.func @transform_3(%arg0: i32) -> (i32, i32) {
    %c0_i32 = arith.constant 0 : i32
    %c0_i32_0 = arith.constant 0 : i32
    %c0_i32_1 = arith.constant 0 : i32
    return %c0_i32, %c0_i32_0 : i32, i32
  }
  func.func @transform_4(%arg0: i32) -> (i32, i32) {
    %c0_i32 = arith.constant 0 : i32
    %c0_i32_0 = arith.constant 0 : i32
    %c0_i32_1 = arith.constant 0 : i32
    return %c0_i32, %c0_i32_0 : i32, i32
  }
  func.func @transform_5(%arg0: i32) -> (i32, i32) {
    %c0_i32 = arith.constant 0 : i32
    %c0_i32_0 = arith.constant 0 : i32
    return %arg0, %c0_i32 : i32, i32
  }
}

module attributes {stable_mosaic.version = 14 : i64} {
  func.func @body(%arg0: i32, %arg1: memref<2x2000x128xf32, #tpu.memory_space<vmem>>, %arg2: memref<2000x1xf32, #tpu.memory_space<vmem>>, %arg3: memref<1x128xf32, #tpu.memory_space<vmem>>, %arg4: memref<128x128xf32, #tpu.memory_space<vmem>>, %arg5: memref<128x128xf32, #tpu.memory_space<vmem>>, %arg6: memref<8x128xf32, #tpu.memory_space<vmem>>, %arg7: memref<2000x128xf32, #tpu.memory_space<vmem>>) attributes {dimension_semantics = [#tpu.dimension_semantics<parallel>], iteration_bounds = array<i64: 5>, scalar_prefetch = 0 : i64, scratch_operands = 0 : i64, tpu.core_type = #tpu.core_type<tc>, window_params = [{transform_indices = @transform_0, window_bounds = array<i64: 2, 2000, 128>}, {transform_indices = @transform_1, window_bounds = array<i64: 2000, 1>}, {pipeline_mode = #tpu.pipeline_mode<synchronous>, transform_indices = @transform_2, window_bounds = array<i64: 1, 128>}, {pipeline_mode = #tpu.pipeline_mode<synchronous>, transform_indices = @transform_3, window_bounds = array<i64: 128, 128>}, {pipeline_mode = #tpu.pipeline_mode<synchronous>, transform_indices = @transform_4, window_bounds = array<i64: 128, 128>}, {transform_indices = @transform_5, window_bounds = array<i64: 8, 128>}, {transform_indices = @transform_6, window_bounds = array<i64: 2000, 128>}]} {
    %get3A = arith.constant 0 : index
    %get3A_0 = arith.constant 0 : index
    %get3A_1 = vector.load %arg4[%get3A, %get3A_0] : memref<128x128xf32, #tpu.memory_space<vmem>>, vector<128x128xf32>
    %get3A_2 = arith.constant 0 : index
    %get3A_3 = arith.constant 0 : index
    %get3A_4 = vector.load %arg5[%get3A_2, %get3A_3] : memref<128x128xf32, #tpu.memory_space<vmem>>, vector<128x128xf32>
    %dot_general3A = arith.constant dense<0.000000e+00> : vector<128x128xf32>
    %dot_general3A_5 = tpu.matmul %get3A_1, %get3A_4, %dot_general3A {dimension_numbers = #tpu.dot_dimension_numbers<[1], [0], [0], [1], [0, 0, 1, 1], [], []>, transpose_lhs_hint = false} : vector<128x128xf32>, vector<128x128xf32>, vector<128x128xf32> -> vector<128x128xf32>
    %get3A_6 = arith.constant 0 : index
    %get3A_7 = arith.constant 0 : index
    %get3A_8 = vector.load %arg2[%get3A_6, %get3A_7] : memref<2000x1xf32, #tpu.memory_space<vmem>>, vector<2000x1xf32>
    %get3A_9 = arith.constant 0 : index
    %get3A_10 = arith.constant 0 : index
    %get3A_11 = arith.constant 0 : index
    %get3A_12 = vector.load %arg1[%get3A_9, %get3A_10, %get3A_11] : memref<2x2000x128xf32, #tpu.memory_space<vmem>>, vector<1x2000x128xf32>
    %get3A_13 = vector.shape_cast %get3A_12 : vector<1x2000x128xf32> to vector<2000x128xf32>
    %get3A_14 = arith.constant 1 : index
    %get3A_15 = arith.constant 0 : index
    %get3A_16 = arith.constant 0 : index
    %get3A_17 = vector.load %arg1[%get3A_14, %get3A_15, %get3A_16] : memref<2x2000x128xf32, #tpu.memory_space<vmem>>, vector<1x2000x128xf32>
    %get3A_18 = vector.shape_cast %get3A_17 : vector<1x2000x128xf32> to vector<2000x128xf32>
    %add3A = arith.addf %get3A_13, %get3A_18 : vector<2000x128xf32>
    %mul3A = vector.broadcast %get3A_8 : vector<2000x1xf32> to vector<2000x128xf32>
    %mul3A_19 = arith.mulf %add3A, %mul3A : vector<2000x128xf32>
    %get3A_20 = arith.constant 0 : index
    %get3A_21 = arith.constant 0 : index
    %get3A_22 = vector.load %arg3[%get3A_20, %get3A_21] : memref<1x128xf32, #tpu.memory_space<vmem>>, vector<1x128xf32>
    %add3A_23 = vector.broadcast %get3A_22 : vector<1x128xf32> to vector<2000x128xf32>
    %add3A_24 = arith.addf %mul3A_19, %add3A_23 : vector<2000x128xf32>
    %dot_general3A_25 = arith.constant dense<0.000000e+00> : vector<2000x128xf32>
    %dot_general3A_26 = tpu.matmul %add3A_24, %dot_general3A_5, %dot_general3A_25 {dimension_numbers = #tpu.dot_dimension_numbers<[1], [0], [0], [1], [0, 0, 1, 1], [], []>, transpose_lhs_hint = false} : vector<2000x128xf32>, vector<128x128xf32>, vector<2000x128xf32> -> vector<2000x128xf32>
    %mul3A_27 = vector.broadcast %get3A_8 : vector<2000x1xf32> to vector<2000x128xf32>
    %mul3A_28 = arith.mulf %dot_general3A_26, %mul3A_27 : vector<2000x128xf32>
    %swap3A = arith.constant 0 : index
    %swap3A_29 = arith.constant 0 : index
    %swap3A_30 = vector.load %arg7[%swap3A, %swap3A_29] : memref<2000x128xf32, #tpu.memory_space<vmem>>, vector<2000x128xf32>
    tpu.vector_store %arg7[%swap3A, %swap3A_29], %mul3A_28 {strides = array<i32>} : memref<2000x128xf32, #tpu.memory_space<vmem>>, vector<2000x128xf32>,
    return
  }
  func.func @transform_0(%arg0: i32) -> (i32, i32, i32) {
    %c0_i32 = arith.constant 0 : i32
    %c0_i32_0 = arith.constant 0 : i32
    %c0_i32_1 = arith.constant 0 : i32
    return %c0_i32, %arg0, %c0_i32_0 : i32, i32, i32
  }
  func.func @transform_1(%arg0: i32) -> (i32, i32) {
    %c0_i32 = arith.constant 0 : i32
    %c0_i32_0 = arith.constant 0 : i32
    return %arg0, %c0_i32 : i32, i32
  }
  func.func @transform_2(%arg0: i32) -> (i32, i32) {
    %c0_i32 = arith.constant 0 : i32
    %c0_i32_0 = arith.constant 0 : i32
    %c0_i32_1 = arith.constant 0 : i32
    return %c0_i32, %c0_i32_0 : i32, i32
  }
  func.func @transform_3(%arg0: i32) -> (i32, i32) {
    %c0_i32 = arith.constant 0 : i32
    %c0_i32_0 = arith.constant 0 : i32
    %c0_i32_1 = arith.constant 0 : i32
    return %c0_i32, %c0_i32_0 : i32, i32
  }
  func.func @transform_4(%arg0: i32) -> (i32, i32) {
    %c0_i32 = arith.constant 0 : i32
    %c0_i32_0 = arith.constant 0 : i32
    %c0_i32_1 = arith.constant 0 : i32
    return %c0_i32, %c0_i32_0 : i32, i32
  }
  func.func @transform_5(%arg0: i32) -> (i32, i32) {
    %c0_i32 = arith.constant 0 : i32
    %c0_i32_0 = arith.constant 0 : i32
    %c0_i32_1 = arith.constant 0 : i32
    return %c0_i32, %c0_i32_0 : i32, i32
  }
  func.func @transform_6(%arg0: i32) -> (i32, i32) {
    %c0_i32 = arith.constant 0 : i32
    %c0_i32_0 = arith.constant 0 : i32
    return %arg0, %c0_i32 : i32, i32
  }
}

module attributes {stable_mosaic.version = 14 : i64} {
  func.func @body(%arg0: i32, %arg1: memref<400x10000xf32, #tpu.memory_space<vmem>>, %arg2: memref<10000x128xf32, #tpu.memory_space<vmem>>, %arg3: memref<1x128xf32, #tpu.memory_space<vmem>>, %arg4: memref<400x128xf32, #tpu.memory_space<vmem>>) attributes {dimension_semantics = [#tpu.dimension_semantics<arbitrary>], iteration_bounds = array<i64: 25>, scalar_prefetch = 0 : i64, scratch_operands = 0 : i64, tpu.core_type = #tpu.core_type<tc>, window_params = [{transform_indices = @transform_0, window_bounds = array<i64: 400, 10000>}, {pipeline_mode = #tpu.pipeline_mode<synchronous>, transform_indices = @transform_1, window_bounds = array<i64: 10000, 128>}, {pipeline_mode = #tpu.pipeline_mode<synchronous>, transform_indices = @transform_2, window_bounds = array<i64: 1, 128>}, {transform_indices = @transform_3, window_bounds = array<i64: 400, 128>}]} {
    %get3A = arith.constant 0 : index
    %get3A_0 = arith.constant 0 : index
    %get3A_1 = vector.load %arg1[%get3A, %get3A_0] : memref<400x10000xf32, #tpu.memory_space<vmem>>, vector<400x10000xf32>
    %get3A_2 = arith.constant 0 : index
    %get3A_3 = arith.constant 0 : index
    %get3A_4 = vector.load %arg2[%get3A_2, %get3A_3] : memref<10000x128xf32, #tpu.memory_space<vmem>>, vector<10000x128xf32>
    %dot_general3A = arith.constant dense<0.000000e+00> : vector<400x128xf32>
    %dot_general3A_5 = tpu.matmul %get3A_1, %get3A_4, %dot_general3A {dimension_numbers = #tpu.dot_dimension_numbers<[1], [0], [0], [1], [0, 0, 1, 1], [], []>, transpose_lhs_hint = false} : vector<400x10000xf32>, vector<10000x128xf32>, vector<400x128xf32> -> vector<400x128xf32>
    %get3A_6 = arith.constant 0 : index
    %get3A_7 = arith.constant 0 : index
    %get3A_8 = vector.load %arg3[%get3A_6, %get3A_7] : memref<1x128xf32, #tpu.memory_space<vmem>>, vector<1x128xf32>
    %add3A = vector.broadcast %get3A_8 : vector<1x128xf32> to vector<400x128xf32>
    %add3A_9 = arith.addf %dot_general3A_5, %add3A : vector<400x128xf32>
    %swap3A = arith.constant 0 : index
    %swap3A_10 = arith.constant 0 : index
    %swap3A_11 = vector.load %arg4[%swap3A, %swap3A_10] : memref<400x128xf32, #tpu.memory_space<vmem>>, vector<400x128xf32>
    tpu.vector_store %arg4[%swap3A, %swap3A_10], %add3A_9 {strides = array<i32>} : memref<400x128xf32, #tpu.memory_space<vmem>>, vector<400x128xf32>,
    return
  }
  func.func @transform_0(%arg0: i32) -> (i32, i32) {
    %c0_i32 = arith.constant 0 : i32
    %c0_i32_0 = arith.constant 0 : i32
    return %arg0, %c0_i32 : i32, i32
  }
  func.func @transform_1(%arg0: i32) -> (i32, i32) {
    %c0_i32 = arith.constant 0 : i32
    %c0_i32_0 = arith.constant 0 : i32
    %c0_i32_1 = arith.constant 0 : i32
    return %c0_i32, %c0_i32_0 : i32, i32
  }
  func.func @transform_2(%arg0: i32) -> (i32, i32) {
    %c0_i32 = arith.constant 0 : i32
    %c0_i32_0 = arith.constant 0 : i32
    %c0_i32_1 = arith.constant 0 : i32
    return %c0_i32, %c0_i32_0 : i32, i32
  }
  func.func @transform_3(%arg0: i32) -> (i32, i32) {
    %c0_i32 = arith.constant 0 : i32
    %c0_i32_0 = arith.constant 0 : i32
    return %arg0, %c0_i32 : i32, i32
  }
}

module attributes {stable_mosaic.version = 14 : i64} {
  func.func @body(%arg0: i32, %arg1: memref<2x2000x128xf32, #tpu.memory_space<vmem>>, %arg2: memref<2000x1xf32, #tpu.memory_space<vmem>>, %arg3: memref<1x128xf32, #tpu.memory_space<vmem>>, %arg4: memref<2000x128xf32, #tpu.memory_space<vmem>>, %arg5: memref<128x2xf32, #tpu.memory_space<vmem>>, %arg6: memref<128x2xf32, #tpu.memory_space<vmem>>, %arg7: memref<128x16xf32, #tpu.memory_space<vmem>>, %arg8: memref<1x16xf32, #tpu.memory_space<vmem>>, %arg9: memref<2000x16xf32, #tpu.memory_space<vmem>>) attributes {dimension_semantics = [#tpu.dimension_semantics<parallel>], iteration_bounds = array<i64: 5>, scalar_prefetch = 0 : i64, scratch_operands = 0 : i64, tpu.core_type = #tpu.core_type<tc>, window_params = [{transform_indices = @transform_0, window_bounds = array<i64: 2, 2000, 128>}, {transform_indices = @transform_1, window_bounds = array<i64: 2000, 1>}, {pipeline_mode = #tpu.pipeline_mode<synchronous>, transform_indices = @transform_2, window_bounds = array<i64: 1, 128>}, {transform_indices = @transform_3, window_bounds = array<i64: 2000, 128>}, {pipeline_mode = #tpu.pipeline_mode<synchronous>, transform_indices = @transform_4, window_bounds = array<i64: 128, 2>}, {pipeline_mode = #tpu.pipeline_mode<synchronous>, transform_indices = @transform_5, window_bounds = array<i64: 128, 2>}, {pipeline_mode = #tpu.pipeline_mode<synchronous>, transform_indices = @transform_6, window_bounds = array<i64: 128, 16>}, {pipeline_mode = #tpu.pipeline_mode<synchronous>, transform_indices = @transform_7, window_bounds = array<i64: 1, 16>}, {transform_indices = @transform_8, window_bounds = array<i64: 2000, 16>}]} {
    %get3A = arith.constant 0 : index
    %get3A_0 = arith.constant 0 : index
    %get3A_1 = arith.constant 0 : index
    %get3A_2 = vector.load %arg1[%get3A, %get3A_0, %get3A_1] : memref<2x2000x128xf32, #tpu.memory_space<vmem>>, vector<1x2000x128xf32>
    %get3A_3 = vector.shape_cast %get3A_2 : vector<1x2000x128xf32> to vector<2000x128xf32>
    %get3A_4 = arith.constant 1 : index
    %get3A_5 = arith.constant 0 : index
    %get3A_6 = arith.constant 0 : index
    %get3A_7 = vector.load %arg1[%get3A_4, %get3A_5, %get3A_6] : memref<2x2000x128xf32, #tpu.memory_space<vmem>>, vector<1x2000x128xf32>
    %get3A_8 = vector.shape_cast %get3A_7 : vector<1x2000x128xf32> to vector<2000x128xf32>
    %add3A = arith.addf %get3A_3, %get3A_8 : vector<2000x128xf32>
    %get3A_9 = arith.constant 0 : index
    %get3A_10 = arith.constant 0 : index
    %get3A_11 = vector.load %arg2[%get3A_9, %get3A_10] : memref<2000x1xf32, #tpu.memory_space<vmem>>, vector<2000x1xf32>
    %mul3A = vector.broadcast %get3A_11 : vector<2000x1xf32> to vector<2000x128xf32>
    %mul3A_12 = arith.mulf %add3A, %mul3A : vector<2000x128xf32>
    %get3A_13 = arith.constant 0 : index
    %get3A_14 = arith.constant 0 : index
    %get3A_15 = vector.load %arg3[%get3A_13, %get3A_14] : memref<1x128xf32, #tpu.memory_space<vmem>>, vector<1x128xf32>
    %add3A_16 = vector.broadcast %get3A_15 : vector<1x128xf32> to vector<2000x128xf32>
    %add3A_17 = arith.addf %mul3A_12, %add3A_16 : vector<2000x128xf32>
    %get3A_18 = arith.constant 0 : index
    %get3A_19 = arith.constant 0 : index
    %get3A_20 = vector.load %arg4[%get3A_18, %get3A_19] : memref<2000x128xf32, #tpu.memory_space<vmem>>, vector<2000x128xf32>
    %get3A_21 = arith.constant 0 : index
    %get3A_22 = arith.constant 0 : index
    %get3A_23 = vector.load %arg5[%get3A_21, %get3A_22] : memref<128x2xf32, #tpu.memory_space<vmem>>, vector<128x2xf32>
    %dot_general3A = arith.constant dense<0.000000e+00> : vector<2000x2xf32>
    %dot_general3A_24 = tpu.matmul %add3A_17, %get3A_23, %dot_general3A {dimension_numbers = #tpu.dot_dimension_numbers<[1], [0], [0], [1], [0, 0, 1, 1], [], []>, transpose_lhs_hint = false} : vector<2000x128xf32>, vector<128x2xf32>, vector<2000x2xf32> -> vector<2000x2xf32>
    %get3A_25 = arith.constant 0 : index
    %get3A_26 = arith.constant 0 : index
    %get3A_27 = vector.load %arg6[%get3A_25, %get3A_26] : memref<128x2xf32, #tpu.memory_space<vmem>>, vector<128x2xf32>
    %dot_general3A_28 = arith.constant dense<0.000000e+00> : vector<2000x2xf32>
    %dot_general3A_29 = tpu.matmul %get3A_20, %get3A_27, %dot_general3A_28 {dimension_numbers = #tpu.dot_dimension_numbers<[1], [0], [0], [1], [0, 0, 1, 1], [], []>, transpose_lhs_hint = false} : vector<2000x128xf32>, vector<128x2xf32>, vector<2000x2xf32> -> vector<2000x2xf32>
    %add3A_30 = arith.addf %dot_general3A_24, %dot_general3A_29 : vector<2000x2xf32>
    %reduce_max3A = arith.constant dense<0xFF800000> : vector<2000xf32>
    %reduce_max3A_31 = vector.multi_reduction <maximumf>, %add3A_30, %reduce_max3A [1] : vector<2000x2xf32> to vector<2000xf32>
    %broadcast_in_dim3A = vector.shape_cast %reduce_max3A_31 : vector<2000xf32> to vector<2000x1xf32>
    %sub3A = vector.broadcast %broadcast_in_dim3A : vector<2000x1xf32> to vector<2000x2xf32>
    %sub3A_32 = arith.subf %add3A_30, %sub3A : vector<2000x2xf32>
    %exp3A = math.exp %sub3A_32 : vector<2000x2xf32>
    %reduce_sum3A = arith.constant dense<0.000000e+00> : vector<2000xf32>
    %reduce_sum3A_33 = vector.multi_reduction <add>, %exp3A, %reduce_sum3A [1] : vector<2000x2xf32> to vector<2000xf32>
    %broadcast_in_dim3A_34 = vector.shape_cast %reduce_sum3A_33 : vector<2000xf32> to vector<2000x1xf32>
    %div3A = vector.broadcast %broadcast_in_dim3A_34 : vector<2000x1xf32> to vector<2000x2xf32>
    %div3A_35 = arith.divf %exp3A, %div3A : vector<2000x2xf32>
    %slice3A = vector.extract_strided_slice %div3A_35 {offsets = [0, 0], sizes = [2000, 1], strides = [1, 1]} : vector<2000x2xf32> to vector<2000x1xf32>
    %mul3A_36 = vector.broadcast %slice3A : vector<2000x1xf32> to vector<2000x128xf32>
    %mul3A_37 = arith.mulf %mul3A_36, %add3A_17 : vector<2000x128xf32>
    %slice3A_38 = vector.extract_strided_slice %div3A_35 {offsets = [0, 1], sizes = [2000, 1], strides = [1, 1]} : vector<2000x2xf32> to vector<2000x1xf32>
    %mul3A_39 = vector.broadcast %slice3A_38 : vector<2000x1xf32> to vector<2000x128xf32>
    %mul3A_40 = arith.mulf %mul3A_39, %get3A_20 : vector<2000x128xf32>
    %add3A_41 = arith.addf %mul3A_37, %mul3A_40 : vector<2000x128xf32>
    %get3A_42 = arith.constant 0 : index
    %get3A_43 = arith.constant 0 : index
    %get3A_44 = vector.load %arg7[%get3A_42, %get3A_43] : memref<128x16xf32, #tpu.memory_space<vmem>>, vector<128x16xf32>
    %dot_general3A_45 = arith.constant dense<0.000000e+00> : vector<2000x16xf32>
    %dot_general3A_46 = tpu.matmul %add3A_41, %get3A_44, %dot_general3A_45 {dimension_numbers = #tpu.dot_dimension_numbers<[1], [0], [0], [1], [0, 0, 1, 1], [], []>, transpose_lhs_hint = false} : vector<2000x128xf32>, vector<128x16xf32>, vector<2000x16xf32> -> vector<2000x16xf32>
    %get3A_47 = arith.constant 0 : index
    %get3A_48 = arith.constant 0 : index
    %get3A_49 = vector.load %arg8[%get3A_47, %get3A_48] : memref<1x16xf32, #tpu.memory_space<vmem>>, vector<1x16xf32>
    %add3A_50 = vector.broadcast %get3A_49 : vector<1x16xf32> to vector<2000x16xf32>
    %add3A_51 = arith.addf %dot_general3A_46, %add3A_50 : vector<2000x16xf32>
    %swap3A = arith.constant 0 : index
    %swap3A_52 = arith.constant 0 : index
    %swap3A_53 = vector.load %arg9[%swap3A, %swap3A_52] : memref<2000x16xf32, #tpu.memory_space<vmem>>, vector<2000x16xf32>
    tpu.vector_store %arg9[%swap3A, %swap3A_52], %add3A_51 {strides = array<i32>} : memref<2000x16xf32, #tpu.memory_space<vmem>>, vector<2000x16xf32>,
    return
  }
  func.func @transform_0(%arg0: i32) -> (i32, i32, i32) {
    %c0_i32 = arith.constant 0 : i32
    %c0_i32_0 = arith.constant 0 : i32
    %c0_i32_1 = arith.constant 0 : i32
    return %c0_i32, %arg0, %c0_i32_0 : i32, i32, i32
  }
  func.func @transform_1(%arg0: i32) -> (i32, i32) {
    %c0_i32 = arith.constant 0 : i32
    %c0_i32_0 = arith.constant 0 : i32
    return %arg0, %c0_i32 : i32, i32
  }
  func.func @transform_2(%arg0: i32) -> (i32, i32) {
    %c0_i32 = arith.constant 0 : i32
    %c0_i32_0 = arith.constant 0 : i32
    %c0_i32_1 = arith.constant 0 : i32
    return %c0_i32, %c0_i32_0 : i32, i32
  }
  func.func @transform_3(%arg0: i32) -> (i32, i32) {
    %c0_i32 = arith.constant 0 : i32
    %c0_i32_0 = arith.constant 0 : i32
    return %arg0, %c0_i32 : i32, i32
  }
  func.func @transform_4(%arg0: i32) -> (i32, i32) {
    %c0_i32 = arith.constant 0 : i32
    %c0_i32_0 = arith.constant 0 : i32
    %c0_i32_1 = arith.constant 0 : i32
    return %c0_i32, %c0_i32_0 : i32, i32
  }
  func.func @transform_5(%arg0: i32) -> (i32, i32) {
    %c0_i32 = arith.constant 0 : i32
    %c0_i32_0 = arith.constant 0 : i32
    %c0_i32_1 = arith.constant 0 : i32
    return %c0_i32, %c0_i32_0 : i32, i32
  }
  func.func @transform_6(%arg0: i32) -> (i32, i32) {
    %c0_i32 = arith.constant 0 : i32
    %c0_i32_0 = arith.constant 0 : i32
    %c0_i32_1 = arith.constant 0 : i32
    return %c0_i32, %c0_i32_0 : i32, i32
  }
  func.func @transform_7(%arg0: i32) -> (i32, i32) {
    %c0_i32 = arith.constant 0 : i32
    %c0_i32_0 = arith.constant 0 : i32
    %c0_i32_1 = arith.constant 0 : i32
    return %c0_i32, %c0_i32_0 : i32, i32
  }
  func.func @transform_8(%arg0: i32) -> (i32, i32) {
    %c0_i32 = arith.constant 0 : i32
    %c0_i32_0 = arith.constant 0 : i32
    return %arg0, %c0_i32 : i32, i32
  }
}

</mosaic_0001>

<sc_bundles>
// kernel: kernel.12.cloned.1.call-start
scs
__scs_entry_jumppad:
0x0: {  	(pc) =	sbr.rel $0x88, $3  }
0x1: {  	(tag) =	ssettag $0x0;
	lr =	simm.s32 $0x1  }
0x2: {  	[smem:$0x3F8E] =	sst lr;
	_ =	strace $0xD0000000  }
0x3: {  	_ = 	snop  }
0x4: {  	_ = 	snop  }
0x5: {  	_ = 	snop  }
0x6: {  	_ = 	snop  }
0x7: {  	_ = 	snop  }
__scs_overlays_trampoline_lowered:
0x8: {  	[smem:$0x3F9D] =	sst s0  }
0x9: {  	[smem:$0x3F9E] =	sst s1  }
0xa: {  	[smem:$0x3F9F] =	sst s2  }
0xb: {  	[smem:$0x3FA0] =	sst s3  }
0xc: {  	[smem:$0x3FA1] =	sst s4  }
0xd: {  	[smem:$0x3FA2] =	sst s5  }
0xe: {  	[smem:$0x3FA3] =	sst s6  }
0xf: {  	[smem:$0x3FA4] =	sst s7  }
0x10: {  	[smem:$0x3FA5] =	sst s8  }
0x11: {  	[smem:$0x3FA6] =	sst s9;
	s0 =	simm.s32 @!p0 $0x0  }
0x12: {  	s1 =	sld [smem:$0x3F8C];
	s0 =	simm.s32 @p0 $0x1  }
0x13: {  	[smem:$0x3FA7] =	sst s0;
	s0 =	simm.s32 @!p1 $0x0  }
0x14: {  	s2 =	sld [smem:$0x3F8B];
	s0 =	simm.s32 @p1 $0x1  }
0x15: {  	[smem:$0x3FA8] =	sst s0;
	s0 =	simm.s32 @!p2 $0x0  }
0x16: {  	s3 =	sld [smem:$0x3FDB];
	s0 =	simm.s32 @p2 $0x1  }
0x17: {  	s4 =	simm.s32 $0x1BF5;
	[smem:$0x3FAA] =	sst s0  }
0x18: {  	s0 =	sld [smem:$0x3F8D];
	_ =	swait.ge [sflag:s4], $0x0  }
0x19: {  	s7 =	sld [smem:$0x3F8E]  }
0x1a: {  	s8 =	sadd.s32 $0xFFFFE003, lr  }
0x1b: {  	s9 =	sadd.s32 $0xFFFFFEF7, lr;
	s5 =	simm.s32 $0xFFFFFFFF;
	p2 =	slt.u32 s8, $0xFFFFF086  }
0x1c: {  	p1 =	slt.u32 s9, $0xF7A;
	s5 =	simm.s32 @!p2 $0x0  }
0x1d: {  	s5 =	simm.s32 @p1 $0x1;
	p0 =	seq.s32 s7, s2  }
0x1e: {  	s7 =	smul.u32 @!p0 $0xF7A, s2;
	p2 =	seq.s32 @!p0 s5, $0x0  }
0x1f: {  	s9 =	smul.u32 $0xF7A, s1;
	s8 =	simm.s32 @!p0 $0x1BF5;
	p2 =	por !p2, p0  }
0x20: {  	[sflag:s8] =	ssyncset.s32 @!p0 $0xFFFFF086;
	s6 =	sadd.s32 @!p0 s3, s7;
	s7 =	simm.s32 @!p0 $0x108  }
0x21: {  	s3 =	sadd.s32 s3, s9;
	s6 =	sadd.s32 @!p0 $0x88, s6;
	s7 =	simm.s32 @p2 $0x1082  }
0x22: {  	[simem:s7], [sflag:s8] =	dma.local @!p0 [hbm:s6], $0xF7A  }
0x23: {  	s9 =	sor.u32 $0xD0000000, s2;
	s6 =	simm.s32 $0x108;
	_ =	swait.ge @!p0 [sflag:s8], $0x0  }
0x24: {  	s3 =	sadd.s32 $0x88, s3;
	s6 =	simm.s32 @!p1 $0x1082;
	[sflag:s4] =	ssyncset.s32 $0xFFFFF086  }
0x25: {  	[simem:s6], [sflag:s4] =	dma.local [hbm:s3], $0xF7A  }
0x26: {  	[smem:$0x3F8E] =	sst s1;
	(tag) =	ssettag s2;
	_ =	strace s9  }
0x27: {  	s1 =	sld [smem:$0x3F9E]  }
0x28: {  	s2 =	sld [smem:$0x3F9F]  }
0x29: {  	s4 =	sld [smem:$0x3FA1]  }
0x2a: {  	p0 =	seq.s32 s5, $0x0;
	s5 =	sld [smem:$0x3FA2]  }
0x2b: {  	s6 =	sld [smem:$0x3FA3]  }
0x2c: {  	s7 =	sld [smem:$0x3FA4]  }
0x2d: {  	s3 =	simm.s32 $0x108;
	s8 =	sld [smem:$0x3FA5]  }
0x2e: {  	s3 =	simm.s32 @!p0 $0x1082;
	s9 =	sld [smem:$0x3FA6]  }
0x2f: {  	lr =	sadd.s32 s0, s3;
	s0 =	sld [smem:$0x3F9D]  }
0x30: {  	s3 =	sld [smem:$0x3FA0]  }
0x31: {  	[smem:$0x3FA9] =	sst s10  }
0x32: {  	s10 =	sld [smem:$0x3FA7];
	_ =	sdelay $0x3  }
0x33: {  	p0 =	seq.s32 s10, $0x1;
	s10 =	sld [smem:$0x3FA9];
	_ =	sdelay $0x3  }
0x34: {  	[smem:$0x3FA9] =	sst s10  }
0x35: {  	s10 =	sld [smem:$0x3FA8];
	_ =	sdelay $0x3  }
0x36: {  	p1 =	seq.s32 s10, $0x1;
	s10 =	sld [smem:$0x3FA9];
	_ =	sdelay $0x3  }
0x37: {  	[smem:$0x3FA9] =	sst s10  }
0x38: {  	s10 =	sld [smem:$0x3FAA]  }
0x39: {  	_ = 	snop;
	(pc) =	sbr.ind lr, $3  }
0x3a: {  	_ = 	snop  }
0x3b: {  	_ = 	snop  }
0x3c: {  	p2 =	seq.s32 s10, $0x1;
	s10 =	sld [smem:$0x3FA9]  }
0x3d: {  	_ =	shalt  }
0x3e: {  	_ =	shalt  }
0x3f: {  	_ =	shalt  }
0x40: {  	_ =	shalt  }
0x41: {  	_ =	shalt  }
0x42: {  	_ =	shalt  }
0x43: {  	_ =	shalt  }
0x44: {  	_ =	shalt  }
0x45: {  	_ =	shalt  }
0x46: {  	_ =	shalt  }
0x47: {  	_ =	shalt  }
0x48: {  	_ =	shalt  }
0x49: {  	_ =	shalt  }
0x4a: {  	_ =	shalt  }
0x4b: {  	_ =	shalt  }
0x4c: {  	_ =	shalt  }
0x4d: {  	_ =	shalt  }
0x4e: {  	_ =	shalt  }
0x4f: {  	_ =	shalt  }
0x50: {  	_ =	shalt  }
0x51: {  	_ =	shalt  }
0x52: {  	_ =	shalt  }
0x53: {  	_ =	shalt  }
0x54: {  	_ =	shalt  }
0x55: {  	_ =	shalt  }
0x56: {  	_ =	shalt  }
0x57: {  	_ =	shalt  }
0x58: {  	_ =	shalt  }
0x59: {  	_ =	shalt  }
0x5a: {  	_ =	shalt  }
0x5b: {  	_ =	shalt  }
0x5c: {  	_ =	shalt  }
0x5d: {  	_ =	shalt  }
0x5e: {  	_ =	shalt  }
0x5f: {  	_ =	shalt  }
0x60: {  	_ =	shalt  }
0x61: {  	_ =	shalt  }
0x62: {  	_ =	shalt  }
0x63: {  	_ =	shalt  }
0x64: {  	_ =	shalt  }
0x65: {  	_ =	shalt  }
0x66: {  	_ =	shalt  }
0x67: {  	_ =	shalt  }
0x68: {  	_ =	shalt  }
0x69: {  	_ =	shalt  }
0x6a: {  	_ =	shalt  }
0x6b: {  	_ =	shalt  }
0x6c: {  	_ =	shalt  }
0x6d: {  	_ =	shalt  }
0x6e: {  	_ =	shalt  }
0x6f: {  	_ =	shalt  }
0x70: {  	_ =	shalt  }
0x71: {  	_ =	shalt  }
0x72: {  	_ =	shalt  }
0x73: {  	_ =	shalt  }
0x74: {  	_ =	shalt  }
0x75: {  	_ =	shalt  }
0x76: {  	_ =	shalt  }
0x77: {  	_ =	shalt  }
0x78: {  	_ =	shalt  }
0x79: {  	_ =	shalt  }
0x7a: {  	_ =	shalt  }
0x7b: {  	_ =	shalt  }
0x7c: {  	_ =	shalt  }
0x7d: {  	_ =	shalt  }
0x7e: {  	_ =	shalt  }
0x7f: {  	_ =	shalt  }
0x80: {  	_ =	shalt  }
0x81: {  	_ =	shalt  }
0x82: {  	_ =	shalt  }
0x83: {  	_ =	shalt  }
0x84: {  	_ =	shalt  }
0x85: {  	_ =	shalt  }
0x86: {  	_ =	shalt  }
0x87: {  	_ =	shalt  }
.Lfunc_end0:
.L_simem_size_0:
called_computation.1_lowered:
.L_overlay_start_0:
0x88: {  	s2 =	sld [smem:$0x3FD9]  }
0x89: {  	s3 =	sld [smem:$0x3FFE];
	_ =	sdelay $0x1  }
0x8a: {  	s1 =	srdreg.scid  }
0x8b: {  	s0 =	sand.u32 $0x1, s1  }
0x8c: {  	s16 =	sshll.u32 s0, $0xA;
	s2 =	sadd.s32 s3, s2  }
0x8d: {  	s2 =	sadd.s32 s2, s16  }
0x8e: {  	[smem:$0x3FB5] =	sst s2  }
0x8f: {  	_ = 	snop  }
0x90: {  	(tm) =	ssettm $0x1  }
0x91: {  	s17 =	sld [smem:$0x3FFB];
	_ =	sdelay $0x3  }
0x92: {  	_ =	strace s17  }
0x93: {  	s2 =	sld [smem:$0x3FFC];
	_ =	sdelay $0x3  }
0x94: {  	_ =	strace s2  }
0x95: {  	s2 =	sld [smem:$0x3FFD];
	_ =	sdelay $0x3  }
0x96: {  	_ =	strace s2  }
0x97: {  	_ =	strace $0x8FFFFFFF  }
0x98: {  	s18 =	sld [smem:$0x3FDB];
	_ =	sdelay $0x1  }
0x99: {  	s19 =	simm.s32 $_scs_section_size  }
0x9a: {  	s4 =	simm.s32 $_size__tile_overlayer_lowered;
	s5 =	simm.s32 $_tile_overlayer_lowered  }
0x9b: {  	s22 =	simm.s32 $0x1BFF;
	s21 =	sshll.u32 s5, $0x1;
	s2 =	sadd.s32 s19, s18  }
0x9c: {  	s6 =	simm.s32 $0x0;
	s20 =	sshll.u32 s4, $0x1;
	s4 =	sadd.s32 s21, s2  }
0x9d: {  	[timem:s6], [sflag:s22] =	dma.local [hbm:s4], s20  }
0x9e: {  	_ =	swait.ge [sflag:s22], s20  }
0x9f: {  	s3 =	ssub.s32 $0x0, s20;
	[sflag:s22] =	ssyncset.done $0x0  }
0xa0: {  	[sflag:s22] =	ssyncadd.s32 s3;
	_ =	sdelay $0x1  }
0xa1: {  	s23 =	simm.s32 $0x1B8B  }
0xa2: {  	_ =	swait.ge [sflag:s23], $0x1  }
0xa3: {  	[sflag:s23] =	ssyncset.done $0x0  }
0xa4: {  	s25 =	simm.s32 $0x1B8E;
	s24 =	sld [smem:$0x3FFE];
	[sflag:s23] =	ssyncadd.s32 $0xFFFFFFFF  }
0xa5: {  	s26 =	simm.s32 $execute0_lowered;
	[smem:$0x3FD2] =	sst s25  }
0xa6: {  	s4 =	sshll.u32 s26, $0x1;
	_ =	strace $0x80000049;
	[dreg:$0x1] =	wrdreg $0xFFFFFFFF  }
0xa7: {  	s28 =	simm.s32 $_size_execute0_lowered;
	s2 =	sadd.s32 s2, s4;
	[dreg:$0x0] =	wrdreg $0x0  }
0xa8: {  	s4 =	sshll.u32 s28, $0x1;
	[dreg:$0x2] =	wrdreg s2  }
0xa9: {  	[dreg:$0x3] =	wrdreg s4  }
0xaa: {  	[dreg:$0x4] =	wrdreg $0xC0  }
0xab: {  	_ =	task [dreg:s6], $0x5FFFF  }
0xac: {  	[dreg:$0x1] =	wrdreg $0xFFFFFFFF  }
0xad: {  	[dreg:$0x0] =	wrdreg $0x60  }
0xae: {  	[dreg:$0x2] =	wrdreg s24  }
0xaf: {  	[dreg:$0x3] =	wrdreg $0xB8000  }
0xb0: {  	[dreg:$0x4] =	wrdreg $0x9  }
0xb1: {  	_ =	task.clear_ibuf [dreg:s6], $0x5FFFF;
	_ =	strace $0x90000049  }
0xb2: {  	s29 =	simm.s32 $0x9;
	_ =	strace $0x8000004B  }
0xb3: {  	_ =	swait.ge [sflag:s29], $0x1  }
0xb4: {  	[sflag:s29] =	ssyncadd.s32 $0xFFFFFFFF  }
0xb5: {  	_ =	strace $0x9000004B  }
0xb6: {  	_ =	sfence  }
0xb7: {  	s30 =	sld [smem:$0x0];
	_ =	sdelay $0x2  }
0xb8: {  	s31 =	sshll.u32 s1, $0xD;
	s1 =	sshrl.u32 s1, $0x2  }
0xb9: {  	s3 =	sand.u32 $0x4000, s31;
	s1 =	sadd.s32 s1, s30  }
0xba: {  	s0 =	sor.u32 s3, s0;
	s1 =	sshll.u32 s1, $0x11  }
0xbb: {  	s0 =	sor.u32 s1, s0  }
0xbc: {  	s0 =	sadd.s32 $0x8F2B, s0  }
0xbd: {  	[sflag:s0] =	ssyncadd.remote.s32 $0x1  }
0xbe: {  	_ =	sfence.sel $0xFFFF  }
0xbf: {  	[dreg:$0x0] =	wrdreg $0xFFFFFFFF;
	(pc) =	sbr.abs _section_cstart, $3  }
0xc0: {  	[dreg:$0x1] =	wrdreg $0xFFFFFFFF  }
0xc1: {  	_ =	task.clear_ibuf [dreg:s6], $0x2FFFF;
	_ =	strace $0x9FFFFFFF  }
0xc2: {  	(tm) =	ssettm $0x7FFFFFFF  }
0xc3: {  	_ =	shalt  }
tec
execute0_lowered:
.L_overlay_start_1:
0x0: {  	(tag) =	ssettag $0x1  }
0x1: {  	s0 =	rddreg [dreg:$0x0]  }
0x2: {  	s1 =	rddreg [dreg:$0x1];
	s2 =	simm.s32 $0x0  }
0x3: {  	s4 =	srdreg.scid;
	s21 =	stileid.u32;
	s29 =	simm.s32 $0x1  }
0x4: {  	s30 =	simm.s32 $0x0;
	s8 =	smul.u32 $0x19000, s21;
	s12 =	sor.u32 $0x10, s21  }
0x5: {  	[smem:$0x7FF] =	sst s2;
	s15 =	sor.u32 $0x20, s21;
	s10 =	smul.u32 $0x19000, s12  }
0x6: {  	s3 =	sadd.s32 $0x2B000, s0;
	s16 =	sor.u32 $0x30, s21;
	s13 =	smul.u32 $0x19000, s15  }
0x7: {  	s5 =	sadd.s32 $0x3000, s0;
	s4 =	sand.u32 $0x1, s4;
	s14 =	smul.u32 $0x19000, s16  }
0x8: {  	s7 =	ssub.s32 $0x2, s4;
	s11 =	sshll.u32 s4, $0x4;
	s4 =	smul.u32 $0x138800, s4  }
0x9: {  	s6 =	sadd.s32 $0x17000, s0;
	s0 =	sadd.s32 $0x52200, s0;
	s12 =	smul.u32 $0x6400, s12  }
0xa: {  	p0 =	sgt.u32 s21, $0x1;
	_ =	strace $0x8000004A;
	s28 =	smul.u32 $0x6400, s16  }
0xb: {  	s9 =	sshrl.u32 s7, $0x1;
	s11 =	sor.u32 s21, s11;
	s8 =	sshrl.u32 s8, $0x2  }
0xc: {  	s20 =	ssub.s32 s7, s9;
	s10 =	sshrl.u32 s10, $0x2;
	s7 =	smul.u32 $0x5, s11  }
0xd: {  	s8 =	sadd.s32 s8, s1;
	s17 =	smul.u32 $0xA00, s11;
	s13 =	sshrl.u32 s13, $0x2  }
0xe: {  	s18 =	sshrl.u32 s14, $0x2;
	s19 =	smul.u32 $0x5000, s11;
	s12 =	sadd.s32 s4, s12  }
0xf: {  	s9 =	sadd.s32 s10, s1;
	s10 =	sadd.s32 s13, s1;
	s11 =	sadd.s32 s18, s1  }
0x10: {  	s18 =	smul.u32 $0x6400, s21;
	s12 =	sshrl.u32 s12, $0x3;
	s20 =	smax.u32 s20, $0x1  }
0x11: {  	s21 =	simm.s32 $0x4000;
	s22 =	sadd.s32 s5, s17;
	s14 =	sshrl.u32 s19, $0x3  }
0x12: {  	s23 =	sadd.s32 s6, s17;
	s19 =	smul.u32 $0x6400, s15;
	[dreg:$0x3] =	wrdreg s22  }
0x13: {  	s17 =	sadd.s32 s0, s12;
	[dreg:$0x4] =	wrdreg s23;
	s24 =	sadd.s32 $0x200, s14  }
.Ltmp0:
0x14: {  	s18 =	sadd.s32 s18, s4;
	s22 =	simm.s32 $0x3;
	(pc) =	sbr.rel .LBB2_1-.Ltmp0, $4  }
0x15: {  	s25 =	sadd.s32 s5, s24;
	s15 =	sadd.s32 s6, s24;
	s26 =	sshrl.u32 s18, $0x3  }
0x16: {  	s31 =	sadd.s32 s4, s19;
	s4 =	sadd.s32 s4, s28;
	[dreg:$0x5] =	wrdreg s25  }
0x17: {  	s16 =	sadd.s32 s0, s26;
	s19 =	sshrl.u32 s31, $0x3;
	s4 =	sshrl.u32 s4, $0x3  }
0x18: {  	v0 =	vimm.f32 $0.0e+00;
	s25 =	simm.s32 $0x50;
	s18 =	sadd.s32 s0, s19;
	s19 =	sadd.s32 s0, s4  }
.LBB2_9:
0x19: {  	s0 =	stileid.u32  }
0x1a: {  	s0 =	sshll.u32 s0, $0x6  }
0x1b: {  	[bflag:$0x0] =	sbarrier.arrive $0xFFFF;
	s4 =	sshrl.u32 s8, $0x3;
	s0 =	sor.u32 $0x1C03, s0  }
0x1c: {  	[hbm:s16], [sflag:s0] =	dma.local [spmem:s4], $0xC80  }
0x1d: {  	s28 =	sshrl.u32 s9, $0x3;
	s31 =	sshrl.u32 s10, $0x3;
	s4 =	sshrl.u32 @!p0 s11, $0x3  }
0x1e: {  	[hbm:s17], [sflag:s0] =	dma.local [spmem:s28], $0xC80  }
0x1f: {  	[hbm:s18], [sflag:s0] =	dma.local [spmem:s31], $0xC80  }
0x20: {  	[hbm:s19], [sflag:s0] =	dma.local @!p0 [spmem:s4], $0xC80  }
0x21: {  	s0 =	simm.s32 @!p0 $0x3  }
0x22: {  	_ =	swait.ge @!p0 [sflag:s0], $0xC80  }
0x23: {  	[sflag:s0] =	ssyncset.done @!p0 $0x0  }
0x24: {  	[sflag:s0] =	ssyncadd.s32 @!p0 $0xFFFFF380  }
0x25: {  	_ =	swait.ge [sflag:s22], $0xC80  }
0x26: {  	[sflag:s22] =	ssyncset.done $0x0  }
0x27: {  	s30 =	sadd.s32 $0x1, s30;
	[sflag:s22] =	ssyncadd.s32 $0xFFFFF380  }
0x28: {  	p1 =	sne.s32 s30, s20;
	_ =	swait.ge [sflag:s22], $0xC80  }
.Ltmp1:
0x29: {  	[sflag:s22] =	ssyncset.done $0x0;
	(pc) =	sbr.rel @!p1 .LBB2_10-.Ltmp1, $4  }
0x2a: {  	[sflag:s22] =	ssyncadd.s32 $0xFFFFF380  }
0x2b: {  	_ =	swait.ge [sflag:s22], $0xC80  }
0x2c: {  	[sflag:s22] =	ssyncset.done $0x0  }
0x2d: {  	[sflag:s22] =	ssyncadd.s32 $0xFFFFF380  }
.LBB2_1:
0x2e: {  	s0 =	sand.u32 $0x1FE00, s2  }
0x2f: {  	s4 =	sand.u32 $0x70, s2;
	s12 =	sshrl.u32 s0, $0x2  }
0x30: {  	s0 =	simm.s32 $0x40;
	s12 =	sor.u32 s4, s12;
	s4 =	simm.s32 $0x0  }
.LBB2_2:
0x31: {  	p1 =	sne.s32 s0, $0x18FC0  }
0x32: {  	[tilespmem:s12+$0x4000] =	vst v0;
	s4 =	sadd.s32 $0x10, s4;
	s12 =	smov.u32 s0;
	s0 =	sadd.s32 $0x40, s0  }
.Ltmp2:
0x33: {  	(pc) =	sbr.rel @p1 .LBB2_2-.Ltmp2, $4  }
0x34: {  	_ = 	snop  }
0x35: {  	s12 =	sand.u32 $0x1FE00, s12  }
0x36: {  	s23 =	sand.u32 $0x70, s4;
	s12 =	sshrl.u32 s12, $0x2  }
0x37: {  	s12 =	sor.u32 s23, s12  }
0x38: {  	[tilespmem:s12+$0x4000] =	vst v0  }
0x39: {  	[spmem:s8] =	stream.linear.scatter [tilespmem:s21], [sflag:$0x3], $0x6400, $0x38;
	[tilespmem:$0x1F080] =	vst v63  }
0x3a: {  	_ = 	snop  }
0x3b: {  	[spmem:s9] =	stream.linear.scatter [tilespmem:s21], [sflag:$0x3], $0x6400, $0x38;
	[tilespmem:$0x1F080] =	vst v63  }
0x3c: {  	_ = 	snop  }
0x3d: {  	[spmem:s10] =	stream.linear.scatter [tilespmem:s21], [sflag:$0x3], $0x6400, $0x38;
	[tilespmem:$0x1F080] =	vst v63  }
0x3e: {  	s0 =	simm.s32 @!p0 $0x4000  }
0x3f: {  	[spmem:s11] =	stream.linear.scatter @!p0 [tilespmem:s0], [sflag:$0x3], $0x6400, $0x38;
	[tilespmem:$0x1F080] =	vst v63  }
0x40: {  	s0 =	simm.s32 @!p0 $0x3  }
0x41: {  	_ =	swait.ge @!p0 [sflag:s0], $0x6400  }
0x42: {  	[sflag:s0] =	ssyncset.done @!p0 $0x0  }
0x43: {  	[sflag:s0] =	ssyncadd.s32 @!p0 $0xFFFF9C00  }
0x44: {  	_ =	swait.ge [sflag:s22], $0x6400  }
0x45: {  	[sflag:s22] =	ssyncset.done $0x0  }
0x46: {  	[sflag:s22] =	ssyncadd.s32 $0xFFFF9C00  }
0x47: {  	_ =	swait.ge [sflag:s22], $0x6400  }
0x48: {  	[sflag:s22] =	ssyncset.done $0x0  }
0x49: {  	[sflag:s22] =	ssyncadd.s32 $0xFFFF9C00  }
0x4a: {  	_ =	swait.ge [sflag:s22], $0x6400  }
0x4b: {  	[sflag:s22] =	ssyncset.done $0x0  }
0x4c: {  	[sflag:s22] =	ssyncadd.s32 $0xFFFF9C00  }
0x4d: {  	[bflag:$0x0] =	sbarrier.arrive $0xFFFF  }
0x4e: {  	s31 =	simm.s32 $0x0;
	s13 =	rddreg [dreg:$0x3]  }
0x4f: {  	[tilespmem:s31], [sflag:$0x3] =	stream.linear.gather [hbm4b:s13+s31], $0x1000, $0x38;
	[tilespmem:$0x1F080] =	vst v63  }
0x50: {  	_ =	swait.ge [sflag:s22], $0x1000  }
0x51: {  	[sflag:s22] =	ssyncset.done $0x0  }
0x52: {  	s0 =	simm.s32 $0x2000;
	s4 =	rddreg [dreg:$0x4];
	[sflag:s22] =	ssyncadd.s32 $0xFFFFF000  }
0x53: {  	[tilespmem:s0], [sflag:$0x3] =	stream.linear.gather [hbm4b:s4+s31], $0x1000, $0x38;
	[tilespmem:$0x1F080] =	vst v63  }
0x54: {  	_ =	swait.ge [sflag:s22], $0x1000  }
0x55: {  	[sflag:s22] =	ssyncset.done $0x0  }
0x56: {  	s23 =	simm.s32 $0x1000;
	s14 =	rddreg [dreg:$0x5];
	[sflag:s22] =	ssyncadd.s32 $0xFFFFF000  }
0x57: {  	[tilespmem:s23], [sflag:$0x3] =	stream.linear.gather [hbm4b:s14+s31], $0x1000, $0x38;
	[tilespmem:$0x1F080] =	vst v63  }
0x58: {  	s24 =	simm.s32 $0x3000  }
0x59: {  	[tilespmem:s24], [sflag:$0x3] =	stream.linear.gather [hbm4b:s15+s31], $0x1000, $0x38;
	[tilespmem:$0x1F080] =	vst v63  }
.Ltmp3:
0x5a: {  	_ = 	snop;
	(pc) =	sbr.rel .LBB2_4-.Ltmp3, $4  }
0x5b: {  	s26 =	simm.s32 $0x80;
	s28 =	simm.s32 $0x6800  }
0x5c: {  	[tilespmem:s21], [sflag:$0x1] =	stream.indirect.gather [hbm4b:s3+s25], $0x80, s31, s25, $0xb8;
	[tilespmem:$0x1F080] =	vst v63  }
0x5d: {  	s4 =	simm.s32 $0xFFFFFFE6;
	s23 =	simm.s32 $0x100;
	s24 =	simm.s32 $0x2  }
0x5e: {  	[tilespmem:s28], [sflag:$0x1] =	stream.indirect.gather [hbm4b:s3+s25], $0x80, s26, s25, $0xb8;
	[tilespmem:$0x1F080] =	vst v63  }
.LBB2_5:
0x5f: {  	s12 =	sadd.s32 $0x1, s12  }
0x60: {  	s13 =	sadd.s32 s12, s7  }
0x61: {  	s12 =	sshll.u32 s12, $0xC;
	s13 =	sshll.u32 s13, $0x9  }
0x62: {  	s12 =	sand.u32 $0x1000, s12;
	s14 =	sadd.s32 s5, s13  }
0x63: {  	[tilespmem:s12], [sflag:$0x3] =	stream.linear.gather [hbm4b:s14+s2], $0x1000, $0x38;
	[tilespmem:$0x1F080] =	vst v63  }
0x64: {  	s13 =	sadd.s32 s6, s13;
	s12 =	sor.u32 $0x2000, s12  }
0x65: {  	[tilespmem:s12], [sflag:$0x3] =	stream.linear.gather [hbm4b:s13+s2], $0x1000, $0x38;
	[tilespmem:$0x1F080] =	vst v63  }
.LBB2_7:
0x66: {  	s12 =	smul.u32 $0xAB, s28;
	_ =	sdelay $0x1  }
0x67: {  	s12 =	sshrl.u32 s12, $0x9  }
0x68: {  	s13 =	smulhi.u32 $0x51EB851F, s31;
	s12 =	sand.u32 $0x7F, s12  }
0x69: {  	s12 =	smul.u32 $0x3, s12;
	_ =	sdelay $0x1  }
0x6a: {  	s14 =	sshrl.u32 s13, $0x3;
	s12 =	ssub.s32 s28, s12  }
0x6b: {  	s13 =	sshll.u32 s13, $0xB;
	s14 =	smul.u32 $0x3200, s14;
	s12 =	sand.u32 $0xFF, s12  }
0x6c: {  	s13 =	sand.u32 $0x4000, s13;
	s12 =	smul.u32 $0xA000, s12  }
0x6d: {  	_ =	swait.ge [sflag:s29], $0x2800;
	s13 =	ssub.s32 s13, s14  }
0x6e: {  	[sflag:s29] =	ssyncset.done $0x0;
	s13 =	sshra.s32 s13, $0x2;
	s12 =	sshrl.u32 s12, $0x2  }
0x6f: {  	[sflag:s29] =	ssyncadd.s32 $0xFFFFD800;
	s13 =	sadd.s32 s13, s0;
	s12 =	sadd.s32 $0x4000, s12  }
0x70: {  	[spmem:s1] =	stream.indirect.scatter.add.f32 [tilespmem:s12], [sflag:$0x2], $0x80, s13, s25, $0xb8;
	[tilespmem:$0x1F080] =	vst v63  }
.LBB2_8:
0x71: {  	s12 =	smul.u32 @!p1 $0xAB, s26;
	_ =	sdelay $0x1  }
0x72: {  	s12 =	sshrl.u32 @!p1 s12, $0x9  }
0x73: {  	s13 =	smulhi.u32 $0x51EB851F, s24;
	s12 =	sand.u32 @!p1 $0x7F, s12  }
0x74: {  	p2 =	seq.s32 s28, $0x0;
	s12 =	smul.u32 @!p1 $0x3, s12  }
0x75: {  	p3 =	seq.s32 @!p2 s28, $0x7E;
	s14 =	sshrl.u32 s13, $0x3  }
0x76: {  	s13 =	sshll.u32 s13, $0xB;
	s14 =	smul.u32 $0x3200, s14;
	s12 =	ssub.s32 @!p1 s26, s12  }
0x77: {  	p2 =	por p3, p2;
	s13 =	sand.u32 $0x4000, s13;
	s12 =	sand.u32 @!p1 $0xFF, s12  }
0x78: {  	s13 =	ssub.s32 s13, s14;
	s14 =	simm.s32 @!p2 $0x2;
	s12 =	smul.u32 @!p1 $0xA000, s12  }
0x79: {  	s4 =	sadd.s32 $0x1, s4;
	s13 =	sshra.s32 s13, $0x2;
	_ =	swait.ge @!p2 [sflag:s14], $0x2800  }
0x7a: {  	s13 =	sadd.s32 s13, s23;
	[sflag:s14] =	ssyncset.done @!p2 $0x0;
	s12 =	sshrl.u32 @!p1 s12, $0x2  }
0x7b: {  	[sflag:s14] =	ssyncadd.s32 @!p2 $0xFFFFD800;
	s14 =	simm.s32 @!p1 $0x50;
	s12 =	sadd.s32 @!p1 $0x4000, s12  }
0x7c: {  	[tilespmem:s12], [sflag:$0x1] =	stream.indirect.gather @!p1 [hbm4b:s3+s14], $0x80, s13, s14, $0xb8;
	[tilespmem:$0x1F080] =	vst v63  }
0x7d: {  	p1 =	sne.s32 s4, $0x65  }
.Ltmp4:
0x7e: {  	_ = 	snop;
	(pc) =	sbr.rel @!p1 .LBB2_9-.Ltmp4, $3  }
0x7f: {  	_ =	sdelay $0x1  }
0x80: {  	s31 =	sadd.s32 $0x1, s31  }
0x81: {  	s24 =	sadd.s32 $0x1, s24;
	s0 =	sadd.s32 $0x80, s0;
	s23 =	sadd.s32 $0x80, s23  }
.LBB2_4:
0x82: {  	s26 =	sadd.s32 $0x1C, s4  }
0x83: {  	s12 =	smul.u32 $0x29, s26;
	_ =	sdelay $0x1  }
0x84: {  	s12 =	sshrl.u32 s12, $0xA  }
0x85: {  	s12 =	sand.u32 $0x3F, s12  }
0x86: {  	s28 =	sadd.s32 $0x1A, s4;
	s12 =	smul.u32 $0x19, s12  }
0x87: {  	s13 =	smul.u32 $0x29, s28  }
0x88: {  	p1 =	sgt.u32 s28, $0x7A;
	s12 =	ssub.s32 s26, s12  }
0x89: {  	s14 =	sshrl.u32 s13, $0xA;
	s12 =	sand.u32 @!p1 $0xFF, s12  }
0x8a: {  	p2 =	sne.s32 @!p1 s12, $0x0;
	s12 =	sand.u32 $0x3F, s14  }
0x8b: {  	s14 =	smul.u32 $0x19, s12;
	_ =	sdelay $0x1  }
0x8c: {  	p3 =	sgt.u32 s4, $0x49;
	s14 =	ssub.s32 s28, s14  }
0x8d: {  	p2 =	por p2, p1;
	s14 =	sand.u32 @!p3 $0xFF, s14  }
0x8e: {  	s13 =	simm.s32 @!p2 $0x3;
	p4 =	sne.s32 @!p3 s14, $0x2  }
0x8f: {  	_ =	swait.ge @!p2 [sflag:s13], $0x1000;
	p3 =	por p3, p4  }
.Ltmp5:
0x90: {  	[sflag:s13] =	ssyncset.done @!p2 $0x0;
	(pc) =	sbr.rel @!p3 .LBB2_5-.Ltmp5, $4  }
0x91: {  	[sflag:s13] =	ssyncadd.s32 @!p2 $0xFFFFF000  }
0x92: {  	_ =	swait.ge @!p2 [sflag:s13], $0x1000  }
0x93: {  	[sflag:s13] =	ssyncset.done @!p2 $0x0  }
0x94: {  	[sflag:s13] =	ssyncadd.s32 @!p2 $0xFFFFF000  }
0x95: {  	p2 =	sgt.u32 s28, $0x7C  }
.Ltmp6:
0x96: {  	_ = 	snop;
	(pc) =	sbr.rel @p2 .LBB2_8-.Ltmp6, $4  }
.Ltmp7:
0x97: {  	_ = 	snop;
	(pc) =	sbr.rel @!p2 .LBB2_7-.Ltmp7, $4  }
0x98: {  	_ = 	snop  }
0x99: {  	_ = 	snop  }
0x9a: {  	_ = 	snop  }
0x9b: {  	_ = 	snop  }
.LBB2_10:
0x9c: {  	_ =	sfence.sel $0x180000  }
0x9d: {  	[bflag:$0x0] =	sbarrier.arrive $0xFFFF  }
0x9e: {  	_ =	strace $0x9000004A  }
0x9f: {  	s0 =	stileid.u32;
	[bflag:$0x2] =	sbarrier.arrive $0xFFFF  }
0xa0: {  	p0 =	sne.s32 s0, $0x0;
	s0 =	rddreg [dreg:$0x2]  }
0xa1: {  	s0 =	sadd.s32 @!p0 $0x100000, s0  }
0xa2: {  	[sflag:s0] =	ssyncadd.tile.s32 @!p0 $0x1;
	_ =	shalt  }
.Lfunc_end2:
_tile_overlayer_lowered:
.L_overlay_start_2:
0xa3: {  	(tag) =	ssettag $0x2  }
0xa4: {  	s0 =	rddreg [dreg:$0x0];
	s2 =	stileid.u32  }
0xa5: {  	s1 =	rddreg [dreg:$0x1];
	p0 =	sne.s32 s2, $0x0  }
0xa6: {  	s3 =	rddreg [dreg:$0x2];
	[bflag:$0x3] =	sbarrier.arrive $0xFFFF;
	s2 =	simm.s32 @!p0 $0x1C04  }
0xa7: {  	[timem:s3], [sflag:s2] =	dma.local @!p0 [hbm:s0], s1  }
0xa8: {  	s0 =	simm.s32 @!p0 $0x4  }
0xa9: {  	_ =	swait.ge @!p0 [sflag:s0], s1  }
0xaa: {  	s1 =	ssub.s32 @!p0 $0x0, s1;
	[sflag:s0] =	ssyncset.done @!p0 $0x0  }
0xab: {  	[sflag:s0] =	ssyncadd.s32 @!p0 s1  }
0xac: {  	[bflag:$0x3] =	sbarrier.arrive $0xFFFF  }
0xad: {  	_ =	shalt  }

// kernel: kernel.9.cloned.1.call-start
scs
__scs_entry_jumppad:
0x0: {  	(pc) =	sbr.rel $0x88, $3  }
0x1: {  	(tag) =	ssettag $0x0;
	lr =	simm.s32 $0x1  }
0x2: {  	[smem:$0x3F8E] =	sst lr;
	_ =	strace $0xD0000000  }
0x3: {  	_ = 	snop  }
0x4: {  	_ = 	snop  }
0x5: {  	_ = 	snop  }
0x6: {  	_ = 	snop  }
0x7: {  	_ = 	snop  }
__scs_overlays_trampoline_lowered:
0x8: {  	[smem:$0x3F9D] =	sst s0  }
0x9: {  	[smem:$0x3F9E] =	sst s1  }
0xa: {  	[smem:$0x3F9F] =	sst s2  }
0xb: {  	[smem:$0x3FA0] =	sst s3  }
0xc: {  	[smem:$0x3FA1] =	sst s4  }
0xd: {  	[smem:$0x3FA2] =	sst s5  }
0xe: {  	[smem:$0x3FA3] =	sst s6  }
0xf: {  	[smem:$0x3FA4] =	sst s7  }
0x10: {  	[smem:$0x3FA5] =	sst s8  }
0x11: {  	[smem:$0x3FA6] =	sst s9;
	s0 =	simm.s32 @!p0 $0x0  }
0x12: {  	s1 =	sld [smem:$0x3F8C];
	s0 =	simm.s32 @p0 $0x1  }
0x13: {  	[smem:$0x3FA7] =	sst s0;
	s0 =	simm.s32 @!p1 $0x0  }
0x14: {  	s2 =	sld [smem:$0x3F8B];
	s0 =	simm.s32 @p1 $0x1  }
0x15: {  	[smem:$0x3FA8] =	sst s0;
	s0 =	simm.s32 @!p2 $0x0  }
0x16: {  	s3 =	sld [smem:$0x3FDB];
	s0 =	simm.s32 @p2 $0x1  }
0x17: {  	s4 =	simm.s32 $0x1BF5;
	[smem:$0x3FAA] =	sst s0  }
0x18: {  	s0 =	sld [smem:$0x3F8D];
	_ =	swait.ge [sflag:s4], $0x0  }
0x19: {  	s7 =	sld [smem:$0x3F8E]  }
0x1a: {  	s8 =	sadd.s32 $0xFFFFE003, lr  }
0x1b: {  	s9 =	sadd.s32 $0xFFFFFEF7, lr;
	s5 =	simm.s32 $0xFFFFFFFF;
	p2 =	slt.u32 s8, $0xFFFFF086  }
0x1c: {  	p1 =	slt.u32 s9, $0xF7A;
	s5 =	simm.s32 @!p2 $0x0  }
0x1d: {  	s5 =	simm.s32 @p1 $0x1;
	p0 =	seq.s32 s7, s2  }
0x1e: {  	s7 =	smul.u32 @!p0 $0xF7A, s2;
	p2 =	seq.s32 @!p0 s5, $0x0  }
0x1f: {  	s9 =	smul.u32 $0xF7A, s1;
	s8 =	simm.s32 @!p0 $0x1BF5;
	p2 =	por !p2, p0  }
0x20: {  	[sflag:s8] =	ssyncset.s32 @!p0 $0xFFFFF086;
	s6 =	sadd.s32 @!p0 s3, s7;
	s7 =	simm.s32 @!p0 $0x108  }
0x21: {  	s3 =	sadd.s32 s3, s9;
	s6 =	sadd.s32 @!p0 $0x88, s6;
	s7 =	simm.s32 @p2 $0x1082  }
0x22: {  	[simem:s7], [sflag:s8] =	dma.local @!p0 [hbm:s6], $0xF7A  }
0x23: {  	s9 =	sor.u32 $0xD0000000, s2;
	s6 =	simm.s32 $0x108;
	_ =	swait.ge @!p0 [sflag:s8], $0x0  }
0x24: {  	s3 =	sadd.s32 $0x88, s3;
	s6 =	simm.s32 @!p1 $0x1082;
	[sflag:s4] =	ssyncset.s32 $0xFFFFF086  }
0x25: {  	[simem:s6], [sflag:s4] =	dma.local [hbm:s3], $0xF7A  }
0x26: {  	[smem:$0x3F8E] =	sst s1;
	(tag) =	ssettag s2;
	_ =	strace s9  }
0x27: {  	s1 =	sld [smem:$0x3F9E]  }
0x28: {  	s2 =	sld [smem:$0x3F9F]  }
0x29: {  	s4 =	sld [smem:$0x3FA1]  }
0x2a: {  	p0 =	seq.s32 s5, $0x0;
	s5 =	sld [smem:$0x3FA2]  }
0x2b: {  	s6 =	sld [smem:$0x3FA3]  }
0x2c: {  	s7 =	sld [smem:$0x3FA4]  }
0x2d: {  	s3 =	simm.s32 $0x108;
	s8 =	sld [smem:$0x3FA5]  }
0x2e: {  	s3 =	simm.s32 @!p0 $0x1082;
	s9 =	sld [smem:$0x3FA6]  }
0x2f: {  	lr =	sadd.s32 s0, s3;
	s0 =	sld [smem:$0x3F9D]  }
0x30: {  	s3 =	sld [smem:$0x3FA0]  }
0x31: {  	[smem:$0x3FA9] =	sst s10  }
0x32: {  	s10 =	sld [smem:$0x3FA7];
	_ =	sdelay $0x3  }
0x33: {  	p0 =	seq.s32 s10, $0x1;
	s10 =	sld [smem:$0x3FA9];
	_ =	sdelay $0x3  }
0x34: {  	[smem:$0x3FA9] =	sst s10  }
0x35: {  	s10 =	sld [smem:$0x3FA8];
	_ =	sdelay $0x3  }
0x36: {  	p1 =	seq.s32 s10, $0x1;
	s10 =	sld [smem:$0x3FA9];
	_ =	sdelay $0x3  }
0x37: {  	[smem:$0x3FA9] =	sst s10  }
0x38: {  	s10 =	sld [smem:$0x3FAA]  }
0x39: {  	_ = 	snop;
	(pc) =	sbr.ind lr, $3  }
0x3a: {  	_ = 	snop  }
0x3b: {  	_ = 	snop  }
0x3c: {  	p2 =	seq.s32 s10, $0x1;
	s10 =	sld [smem:$0x3FA9]  }
0x3d: {  	_ =	shalt  }
0x3e: {  	_ =	shalt  }
0x3f: {  	_ =	shalt  }
0x40: {  	_ =	shalt  }
0x41: {  	_ =	shalt  }
0x42: {  	_ =	shalt  }
0x43: {  	_ =	shalt  }
0x44: {  	_ =	shalt  }
0x45: {  	_ =	shalt  }
0x46: {  	_ =	shalt  }
0x47: {  	_ =	shalt  }
0x48: {  	_ =	shalt  }
0x49: {  	_ =	shalt  }
0x4a: {  	_ =	shalt  }
0x4b: {  	_ =	shalt  }
0x4c: {  	_ =	shalt  }
0x4d: {  	_ =	shalt  }
0x4e: {  	_ =	shalt  }
0x4f: {  	_ =	shalt  }
0x50: {  	_ =	shalt  }
0x51: {  	_ =	shalt  }
0x52: {  	_ =	shalt  }
0x53: {  	_ =	shalt  }
0x54: {  	_ =	shalt  }
0x55: {  	_ =	shalt  }
0x56: {  	_ =	shalt  }
0x57: {  	_ =	shalt  }
0x58: {  	_ =	shalt  }
0x59: {  	_ =	shalt  }
0x5a: {  	_ =	shalt  }
0x5b: {  	_ =	shalt  }
0x5c: {  	_ =	shalt  }
0x5d: {  	_ =	shalt  }
0x5e: {  	_ =	shalt  }
0x5f: {  	_ =	shalt  }
0x60: {  	_ =	shalt  }
0x61: {  	_ =	shalt  }
0x62: {  	_ =	shalt  }
0x63: {  	_ =	shalt  }
0x64: {  	_ =	shalt  }
0x65: {  	_ =	shalt  }
0x66: {  	_ =	shalt  }
0x67: {  	_ =	shalt  }
0x68: {  	_ =	shalt  }
0x69: {  	_ =	shalt  }
0x6a: {  	_ =	shalt  }
0x6b: {  	_ =	shalt  }
0x6c: {  	_ =	shalt  }
0x6d: {  	_ =	shalt  }
0x6e: {  	_ =	shalt  }
0x6f: {  	_ =	shalt  }
0x70: {  	_ =	shalt  }
0x71: {  	_ =	shalt  }
0x72: {  	_ =	shalt  }
0x73: {  	_ =	shalt  }
0x74: {  	_ =	shalt  }
0x75: {  	_ =	shalt  }
0x76: {  	_ =	shalt  }
0x77: {  	_ =	shalt  }
0x78: {  	_ =	shalt  }
0x79: {  	_ =	shalt  }
0x7a: {  	_ =	shalt  }
0x7b: {  	_ =	shalt  }
0x7c: {  	_ =	shalt  }
0x7d: {  	_ =	shalt  }
0x7e: {  	_ =	shalt  }
0x7f: {  	_ =	shalt  }
0x80: {  	_ =	shalt  }
0x81: {  	_ =	shalt  }
0x82: {  	_ =	shalt  }
0x83: {  	_ =	shalt  }
0x84: {  	_ =	shalt  }
0x85: {  	_ =	shalt  }
0x86: {  	_ =	shalt  }
0x87: {  	_ =	shalt  }
.Lfunc_end0:
.L_simem_size_0:
called_computation_lowered:
.L_overlay_start_0:
0x88: {  	s2 =	sld [smem:$0x3FD9]  }
0x89: {  	s3 =	sld [smem:$0x3FFE];
	_ =	sdelay $0x1  }
0x8a: {  	s1 =	srdreg.scid  }
0x8b: {  	s0 =	sand.u32 $0x1, s1  }
0x8c: {  	s16 =	sshll.u32 s0, $0xA;
	s2 =	sadd.s32 s3, s2  }
0x8d: {  	s2 =	sadd.s32 s2, s16  }
0x8e: {  	[smem:$0x3FB5] =	sst s2  }
0x8f: {  	_ = 	snop  }
0x90: {  	(tm) =	ssettm $0x1  }
0x91: {  	s17 =	sld [smem:$0x3FFB];
	_ =	sdelay $0x3  }
0x92: {  	_ =	strace s17  }
0x93: {  	s2 =	sld [smem:$0x3FFC];
	_ =	sdelay $0x3  }
0x94: {  	_ =	strace s2  }
0x95: {  	s2 =	sld [smem:$0x3FFD];
	_ =	sdelay $0x3  }
0x96: {  	_ =	strace s2  }
0x97: {  	_ =	strace $0x8FFFFFFF  }
0x98: {  	s18 =	sld [smem:$0x3FDB];
	_ =	sdelay $0x1  }
0x99: {  	s19 =	simm.s32 $_scs_section_size  }
0x9a: {  	s4 =	simm.s32 $_size__tile_overlayer_lowered;
	s5 =	simm.s32 $_tile_overlayer_lowered  }
0x9b: {  	s22 =	simm.s32 $0x1BFF;
	s21 =	sshll.u32 s5, $0x1;
	s2 =	sadd.s32 s19, s18  }
0x9c: {  	s6 =	simm.s32 $0x0;
	s20 =	sshll.u32 s4, $0x1;
	s4 =	sadd.s32 s21, s2  }
0x9d: {  	[timem:s6], [sflag:s22] =	dma.local [hbm:s4], s20  }
0x9e: {  	_ =	swait.ge [sflag:s22], s20  }
0x9f: {  	s3 =	ssub.s32 $0x0, s20;
	[sflag:s22] =	ssyncset.done $0x0  }
0xa0: {  	[sflag:s22] =	ssyncadd.s32 s3;
	_ =	sdelay $0x1  }
0xa1: {  	s23 =	simm.s32 $0x1B8B  }
0xa2: {  	_ =	swait.ge [sflag:s23], $0x1  }
0xa3: {  	[sflag:s23] =	ssyncset.done $0x0  }
0xa4: {  	s25 =	simm.s32 $0x1B8E;
	s24 =	sld [smem:$0x3FFE];
	[sflag:s23] =	ssyncadd.s32 $0xFFFFFFFF  }
0xa5: {  	s26 =	simm.s32 $execute0_lowered;
	[smem:$0x3FD2] =	sst s25  }
0xa6: {  	s4 =	sshll.u32 s26, $0x1;
	_ =	strace $0x80000046;
	[dreg:$0x1] =	wrdreg $0xFFFFFFFF  }
0xa7: {  	s28 =	simm.s32 $_size_execute0_lowered;
	s2 =	sadd.s32 s2, s4;
	[dreg:$0x0] =	wrdreg $0x0  }
0xa8: {  	s4 =	sshll.u32 s28, $0x1;
	[dreg:$0x2] =	wrdreg s2  }
0xa9: {  	[dreg:$0x3] =	wrdreg s4  }
0xaa: {  	[dreg:$0x4] =	wrdreg $0xC0  }
0xab: {  	_ =	task [dreg:s6], $0x5FFFF  }
0xac: {  	[dreg:$0x1] =	wrdreg $0xFFFFFFFF  }
0xad: {  	[dreg:$0x0] =	wrdreg $0x60  }
0xae: {  	[dreg:$0x2] =	wrdreg s24  }
0xaf: {  	[dreg:$0x3] =	wrdreg $0xB8000  }
0xb0: {  	[dreg:$0x4] =	wrdreg $0x9  }
0xb1: {  	_ =	task.clear_ibuf [dreg:s6], $0x5FFFF;
	_ =	strace $0x90000046  }
0xb2: {  	s29 =	simm.s32 $0x9;
	_ =	strace $0x80000048  }
0xb3: {  	_ =	swait.ge [sflag:s29], $0x1  }
0xb4: {  	[sflag:s29] =	ssyncadd.s32 $0xFFFFFFFF  }
0xb5: {  	_ =	strace $0x90000048  }
0xb6: {  	_ =	sfence  }
0xb7: {  	s30 =	sld [smem:$0x0];
	_ =	sdelay $0x2  }
0xb8: {  	s31 =	sshll.u32 s1, $0xD;
	s1 =	sshrl.u32 s1, $0x2  }
0xb9: {  	s3 =	sand.u32 $0x4000, s31;
	s1 =	sadd.s32 s1, s30  }
0xba: {  	s0 =	sor.u32 s3, s0;
	s1 =	sshll.u32 s1, $0x11  }
0xbb: {  	s0 =	sor.u32 s1, s0  }
0xbc: {  	s0 =	sadd.s32 $0x8F2B, s0  }
0xbd: {  	[sflag:s0] =	ssyncadd.remote.s32 $0x1  }
0xbe: {  	_ =	sfence.sel $0xFFFF  }
0xbf: {  	[dreg:$0x0] =	wrdreg $0xFFFFFFFF;
	(pc) =	sbr.abs _section_cstart, $3  }
0xc0: {  	[dreg:$0x1] =	wrdreg $0xFFFFFFFF  }
0xc1: {  	_ =	task.clear_ibuf [dreg:s6], $0x2FFFF;
	_ =	strace $0x9FFFFFFF  }
0xc2: {  	(tm) =	ssettm $0x7FFFFFFF  }
0xc3: {  	_ =	shalt  }
tec
execute0_lowered:
.L_overlay_start_1:
0x0: {  	(tag) =	ssettag $0x1  }
0x1: {  	s0 =	rddreg [dreg:$0x0]  }
0x2: {  	s1 =	rddreg [dreg:$0x1];
	s2 =	simm.s32 $0x0  }
0x3: {  	s4 =	srdreg.scid;
	s21 =	stileid.u32;
	s29 =	simm.s32 $0x1  }
0x4: {  	s30 =	simm.s32 $0x0;
	s8 =	smul.u32 $0x19000, s21;
	s12 =	sor.u32 $0x10, s21  }
0x5: {  	[smem:$0x7FF] =	sst s2;
	s15 =	sor.u32 $0x20, s21;
	s10 =	smul.u32 $0x19000, s12  }
0x6: {  	s3 =	sadd.s32 $0x2B000, s0;
	s16 =	sor.u32 $0x30, s21;
	s13 =	smul.u32 $0x19000, s15  }
0x7: {  	s5 =	sadd.s32 $0x3000, s0;
	s4 =	sand.u32 $0x1, s4;
	s14 =	smul.u32 $0x19000, s16  }
0x8: {  	s7 =	ssub.s32 $0x2, s4;
	s11 =	sshll.u32 s4, $0x4;
	s4 =	smul.u32 $0x138800, s4  }
0x9: {  	s6 =	sadd.s32 $0x17000, s0;
	s0 =	sadd.s32 $0x52200, s0;
	s12 =	smul.u32 $0x6400, s12  }
0xa: {  	p0 =	sgt.u32 s21, $0x1;
	_ =	strace $0x80000047;
	s28 =	smul.u32 $0x6400, s16  }
0xb: {  	s9 =	sshrl.u32 s7, $0x1;
	s11 =	sor.u32 s21, s11;
	s8 =	sshrl.u32 s8, $0x2  }
0xc: {  	s20 =	ssub.s32 s7, s9;
	s10 =	sshrl.u32 s10, $0x2;
	s7 =	smul.u32 $0x5, s11  }
0xd: {  	s8 =	sadd.s32 s8, s1;
	s17 =	smul.u32 $0xA00, s11;
	s13 =	sshrl.u32 s13, $0x2  }
0xe: {  	s18 =	sshrl.u32 s14, $0x2;
	s19 =	smul.u32 $0x5000, s11;
	s12 =	sadd.s32 s4, s12  }
0xf: {  	s9 =	sadd.s32 s10, s1;
	s10 =	sadd.s32 s13, s1;
	s11 =	sadd.s32 s18, s1  }
0x10: {  	s18 =	smul.u32 $0x6400, s21;
	s12 =	sshrl.u32 s12, $0x3;
	s20 =	smax.u32 s20, $0x1  }
0x11: {  	s21 =	simm.s32 $0x4000;
	s22 =	sadd.s32 s5, s17;
	s14 =	sshrl.u32 s19, $0x3  }
0x12: {  	s23 =	sadd.s32 s6, s17;
	s19 =	smul.u32 $0x6400, s15;
	[dreg:$0x3] =	wrdreg s22  }
0x13: {  	s17 =	sadd.s32 s0, s12;
	[dreg:$0x4] =	wrdreg s23;
	s24 =	sadd.s32 $0x200, s14  }
.Ltmp0:
0x14: {  	s18 =	sadd.s32 s18, s4;
	s22 =	simm.s32 $0x3;
	(pc) =	sbr.rel .LBB2_1-.Ltmp0, $4  }
0x15: {  	s25 =	sadd.s32 s5, s24;
	s15 =	sadd.s32 s6, s24;
	s26 =	sshrl.u32 s18, $0x3  }
0x16: {  	s31 =	sadd.s32 s4, s19;
	s4 =	sadd.s32 s4, s28;
	[dreg:$0x5] =	wrdreg s25  }
0x17: {  	s16 =	sadd.s32 s0, s26;
	s19 =	sshrl.u32 s31, $0x3;
	s4 =	sshrl.u32 s4, $0x3  }
0x18: {  	v0 =	vimm.f32 $0.0e+00;
	s25 =	simm.s32 $0x50;
	s18 =	sadd.s32 s0, s19;
	s19 =	sadd.s32 s0, s4  }
.LBB2_9:
0x19: {  	s0 =	stileid.u32  }
0x1a: {  	s0 =	sshll.u32 s0, $0x6  }
0x1b: {  	[bflag:$0x0] =	sbarrier.arrive $0xFFFF;
	s4 =	sshrl.u32 s8, $0x3;
	s0 =	sor.u32 $0x1C03, s0  }
0x1c: {  	[hbm:s16], [sflag:s0] =	dma.local [spmem:s4], $0xC80  }
0x1d: {  	s28 =	sshrl.u32 s9, $0x3;
	s31 =	sshrl.u32 s10, $0x3;
	s4 =	sshrl.u32 @!p0 s11, $0x3  }
0x1e: {  	[hbm:s17], [sflag:s0] =	dma.local [spmem:s28], $0xC80  }
0x1f: {  	[hbm:s18], [sflag:s0] =	dma.local [spmem:s31], $0xC80  }
0x20: {  	[hbm:s19], [sflag:s0] =	dma.local @!p0 [spmem:s4], $0xC80  }
0x21: {  	s0 =	simm.s32 @!p0 $0x3  }
0x22: {  	_ =	swait.ge @!p0 [sflag:s0], $0xC80  }
0x23: {  	[sflag:s0] =	ssyncset.done @!p0 $0x0  }
0x24: {  	[sflag:s0] =	ssyncadd.s32 @!p0 $0xFFFFF380  }
0x25: {  	_ =	swait.ge [sflag:s22], $0xC80  }
0x26: {  	[sflag:s22] =	ssyncset.done $0x0  }
0x27: {  	s30 =	sadd.s32 $0x1, s30;
	[sflag:s22] =	ssyncadd.s32 $0xFFFFF380  }
0x28: {  	p1 =	sne.s32 s30, s20;
	_ =	swait.ge [sflag:s22], $0xC80  }
.Ltmp1:
0x29: {  	[sflag:s22] =	ssyncset.done $0x0;
	(pc) =	sbr.rel @!p1 .LBB2_10-.Ltmp1, $4  }
0x2a: {  	[sflag:s22] =	ssyncadd.s32 $0xFFFFF380  }
0x2b: {  	_ =	swait.ge [sflag:s22], $0xC80  }
0x2c: {  	[sflag:s22] =	ssyncset.done $0x0  }
0x2d: {  	[sflag:s22] =	ssyncadd.s32 $0xFFFFF380  }
.LBB2_1:
0x2e: {  	s0 =	sand.u32 $0x1FE00, s2  }
0x2f: {  	s4 =	sand.u32 $0x70, s2;
	s12 =	sshrl.u32 s0, $0x2  }
0x30: {  	s0 =	simm.s32 $0x40;
	s12 =	sor.u32 s4, s12;
	s4 =	simm.s32 $0x0  }
.LBB2_2:
0x31: {  	p1 =	sne.s32 s0, $0x18FC0  }
0x32: {  	[tilespmem:s12+$0x4000] =	vst v0;
	s4 =	sadd.s32 $0x10, s4;
	s12 =	smov.u32 s0;
	s0 =	sadd.s32 $0x40, s0  }
.Ltmp2:
0x33: {  	(pc) =	sbr.rel @p1 .LBB2_2-.Ltmp2, $4  }
0x34: {  	_ = 	snop  }
0x35: {  	s12 =	sand.u32 $0x1FE00, s12  }
0x36: {  	s23 =	sand.u32 $0x70, s4;
	s12 =	sshrl.u32 s12, $0x2  }
0x37: {  	s12 =	sor.u32 s23, s12  }
0x38: {  	[tilespmem:s12+$0x4000] =	vst v0  }
0x39: {  	[spmem:s8] =	stream.linear.scatter [tilespmem:s21], [sflag:$0x3], $0x6400, $0x38;
	[tilespmem:$0x1F080] =	vst v63  }
0x3a: {  	_ = 	snop  }
0x3b: {  	[spmem:s9] =	stream.linear.scatter [tilespmem:s21], [sflag:$0x3], $0x6400, $0x38;
	[tilespmem:$0x1F080] =	vst v63  }
0x3c: {  	_ = 	snop  }
0x3d: {  	[spmem:s10] =	stream.linear.scatter [tilespmem:s21], [sflag:$0x3], $0x6400, $0x38;
	[tilespmem:$0x1F080] =	vst v63  }
0x3e: {  	s0 =	simm.s32 @!p0 $0x4000  }
0x3f: {  	[spmem:s11] =	stream.linear.scatter @!p0 [tilespmem:s0], [sflag:$0x3], $0x6400, $0x38;
	[tilespmem:$0x1F080] =	vst v63  }
0x40: {  	s0 =	simm.s32 @!p0 $0x3  }
0x41: {  	_ =	swait.ge @!p0 [sflag:s0], $0x6400  }
0x42: {  	[sflag:s0] =	ssyncset.done @!p0 $0x0  }
0x43: {  	[sflag:s0] =	ssyncadd.s32 @!p0 $0xFFFF9C00  }
0x44: {  	_ =	swait.ge [sflag:s22], $0x6400  }
0x45: {  	[sflag:s22] =	ssyncset.done $0x0  }
0x46: {  	[sflag:s22] =	ssyncadd.s32 $0xFFFF9C00  }
0x47: {  	_ =	swait.ge [sflag:s22], $0x6400  }
0x48: {  	[sflag:s22] =	ssyncset.done $0x0  }
0x49: {  	[sflag:s22] =	ssyncadd.s32 $0xFFFF9C00  }
0x4a: {  	_ =	swait.ge [sflag:s22], $0x6400  }
0x4b: {  	[sflag:s22] =	ssyncset.done $0x0  }
0x4c: {  	[sflag:s22] =	ssyncadd.s32 $0xFFFF9C00  }
0x4d: {  	[bflag:$0x0] =	sbarrier.arrive $0xFFFF  }
0x4e: {  	s31 =	simm.s32 $0x0;
	s13 =	rddreg [dreg:$0x3]  }
0x4f: {  	[tilespmem:s31], [sflag:$0x3] =	stream.linear.gather [hbm4b:s13+s31], $0x1000, $0x38;
	[tilespmem:$0x1F080] =	vst v63  }
0x50: {  	_ =	swait.ge [sflag:s22], $0x1000  }
0x51: {  	[sflag:s22] =	ssyncset.done $0x0  }
0x52: {  	s0 =	simm.s32 $0x2000;
	s4 =	rddreg [dreg:$0x4];
	[sflag:s22] =	ssyncadd.s32 $0xFFFFF000  }
0x53: {  	[tilespmem:s0], [sflag:$0x3] =	stream.linear.gather [hbm4b:s4+s31], $0x1000, $0x38;
	[tilespmem:$0x1F080] =	vst v63  }
0x54: {  	_ =	swait.ge [sflag:s22], $0x1000  }
0x55: {  	[sflag:s22] =	ssyncset.done $0x0  }
0x56: {  	s23 =	simm.s32 $0x1000;
	s14 =	rddreg [dreg:$0x5];
	[sflag:s22] =	ssyncadd.s32 $0xFFFFF000  }
0x57: {  	[tilespmem:s23], [sflag:$0x3] =	stream.linear.gather [hbm4b:s14+s31], $0x1000, $0x38;
	[tilespmem:$0x1F080] =	vst v63  }
0x58: {  	s24 =	simm.s32 $0x3000  }
0x59: {  	[tilespmem:s24], [sflag:$0x3] =	stream.linear.gather [hbm4b:s15+s31], $0x1000, $0x38;
	[tilespmem:$0x1F080] =	vst v63  }
.Ltmp3:
0x5a: {  	_ = 	snop;
	(pc) =	sbr.rel .LBB2_4-.Ltmp3, $4  }
0x5b: {  	s26 =	simm.s32 $0x80;
	s28 =	simm.s32 $0x6800  }
0x5c: {  	[tilespmem:s21], [sflag:$0x1] =	stream.indirect.gather [hbm4b:s3+s25], $0x80, s31, s25, $0xb8;
	[tilespmem:$0x1F080] =	vst v63  }
0x5d: {  	s4 =	simm.s32 $0xFFFFFFE6;
	s23 =	simm.s32 $0x100;
	s24 =	simm.s32 $0x2  }
0x5e: {  	[tilespmem:s28], [sflag:$0x1] =	stream.indirect.gather [hbm4b:s3+s25], $0x80, s26, s25, $0xb8;
	[tilespmem:$0x1F080] =	vst v63  }
.LBB2_5:
0x5f: {  	s12 =	sadd.s32 $0x1, s12  }
0x60: {  	s13 =	sadd.s32 s12, s7  }
0x61: {  	s12 =	sshll.u32 s12, $0xC;
	s13 =	sshll.u32 s13, $0x9  }
0x62: {  	s12 =	sand.u32 $0x1000, s12;
	s14 =	sadd.s32 s5, s13  }
0x63: {  	[tilespmem:s12], [sflag:$0x3] =	stream.linear.gather [hbm4b:s14+s2], $0x1000, $0x38;
	[tilespmem:$0x1F080] =	vst v63  }
0x64: {  	s13 =	sadd.s32 s6, s13;
	s12 =	sor.u32 $0x2000, s12  }
0x65: {  	[tilespmem:s12], [sflag:$0x3] =	stream.linear.gather [hbm4b:s13+s2], $0x1000, $0x38;
	[tilespmem:$0x1F080] =	vst v63  }
.LBB2_7:
0x66: {  	s12 =	smul.u32 $0xAB, s28;
	_ =	sdelay $0x1  }
0x67: {  	s12 =	sshrl.u32 s12, $0x9  }
0x68: {  	s13 =	smulhi.u32 $0x51EB851F, s31;
	s12 =	sand.u32 $0x7F, s12  }
0x69: {  	s12 =	smul.u32 $0x3, s12;
	_ =	sdelay $0x1  }
0x6a: {  	s14 =	sshrl.u32 s13, $0x3;
	s12 =	ssub.s32 s28, s12  }
0x6b: {  	s13 =	sshll.u32 s13, $0xB;
	s14 =	smul.u32 $0x3200, s14;
	s12 =	sand.u32 $0xFF, s12  }
0x6c: {  	s13 =	sand.u32 $0x4000, s13;
	s12 =	smul.u32 $0xA000, s12  }
0x6d: {  	_ =	swait.ge [sflag:s29], $0x2800;
	s13 =	ssub.s32 s13, s14  }
0x6e: {  	[sflag:s29] =	ssyncset.done $0x0;
	s13 =	sshra.s32 s13, $0x2;
	s12 =	sshrl.u32 s12, $0x2  }
0x6f: {  	[sflag:s29] =	ssyncadd.s32 $0xFFFFD800;
	s13 =	sadd.s32 s13, s0;
	s12 =	sadd.s32 $0x4000, s12  }
0x70: {  	[spmem:s1] =	stream.indirect.scatter.add.f32 [tilespmem:s12], [sflag:$0x2], $0x80, s13, s25, $0xb8;
	[tilespmem:$0x1F080] =	vst v63  }
.LBB2_8:
0x71: {  	s12 =	smul.u32 @!p1 $0xAB, s26;
	_ =	sdelay $0x1  }
0x72: {  	s12 =	sshrl.u32 @!p1 s12, $0x9  }
0x73: {  	s13 =	smulhi.u32 $0x51EB851F, s24;
	s12 =	sand.u32 @!p1 $0x7F, s12  }
0x74: {  	p2 =	seq.s32 s28, $0x0;
	s12 =	smul.u32 @!p1 $0x3, s12  }
0x75: {  	p3 =	seq.s32 @!p2 s28, $0x7E;
	s14 =	sshrl.u32 s13, $0x3  }
0x76: {  	s13 =	sshll.u32 s13, $0xB;
	s14 =	smul.u32 $0x3200, s14;
	s12 =	ssub.s32 @!p1 s26, s12  }
0x77: {  	p2 =	por p3, p2;
	s13 =	sand.u32 $0x4000, s13;
	s12 =	sand.u32 @!p1 $0xFF, s12  }
0x78: {  	s13 =	ssub.s32 s13, s14;
	s14 =	simm.s32 @!p2 $0x2;
	s12 =	smul.u32 @!p1 $0xA000, s12  }
0x79: {  	s4 =	sadd.s32 $0x1, s4;
	s13 =	sshra.s32 s13, $0x2;
	_ =	swait.ge @!p2 [sflag:s14], $0x2800  }
0x7a: {  	s13 =	sadd.s32 s13, s23;
	[sflag:s14] =	ssyncset.done @!p2 $0x0;
	s12 =	sshrl.u32 @!p1 s12, $0x2  }
0x7b: {  	[sflag:s14] =	ssyncadd.s32 @!p2 $0xFFFFD800;
	s14 =	simm.s32 @!p1 $0x50;
	s12 =	sadd.s32 @!p1 $0x4000, s12  }
0x7c: {  	[tilespmem:s12], [sflag:$0x1] =	stream.indirect.gather @!p1 [hbm4b:s3+s14], $0x80, s13, s14, $0xb8;
	[tilespmem:$0x1F080] =	vst v63  }
0x7d: {  	p1 =	sne.s32 s4, $0x65  }
.Ltmp4:
0x7e: {  	_ = 	snop;
	(pc) =	sbr.rel @!p1 .LBB2_9-.Ltmp4, $3  }
0x7f: {  	_ =	sdelay $0x1  }
0x80: {  	s31 =	sadd.s32 $0x1, s31  }
0x81: {  	s24 =	sadd.s32 $0x1, s24;
	s0 =	sadd.s32 $0x80, s0;
	s23 =	sadd.s32 $0x80, s23  }
.LBB2_4:
0x82: {  	s26 =	sadd.s32 $0x1C, s4  }
0x83: {  	s12 =	smul.u32 $0x29, s26;
	_ =	sdelay $0x1  }
0x84: {  	s12 =	sshrl.u32 s12, $0xA  }
0x85: {  	s12 =	sand.u32 $0x3F, s12  }
0x86: {  	s28 =	sadd.s32 $0x1A, s4;
	s12 =	smul.u32 $0x19, s12  }
0x87: {  	s13 =	smul.u32 $0x29, s28  }
0x88: {  	p1 =	sgt.u32 s28, $0x7A;
	s12 =	ssub.s32 s26, s12  }
0x89: {  	s14 =	sshrl.u32 s13, $0xA;
	s12 =	sand.u32 @!p1 $0xFF, s12  }
0x8a: {  	p2 =	sne.s32 @!p1 s12, $0x0;
	s12 =	sand.u32 $0x3F, s14  }
0x8b: {  	s14 =	smul.u32 $0x19, s12;
	_ =	sdelay $0x1  }
0x8c: {  	p3 =	sgt.u32 s4, $0x49;
	s14 =	ssub.s32 s28, s14  }
0x8d: {  	p2 =	por p2, p1;
	s14 =	sand.u32 @!p3 $0xFF, s14  }
0x8e: {  	s13 =	simm.s32 @!p2 $0x3;
	p4 =	sne.s32 @!p3 s14, $0x2  }
0x8f: {  	_ =	swait.ge @!p2 [sflag:s13], $0x1000;
	p3 =	por p3, p4  }
.Ltmp5:
0x90: {  	[sflag:s13] =	ssyncset.done @!p2 $0x0;
	(pc) =	sbr.rel @!p3 .LBB2_5-.Ltmp5, $4  }
0x91: {  	[sflag:s13] =	ssyncadd.s32 @!p2 $0xFFFFF000  }
0x92: {  	_ =	swait.ge @!p2 [sflag:s13], $0x1000  }
0x93: {  	[sflag:s13] =	ssyncset.done @!p2 $0x0  }
0x94: {  	[sflag:s13] =	ssyncadd.s32 @!p2 $0xFFFFF000  }
0x95: {  	p2 =	sgt.u32 s28, $0x7C  }
.Ltmp6:
0x96: {  	_ = 	snop;
	(pc) =	sbr.rel @p2 .LBB2_8-.Ltmp6, $4  }
.Ltmp7:
0x97: {  	_ = 	snop;
	(pc) =	sbr.rel @!p2 .LBB2_7-.Ltmp7, $4  }
0x98: {  	_ = 	snop  }
0x99: {  	_ = 	snop  }
0x9a: {  	_ = 	snop  }
0x9b: {  	_ = 	snop  }
.LBB2_10:
0x9c: {  	_ =	sfence.sel $0x180000  }
0x9d: {  	[bflag:$0x0] =	sbarrier.arrive $0xFFFF  }
0x9e: {  	_ =	strace $0x90000047  }
0x9f: {  	s0 =	stileid.u32;
	[bflag:$0x2] =	sbarrier.arrive $0xFFFF  }
0xa0: {  	p0 =	sne.s32 s0, $0x0;
	s0 =	rddreg [dreg:$0x2]  }
0xa1: {  	s0 =	sadd.s32 @!p0 $0x100000, s0  }
0xa2: {  	[sflag:s0] =	ssyncadd.tile.s32 @!p0 $0x1;
	_ =	shalt  }
.Lfunc_end2:
_tile_overlayer_lowered:
.L_overlay_start_2:
0xa3: {  	(tag) =	ssettag $0x2  }
0xa4: {  	s0 =	rddreg [dreg:$0x0];
	s2 =	stileid.u32  }
0xa5: {  	s1 =	rddreg [dreg:$0x1];
	p0 =	sne.s32 s2, $0x0  }
0xa6: {  	s3 =	rddreg [dreg:$0x2];
	[bflag:$0x3] =	sbarrier.arrive $0xFFFF;
	s2 =	simm.s32 @!p0 $0x1C04  }
0xa7: {  	[timem:s3], [sflag:s2] =	dma.local @!p0 [hbm:s0], s1  }
0xa8: {  	s0 =	simm.s32 @!p0 $0x4  }
0xa9: {  	_ =	swait.ge @!p0 [sflag:s0], s1  }
0xaa: {  	s1 =	ssub.s32 @!p0 $0x0, s1;
	[sflag:s0] =	ssyncset.done @!p0 $0x0  }
0xab: {  	[sflag:s0] =	ssyncadd.s32 @!p0 s1  }
0xac: {  	[bflag:$0x3] =	sbarrier.arrive $0xFFFF  }
0xad: {  	_ =	shalt  }

</sc_bundles>
